<compile_context>
chip_gen: v7x
topology: tpu7x:2x2x1
jax: 0.10.2.dev20260603
libtpu: 0.0.44.dev20260713+nightly
codegen_flags: <defaults>
</compile_context>

<pallas_src>
import functools

import jax
import jax.numpy as jnp
from jax import lax
from jax.experimental import pallas as pl
from jax.experimental.pallas import tpu as pltpu
from jax.experimental.pallas import tpu_sc as plsc

_NC = 2
_NS = 16
_NW = _NC * _NS
_LANE = 16


@functools.lru_cache(maxsize=None)
def _make_gather(b: int, l: int, v: int, d: int):
    nvb = d // 8
    nk = 1024 // 128
    nlast = nvb - 16 * (nk - 1)
    bb = b // _NW
    n_units = l * nk
    mesh = plsc.VectorSubcoreMesh(core_axis_name="c", subcore_axis_name="s")

    @functools.partial(
        pl.kernel,
        mesh=mesh,
        out_type=jax.ShapeDtypeStruct((l, nvb, _NW, 1024), jnp.float32),
        scratch_types=[
            pltpu.VMEM((l, bb), jnp.int32),
            pltpu.VMEM((bb,), jnp.int32),
            pltpu.VMEM((bb,), jnp.int32),
            pltpu.VMEM((bb,), jnp.int32),
            pltpu.VMEM((bb,), jnp.int32),
            pltpu.VMEM((bb, 128), jnp.float32),
            pltpu.VMEM((bb, 128), jnp.float32),
            pltpu.VMEM((bb, 128), jnp.float32),
            pltpu.VMEM((bb, 128), jnp.float32),
            pltpu.VMEM((16, 1024), jnp.float32),
            pltpu.VMEM((16, 1024), jnp.float32),
            pltpu.SemaphoreType.DMA,
            pltpu.SemaphoreType.DMA,
            pltpu.SemaphoreType.DMA,
            pltpu.SemaphoreType.DMA,
            pltpu.SemaphoreType.DMA,
            pltpu.SemaphoreType.DMA,
        ],
        compiler_params=pltpu.CompilerParams(
            use_tc_tiling_on_sc=False, needs_layout_passes=False
        ),
    )
    def gather_kernel(tableb_hbm, idx_hbm, out_hbm,
                      idx_v, i0, i1, i2, i3, g0, g1, g2, g3, t0, t1,
                      gs0, gs1, gs2, gs3, ss0, ss1):
        w = lax.axis_index("s") * _NC + lax.axis_index("c")
        irefs = (i0, i1, i2, i3)
        grefs = (g0, g1, g2, g3)
        gsems = (gs0, gs1, gs2, gs3)
        trefs = (t0, t1)
        ssems = (ss0, ss1)
        iot = lax.iota(jnp.int32, _LANE)
        ttvecs = [2 * mm + (iot >> 3) for mm in range(8)]
        cb = (iot & 7) << 7

        pltpu.sync_copy(idx_hbm.at[w], idx_v)

        def prep_and_fire(u, q):
            li = u // nk
            k = u % nk
            shift = k * v
            for jj in range(8):
                irefs[q][pl.ds(16 * jj, 16)] = (
                    idx_v[li, pl.ds(16 * jj, 16)] + shift
                )
            pltpu.async_copy(tableb_hbm.at[irefs[q]], grefs[q], gsems[q])

        for q in range(4):
            prep_and_fire(q, q)

        def wait_store(t, ss, k2):
            @pl.when(k2 < nk - 1)
            def _():
                pltpu.make_async_copy(
                    t, out_hbm.at[0, pl.ds(0, 16), 0], ss
                ).wait()

            @pl.when(k2 == nk - 1)
            def _():
                pltpu.make_async_copy(
                    t.at[pl.ds(0, nlast)],
                    out_hbm.at[0, pl.ds(0, nlast), 0],
                    ss,
                ).wait()

        def unit(u, q):
            li = u // nk
            k = u % nk
            g, gs = grefs[q], gsems[q]
            t, ss = trefs[q % 2], ssems[q % 2]
            pltpu.make_async_copy(tableb_hbm.at[irefs[q]], g, gs).wait()

            @pl.when(u >= 2)
            def _():
                wait_store(t, ss, (u - 2) % nk)

            @plsc.parallel_loop(0, 128, unroll=2)
            def trans_row(j):
                jsplat = jnp.full((_LANE,), 0, jnp.int32) + j
                col = cb + jsplat
                for mm in range(8):
                    vals = g[j, pl.ds(16 * mm, 16)]
                    plsc.store_scatter(t, [ttvecs[mm], col], vals)

            @pl.when(k < nk - 1)
            def _():
                pltpu.async_copy(t, out_hbm.at[li, pl.ds(16 * k, 16), w], ss)

            @pl.when(k == nk - 1)
            def _():
                pltpu.async_copy(
                    t.at[pl.ds(0, nlast)],
                    out_hbm.at[li, pl.ds(16 * (nk - 1), nlast), w],
                    ss,
                )

            @pl.when(u + 4 < n_units)
            def _():
                prep_and_fire(u + 4, q)

        def body(p, carry):
            for q in range(4):
                unit(4 * p + q, q)
            return carry

        lax.fori_loop(0, n_units // 4, body, 0)

        wait_store(trefs[0], ssems[0], jnp.int32((n_units - 2) % nk))
        wait_store(trefs[1], ssems[1], jnp.int32((n_units - 1) % nk))

    return gather_kernel


def kernel(x, prob_table):
    b, l = x.shape
    v, d = prob_table.shape
    nvb = d // 8
    table_pad = jnp.pad(prob_table, ((0, 0), (0, 1024 - d)))
    tableb = table_pad.reshape(v, 8, 128).transpose(1, 0, 2).reshape(8 * v, 128)
    idx = x.reshape(_NW, b // _NW, l).transpose(0, 2, 1).astype(jnp.int32)
    out4 = _make_gather(b, l, v, d)(tableb, idx)
    out5 = out4.reshape(l, nvb, _NW, 8, 128)
    return out5.transpose((2, 4, 0, 1, 3)).reshape(b, l, d)

# --- scband reference (transcript-rebuilt; emitter-appended) ---
"""Pipeline reference for scband-ngram-42030549958696 (READ-ONLY COPY).

The authoritative reference and input builder live on the scoring server;
editing this copy changes nothing except your own understanding.
"""

import jax, jax.numpy as jnp
import numpy as np

VOCAB = 1000
BATCH = 4096
HIST = 20

def setup_inputs(seed: int = 0) -> dict:
    key = jax.random.key(seed)
    k1, k2 = jax.random.split(key)
    x = jax.random.randint(k1, (BATCH, HIST), 0, VOCAB, dtype=jnp.int64 if jax.config.read('jax_enable_x64') else jnp.int32)
    prob_table = jax.random.normal(k2, (VOCAB, VOCAB), dtype=jnp.float32)
    return {"x": x, "prob_table": prob_table}

def reference(x, prob_table):
    # nn.Embedding lookup: prob(x) -> [B, L, vocab]
    return jnp.take(prob_table, x, axis=0)

if __name__ == "__main__":
    import jax
    _d = setup_inputs()
    print(jax.jit(kernel)(*tuple(_d.values())))

</pallas_src>

<mosaic_0001>
#map = affine_map<(d0, d1) -> (0, 0)>
#map1 = affine_map<(d0, d1) -> (0, 0, 0)>
#map2 = affine_map<(d0, d1) -> (0, 0, 0, 0)>
module attributes {stable_mosaic.version = 14 : i64} {
  func.func @gather_kernel(%arg0: i32, %arg1: i32, %arg2: memref<8000x128xf32, #tpu.memory_space<hbm>>, %arg3: memref<32x20x128xi32, #tpu.memory_space<hbm>>, %arg4: memref<20x125x32x1024xf32, #tpu.memory_space<hbm>>, %arg5: memref<20x128xi32, #tpu.memory_space<vmem>>, %arg6: memref<128xi32, #tpu.memory_space<vmem>>, %arg7: memref<128xi32, #tpu.memory_space<vmem>>, %arg8: memref<128xi32, #tpu.memory_space<vmem>>, %arg9: memref<128xi32, #tpu.memory_space<vmem>>, %arg10: memref<128x128xf32, #tpu.memory_space<vmem>>, %arg11: memref<128x128xf32, #tpu.memory_space<vmem>>, %arg12: memref<128x128xf32, #tpu.memory_space<vmem>>, %arg13: memref<128x128xf32, #tpu.memory_space<vmem>>, %arg14: memref<16x1024xf32, #tpu.memory_space<vmem>>, %arg15: memref<16x1024xf32, #tpu.memory_space<vmem>>, %arg16: memref<!tpu.dma_semaphore, #tpu.memory_space<semaphore_mem>>, %arg17: memref<!tpu.dma_semaphore, #tpu.memory_space<semaphore_mem>>, %arg18: memref<!tpu.dma_semaphore, #tpu.memory_space<semaphore_mem>>, %arg19: memref<!tpu.dma_semaphore, #tpu.memory_space<semaphore_mem>>, %arg20: memref<!tpu.dma_semaphore, #tpu.memory_space<semaphore_mem>>, %arg21: memref<!tpu.dma_semaphore, #tpu.memory_space<semaphore_mem>>) attributes {dimension_semantics = [#tpu.dimension_semantics<core_parallel>, #tpu.dimension_semantics<subcore_parallel>], iteration_bounds = array<i64: 2, 16>, scalar_prefetch = 0 : i64, scratch_operands = 17 : i64, tpu.core_type = #tpu.core_type<sc_vector_subcore>, window_params = [{transform_indices = #map}, {transform_indices = #map1}, {transform_indices = #map2}]} {
    %mul3A = arith.constant 2 : i32
    %mul3A_0 = arith.muli %arg1, %mul3A : i32
    %add3A = arith.addi %mul3A_0, %arg0 : i32
    %iota3A = tpu.iota {dimensions = array<i32: 0>} : vector<16xi32>
    %shift_right_arithmetic3A = arith.constant 3 : i32
    %shift_right_arithmetic3A_1 = vector.broadcast %shift_right_arithmetic3A : i32 to vector<16xi32>
    %shift_right_arithmetic3A_2 = arith.shrsi %iota3A, %shift_right_arithmetic3A_1 : vector<16xi32>
    %add3A_3 = arith.constant 0 : i32
    %add3A_4 = vector.broadcast %add3A_3 : i32 to vector<16xi32>
    %add3A_5 = arith.addi %add3A_4, %shift_right_arithmetic3A_2 : vector<16xi32>
    %shift_right_arithmetic3A_6 = arith.constant 3 : i32
    %shift_right_arithmetic3A_7 = vector.broadcast %shift_right_arithmetic3A_6 : i32 to vector<16xi32>
    %shift_right_arithmetic3A_8 = arith.shrsi %iota3A, %shift_right_arithmetic3A_7 : vector<16xi32>
    %add3A_9 = arith.constant 2 : i32
    %add3A_10 = vector.broadcast %add3A_9 : i32 to vector<16xi32>
    %add3A_11 = arith.addi %add3A_10, %shift_right_arithmetic3A_8 : vector<16xi32>
    %shift_right_arithmetic3A_12 = arith.constant 3 : i32
    %shift_right_arithmetic3A_13 = vector.broadcast %shift_right_arithmetic3A_12 : i32 to vector<16xi32>
    %shift_right_arithmetic3A_14 = arith.shrsi %iota3A, %shift_right_arithmetic3A_13 : vector<16xi32>
    %add3A_15 = arith.constant 4 : i32
    %add3A_16 = vector.broadcast %add3A_15 : i32 to vector<16xi32>
    %add3A_17 = arith.addi %add3A_16, %shift_right_arithmetic3A_14 : vector<16xi32>
    %shift_right_arithmetic3A_18 = arith.constant 3 : i32
    %shift_right_arithmetic3A_19 = vector.broadcast %shift_right_arithmetic3A_18 : i32 to vector<16xi32>
    %shift_right_arithmetic3A_20 = arith.shrsi %iota3A, %shift_right_arithmetic3A_19 : vector<16xi32>
    %add3A_21 = arith.constant 6 : i32
    %add3A_22 = vector.broadcast %add3A_21 : i32 to vector<16xi32>
    %add3A_23 = arith.addi %add3A_22, %shift_right_arithmetic3A_20 : vector<16xi32>
    %shift_right_arithmetic3A_24 = arith.constant 3 : i32
    %shift_right_arithmetic3A_25 = vector.broadcast %shift_right_arithmetic3A_24 : i32 to vector<16xi32>
    %shift_right_arithmetic3A_26 = arith.shrsi %iota3A, %shift_right_arithmetic3A_25 : vector<16xi32>
    %add3A_27 = arith.constant 8 : i32
    %add3A_28 = vector.broadcast %add3A_27 : i32 to vector<16xi32>
    %add3A_29 = arith.addi %add3A_28, %shift_right_arithmetic3A_26 : vector<16xi32>
    %shift_right_arithmetic3A_30 = arith.constant 3 : i32
    %shift_right_arithmetic3A_31 = vector.broadcast %shift_right_arithmetic3A_30 : i32 to vector<16xi32>
    %shift_right_arithmetic3A_32 = arith.shrsi %iota3A, %shift_right_arithmetic3A_31 : vector<16xi32>
    %add3A_33 = arith.constant 10 : i32
    %add3A_34 = vector.broadcast %add3A_33 : i32 to vector<16xi32>
    %add3A_35 = arith.addi %add3A_34, %shift_right_arithmetic3A_32 : vector<16xi32>
    %shift_right_arithmetic3A_36 = arith.constant 3 : i32
    %shift_right_arithmetic3A_37 = vector.broadcast %shift_right_arithmetic3A_36 : i32 to vector<16xi32>
    %shift_right_arithmetic3A_38 = arith.shrsi %iota3A, %shift_right_arithmetic3A_37 : vector<16xi32>
    %add3A_39 = arith.constant 12 : i32
    %add3A_40 = vector.broadcast %add3A_39 : i32 to vector<16xi32>
    %add3A_41 = arith.addi %add3A_40, %shift_right_arithmetic3A_38 : vector<16xi32>
    %shift_right_arithmetic3A_42 = arith.constant 3 : i32
    %shift_right_arithmetic3A_43 = vector.broadcast %shift_right_arithmetic3A_42 : i32 to vector<16xi32>
    %shift_right_arithmetic3A_44 = arith.shrsi %iota3A, %shift_right_arithmetic3A_43 : vector<16xi32>
    %add3A_45 = arith.constant 14 : i32
    %add3A_46 = vector.broadcast %add3A_45 : i32 to vector<16xi32>
    %add3A_47 = arith.addi %add3A_46, %shift_right_arithmetic3A_44 : vector<16xi32>
    %and3A = arith.constant 7 : i32
    %and3A_48 = vector.broadcast %and3A : i32 to vector<16xi32>
    %and3A_49 = arith.andi %iota3A, %and3A_48 : vector<16xi32>
    %shift_left3A = arith.constant 7 : i32
    %shift_left3A_50 = vector.broadcast %shift_left3A : i32 to vector<16xi32>
    %shift_left3A_51 = arith.shli %and3A_49, %shift_left3A_50 : vector<16xi32>
    "tpu.region"() ({
      %run_scoped3A = tpu.sem_alloc : memref<!tpu.dma_semaphore, #tpu.memory_space<semaphore_mem>>
      %dma_start3A_374 = arith.constant 0 : i32
      %dma_start3A_375 = arith.constant 0 : i32
      %dma_start3A_376 = tpu.memref_slice %arg3[%add3A, %dma_start3A_374, %dma_start3A_375] : memref<32x20x128xi32, #tpu.memory_space<hbm>> -> memref<1x20x128xi32, #tpu.memory_space<hbm>>
      %dma_start3A_377 = tpu.memref_squeeze %dma_start3A_376 : memref<1x20x128xi32, #tpu.memory_space<hbm>> -> memref<20x128xi32, #tpu.memory_space<hbm>>
      %dma_start3A_378 = arith.constant 0 : i32
      %dma_start3A_379 = arith.constant 0 : i32
      %dma_start3A_380 = tpu.memref_slice %arg3[%add3A, %dma_start3A_378, %dma_start3A_379] : memref<32x20x128xi32, #tpu.memory_space<hbm>> -> memref<1x20x128xi32, #tpu.memory_space<hbm>>
      %dma_start3A_381 = tpu.memref_squeeze %dma_start3A_380 : memref<1x20x128xi32, #tpu.memory_space<hbm>> -> memref<20x128xi32, #tpu.memory_space<hbm>>
      tpu.enqueue_dma source(%dma_start3A_381 : memref<20x128xi32, #tpu.memory_space<hbm>>) target(%arg5 : memref<20x128xi32, #tpu.memory_space<vmem>>) target_semaphore(%run_scoped3A : memref<!tpu.dma_semaphore, #tpu.memory_space<semaphore_mem>>)
      %dma_wait3A = arith.constant 0 : i32
      %dma_wait3A_382 = arith.constant 0 : i32
      %dma_wait3A_383 = tpu.memref_slice %arg3[%add3A, %dma_wait3A, %dma_wait3A_382] : memref<32x20x128xi32, #tpu.memory_space<hbm>> -> memref<1x20x128xi32, #tpu.memory_space<hbm>>
      %dma_wait3A_384 = tpu.memref_squeeze %dma_wait3A_383 : memref<1x20x128xi32, #tpu.memory_space<hbm>> -> memref<20x128xi32, #tpu.memory_space<hbm>>
      %dma_wait3A_385 = arith.constant 0 : i32
      %dma_wait3A_386 = arith.constant 0 : i32
      %dma_wait3A_387 = tpu.memref_slice %arg3[%add3A, %dma_wait3A_385, %dma_wait3A_386] : memref<32x20x128xi32, #tpu.memory_space<hbm>> -> memref<1x20x128xi32, #tpu.memory_space<hbm>>
      %dma_wait3A_388 = tpu.memref_squeeze %dma_wait3A_387 : memref<1x20x128xi32, #tpu.memory_space<hbm>> -> memref<20x128xi32, #tpu.memory_space<hbm>>
      tpu.wait_dma2 semaphore(%run_scoped3A : memref<!tpu.dma_semaphore, #tpu.memory_space<semaphore_mem>>) src(%dma_wait3A_388 : memref<20x128xi32, #tpu.memory_space<hbm>>) dst(%arg5 : memref<20x128xi32, #tpu.memory_space<vmem>>)
      tpu.yield
    }) : () -> ()
    %get3A = arith.constant 0 : i32
    %get3A_52 = arith.index_cast %get3A : i32 to index
    %get3A_53 = arith.constant 0 : index
    %get3A_54 = tpu.vector_load %arg5[%get3A_52, %get3A_53] {strides = array<i32>} : memref<20x128xi32, #tpu.memory_space<vmem>>, vector<16xi32>,
    %add3A_55 = arith.constant 0 : i32
    %add3A_56 = vector.broadcast %add3A_55 : i32 to vector<16xi32>
    %add3A_57 = arith.addi %get3A_54, %add3A_56 : vector<16xi32>
    %swap3A = arith.constant 0 : index
    %swap3A_58 = tpu.vector_load %arg6[%swap3A] {strides = array<i32>} : memref<128xi32, #tpu.memory_space<vmem>>, vector<16xi32>,
    tpu.vector_store %arg6[%swap3A], %add3A_57 {strides = array<i32>} : memref<128xi32, #tpu.memory_space<vmem>>, vector<16xi32>,
    %get3A_59 = arith.constant 0 : i32
    %get3A_60 = arith.index_cast %get3A_59 : i32 to index
    %get3A_61 = arith.constant 16 : index
    %get3A_62 = tpu.vector_load %arg5[%get3A_60, %get3A_61] {strides = array<i32>} : memref<20x128xi32, #tpu.memory_space<vmem>>, vector<16xi32>,
    %add3A_63 = arith.constant 0 : i32
    %add3A_64 = vector.broadcast %add3A_63 : i32 to vector<16xi32>
    %add3A_65 = arith.addi %get3A_62, %add3A_64 : vector<16xi32>
    %swap3A_66 = arith.constant 16 : index
    %swap3A_67 = tpu.vector_load %arg6[%swap3A_66] {strides = array<i32>} : memref<128xi32, #tpu.memory_space<vmem>>, vector<16xi32>,
    tpu.vector_store %arg6[%swap3A_66], %add3A_65 {strides = array<i32>} : memref<128xi32, #tpu.memory_space<vmem>>, vector<16xi32>,
    %get3A_68 = arith.constant 0 : i32
    %get3A_69 = arith.index_cast %get3A_68 : i32 to index
    %get3A_70 = arith.constant 32 : index
    %get3A_71 = tpu.vector_load %arg5[%get3A_69, %get3A_70] {strides = array<i32>} : memref<20x128xi32, #tpu.memory_space<vmem>>, vector<16xi32>,
    %add3A_72 = arith.constant 0 : i32
    %add3A_73 = vector.broadcast %add3A_72 : i32 to vector<16xi32>
    %add3A_74 = arith.addi %get3A_71, %add3A_73 : vector<16xi32>
    %swap3A_75 = arith.constant 32 : index
    %swap3A_76 = tpu.vector_load %arg6[%swap3A_75] {strides = array<i32>} : memref<128xi32, #tpu.memory_space<vmem>>, vector<16xi32>,
    tpu.vector_store %arg6[%swap3A_75], %add3A_74 {strides = array<i32>} : memref<128xi32, #tpu.memory_space<vmem>>, vector<16xi32>,
    %get3A_77 = arith.constant 0 : i32
    %get3A_78 = arith.index_cast %get3A_77 : i32 to index
    %get3A_79 = arith.constant 48 : index
    %get3A_80 = tpu.vector_load %arg5[%get3A_78, %get3A_79] {strides = array<i32>} : memref<20x128xi32, #tpu.memory_space<vmem>>, vector<16xi32>,
    %add3A_81 = arith.constant 0 : i32
    %add3A_82 = vector.broadcast %add3A_81 : i32 to vector<16xi32>
    %add3A_83 = arith.addi %get3A_80, %add3A_82 : vector<16xi32>
    %swap3A_84 = arith.constant 48 : index
    %swap3A_85 = tpu.vector_load %arg6[%swap3A_84] {strides = array<i32>} : memref<128xi32, #tpu.memory_space<vmem>>, vector<16xi32>,
    tpu.vector_store %arg6[%swap3A_84], %add3A_83 {strides = array<i32>} : memref<128xi32, #tpu.memory_space<vmem>>, vector<16xi32>,
    %get3A_86 = arith.constant 0 : i32
    %get3A_87 = arith.index_cast %get3A_86 : i32 to index
    %get3A_88 = arith.constant 64 : index
    %get3A_89 = tpu.vector_load %arg5[%get3A_87, %get3A_88] {strides = array<i32>} : memref<20x128xi32, #tpu.memory_space<vmem>>, vector<16xi32>,
    %add3A_90 = arith.constant 0 : i32
    %add3A_91 = vector.broadcast %add3A_90 : i32 to vector<16xi32>
    %add3A_92 = arith.addi %get3A_89, %add3A_91 : vector<16xi32>
    %swap3A_93 = arith.constant 64 : index
    %swap3A_94 = tpu.vector_load %arg6[%swap3A_93] {strides = array<i32>} : memref<128xi32, #tpu.memory_space<vmem>>, vector<16xi32>,
    tpu.vector_store %arg6[%swap3A_93], %add3A_92 {strides = array<i32>} : memref<128xi32, #tpu.memory_space<vmem>>, vector<16xi32>,
    %get3A_95 = arith.constant 0 : i32
    %get3A_96 = arith.index_cast %get3A_95 : i32 to index
    %get3A_97 = arith.constant 80 : index
    %get3A_98 = tpu.vector_load %arg5[%get3A_96, %get3A_97] {strides = array<i32>} : memref<20x128xi32, #tpu.memory_space<vmem>>, vector<16xi32>,
    %add3A_99 = arith.constant 0 : i32
    %add3A_100 = vector.broadcast %add3A_99 : i32 to vector<16xi32>
    %add3A_101 = arith.addi %get3A_98, %add3A_100 : vector<16xi32>
    %swap3A_102 = arith.constant 80 : index
    %swap3A_103 = tpu.vector_load %arg6[%swap3A_102] {strides = array<i32>} : memref<128xi32, #tpu.memory_space<vmem>>, vector<16xi32>,
    tpu.vector_store %arg6[%swap3A_102], %add3A_101 {strides = array<i32>} : memref<128xi32, #tpu.memory_space<vmem>>, vector<16xi32>,
    %get3A_104 = arith.constant 0 : i32
    %get3A_105 = arith.index_cast %get3A_104 : i32 to index
    %get3A_106 = arith.constant 96 : index
    %get3A_107 = tpu.vector_load %arg5[%get3A_105, %get3A_106] {strides = array<i32>} : memref<20x128xi32, #tpu.memory_space<vmem>>, vector<16xi32>,
    %add3A_108 = arith.constant 0 : i32
    %add3A_109 = vector.broadcast %add3A_108 : i32 to vector<16xi32>
    %add3A_110 = arith.addi %get3A_107, %add3A_109 : vector<16xi32>
    %swap3A_111 = arith.constant 96 : index
    %swap3A_112 = tpu.vector_load %arg6[%swap3A_111] {strides = array<i32>} : memref<128xi32, #tpu.memory_space<vmem>>, vector<16xi32>,
    tpu.vector_store %arg6[%swap3A_111], %add3A_110 {strides = array<i32>} : memref<128xi32, #tpu.memory_space<vmem>>, vector<16xi32>,
    %get3A_113 = arith.constant 0 : i32
    %get3A_114 = arith.index_cast %get3A_113 : i32 to index
    %get3A_115 = arith.constant 112 : index
    %get3A_116 = tpu.vector_load %arg5[%get3A_114, %get3A_115] {strides = array<i32>} : memref<20x128xi32, #tpu.memory_space<vmem>>, vector<16xi32>,
    %add3A_117 = arith.constant 0 : i32
    %add3A_118 = vector.broadcast %add3A_117 : i32 to vector<16xi32>
    %add3A_119 = arith.addi %get3A_116, %add3A_118 : vector<16xi32>
    %swap3A_120 = arith.constant 112 : index
    %swap3A_121 = tpu.vector_load %arg6[%swap3A_120] {strides = array<i32>} : memref<128xi32, #tpu.memory_space<vmem>>, vector<16xi32>,
    tpu.vector_store %arg6[%swap3A_120], %add3A_119 {strides = array<i32>} : memref<128xi32, #tpu.memory_space<vmem>>, vector<16xi32>,
    %dma_start3A = arith.constant 0 : i32
    %dma_start3A_122 = arith.constant 0 : i32
    %dma_start3A_123 = tpu.memref_slice %arg2[%dma_start3A, %dma_start3A_122] : memref<8000x128xf32, #tpu.memory_space<hbm>> -> memref<8000x128xf32, #tpu.memory_space<hbm>>
    tpu.enqueue_indirect_dma source(%dma_start3A_123 : memref<8000x128xf32, #tpu.memory_space<hbm>>) target(%arg10 : memref<128x128xf32, #tpu.memory_space<vmem>>) offsets(%arg6 : memref<128xi32, #tpu.memory_space<vmem>>) semaphore(%arg16 : memref<!tpu.dma_semaphore, #tpu.memory_space<semaphore_mem>>)
    %get3A_124 = arith.constant 0 : i32
    %get3A_125 = arith.index_cast %get3A_124 : i32 to index
    %get3A_126 = arith.constant 0 : index
    %get3A_127 = tpu.vector_load %arg5[%get3A_125, %get3A_126] {strides = array<i32>} : memref<20x128xi32, #tpu.memory_space<vmem>>, vector<16xi32>,
    %add3A_128 = arith.constant 1000 : i32
    %add3A_129 = vector.broadcast %add3A_128 : i32 to vector<16xi32>
    %add3A_130 = arith.addi %get3A_127, %add3A_129 : vector<16xi32>
    %swap3A_131 = arith.constant 0 : index
    %swap3A_132 = tpu.vector_load %arg7[%swap3A_131] {strides = array<i32>} : memref<128xi32, #tpu.memory_space<vmem>>, vector<16xi32>,
    tpu.vector_store %arg7[%swap3A_131], %add3A_130 {strides = array<i32>} : memref<128xi32, #tpu.memory_space<vmem>>, vector<16xi32>,
    %get3A_133 = arith.constant 0 : i32
    %get3A_134 = arith.index_cast %get3A_133 : i32 to index
    %get3A_135 = arith.constant 16 : index
    %get3A_136 = tpu.vector_load %arg5[%get3A_134, %get3A_135] {strides = array<i32>} : memref<20x128xi32, #tpu.memory_space<vmem>>, vector<16xi32>,
    %add3A_137 = arith.constant 1000 : i32
    %add3A_138 = vector.broadcast %add3A_137 : i32 to vector<16xi32>
    %add3A_139 = arith.addi %get3A_136, %add3A_138 : vector<16xi32>
    %swap3A_140 = arith.constant 16 : index
    %swap3A_141 = tpu.vector_load %arg7[%swap3A_140] {strides = array<i32>} : memref<128xi32, #tpu.memory_space<vmem>>, vector<16xi32>,
    tpu.vector_store %arg7[%swap3A_140], %add3A_139 {strides = array<i32>} : memref<128xi32, #tpu.memory_space<vmem>>, vector<16xi32>,
    %get3A_142 = arith.constant 0 : i32
    %get3A_143 = arith.index_cast %get3A_142 : i32 to index
    %get3A_144 = arith.constant 32 : index
    %get3A_145 = tpu.vector_load %arg5[%get3A_143, %get3A_144] {strides = array<i32>} : memref<20x128xi32, #tpu.memory_space<vmem>>, vector<16xi32>,
    %add3A_146 = arith.constant 1000 : i32
    %add3A_147 = vector.broadcast %add3A_146 : i32 to vector<16xi32>
    %add3A_148 = arith.addi %get3A_145, %add3A_147 : vector<16xi32>
    %swap3A_149 = arith.constant 32 : index
    %swap3A_150 = tpu.vector_load %arg7[%swap3A_149] {strides = array<i32>} : memref<128xi32, #tpu.memory_space<vmem>>, vector<16xi32>,
    tpu.vector_store %arg7[%swap3A_149], %add3A_148 {strides = array<i32>} : memref<128xi32, #tpu.memory_space<vmem>>, vector<16xi32>,
    %get3A_151 = arith.constant 0 : i32
    %get3A_152 = arith.index_cast %get3A_151 : i32 to index
    %get3A_153 = arith.constant 48 : index
    %get3A_154 = tpu.vector_load %arg5[%get3A_152, %get3A_153] {strides = array<i32>} : memref<20x128xi32, #tpu.memory_space<vmem>>, vector<16xi32>,
    %add3A_155 = arith.constant 1000 : i32
    %add3A_156 = vector.broadcast %add3A_155 : i32 to vector<16xi32>
    %add3A_157 = arith.addi %get3A_154, %add3A_156 : vector<16xi32>
    %swap3A_158 = arith.constant 48 : index
    %swap3A_159 = tpu.vector_load %arg7[%swap3A_158] {strides = array<i32>} : memref<128xi32, #tpu.memory_space<vmem>>, vector<16xi32>,
    tpu.vector_store %arg7[%swap3A_158], %add3A_157 {strides = array<i32>} : memref<128xi32, #tpu.memory_space<vmem>>, vector<16xi32>,
    %get3A_160 = arith.constant 0 : i32
    %get3A_161 = arith.index_cast %get3A_160 : i32 to index
    %get3A_162 = arith.constant 64 : index
    %get3A_163 = tpu.vector_load %arg5[%get3A_161, %get3A_162] {strides = array<i32>} : memref<20x128xi32, #tpu.memory_space<vmem>>, vector<16xi32>,
    %add3A_164 = arith.constant 1000 : i32
    %add3A_165 = vector.broadcast %add3A_164 : i32 to vector<16xi32>
    %add3A_166 = arith.addi %get3A_163, %add3A_165 : vector<16xi32>
    %swap3A_167 = arith.constant 64 : index
    %swap3A_168 = tpu.vector_load %arg7[%swap3A_167] {strides = array<i32>} : memref<128xi32, #tpu.memory_space<vmem>>, vector<16xi32>,
    tpu.vector_store %arg7[%swap3A_167], %add3A_166 {strides = array<i32>} : memref<128xi32, #tpu.memory_space<vmem>>, vector<16xi32>,
    %get3A_169 = arith.constant 0 : i32
    %get3A_170 = arith.index_cast %get3A_169 : i32 to index
    %get3A_171 = arith.constant 80 : index
    %get3A_172 = tpu.vector_load %arg5[%get3A_170, %get3A_171] {strides = array<i32>} : memref<20x128xi32, #tpu.memory_space<vmem>>, vector<16xi32>,
    %add3A_173 = arith.constant 1000 : i32
    %add3A_174 = vector.broadcast %add3A_173 : i32 to vector<16xi32>
    %add3A_175 = arith.addi %get3A_172, %add3A_174 : vector<16xi32>
    %swap3A_176 = arith.constant 80 : index
    %swap3A_177 = tpu.vector_load %arg7[%swap3A_176] {strides = array<i32>} : memref<128xi32, #tpu.memory_space<vmem>>, vector<16xi32>,
    tpu.vector_store %arg7[%swap3A_176], %add3A_175 {strides = array<i32>} : memref<128xi32, #tpu.memory_space<vmem>>, vector<16xi32>,
    %get3A_178 = arith.constant 0 : i32
    %get3A_179 = arith.index_cast %get3A_178 : i32 to index
    %get3A_180 = arith.constant 96 : index
    %get3A_181 = tpu.vector_load %arg5[%get3A_179, %get3A_180] {strides = array<i32>} : memref<20x128xi32, #tpu.memory_space<vmem>>, vector<16xi32>,
    %add3A_182 = arith.constant 1000 : i32
    %add3A_183 = vector.broadcast %add3A_182 : i32 to vector<16xi32>
    %add3A_184 = arith.addi %get3A_181, %add3A_183 : vector<16xi32>
    %swap3A_185 = arith.constant 96 : index
    %swap3A_186 = tpu.vector_load %arg7[%swap3A_185] {strides = array<i32>} : memref<128xi32, #tpu.memory_space<vmem>>, vector<16xi32>,
    tpu.vector_store %arg7[%swap3A_185], %add3A_184 {strides = array<i32>} : memref<128xi32, #tpu.memory_space<vmem>>, vector<16xi32>,
    %get3A_187 = arith.constant 0 : i32
    %get3A_188 = arith.index_cast %get3A_187 : i32 to index
    %get3A_189 = arith.constant 112 : index
    %get3A_190 = tpu.vector_load %arg5[%get3A_188, %get3A_189] {strides = array<i32>} : memref<20x128xi32, #tpu.memory_space<vmem>>, vector<16xi32>,
    %add3A_191 = arith.constant 1000 : i32
    %add3A_192 = vector.broadcast %add3A_191 : i32 to vector<16xi32>
    %add3A_193 = arith.addi %get3A_190, %add3A_192 : vector<16xi32>
    %swap3A_194 = arith.constant 112 : index
    %swap3A_195 = tpu.vector_load %arg7[%swap3A_194] {strides = array<i32>} : memref<128xi32, #tpu.memory_space<vmem>>, vector<16xi32>,
    tpu.vector_store %arg7[%swap3A_194], %add3A_193 {strides = array<i32>} : memref<128xi32, #tpu.memory_space<vmem>>, vector<16xi32>,
    %dma_start3A_196 = arith.constant 0 : i32
    %dma_start3A_197 = arith.constant 0 : i32
    %dma_start3A_198 = tpu.memref_slice %arg2[%dma_start3A_196, %dma_start3A_197] : memref<8000x128xf32, #tpu.memory_space<hbm>> -> memref<8000x128xf32, #tpu.memory_space<hbm>>
    tpu.enqueue_indirect_dma source(%dma_start3A_198 : memref<8000x128xf32, #tpu.memory_space<hbm>>) target(%arg11 : memref<128x128xf32, #tpu.memory_space<vmem>>) offsets(%arg7 : memref<128xi32, #tpu.memory_space<vmem>>) semaphore(%arg17 : memref<!tpu.dma_semaphore, #tpu.memory_space<semaphore_mem>>)
    %get3A_199 = arith.constant 0 : i32
    %get3A_200 = arith.index_cast %get3A_199 : i32 to index
    %get3A_201 = arith.constant 0 : index
    %get3A_202 = tpu.vector_load %arg5[%get3A_200, %get3A_201] {strides = array<i32>} : memref<20x128xi32, #tpu.memory_space<vmem>>, vector<16xi32>,
    %add3A_203 = arith.constant 2000 : i32
    %add3A_204 = vector.broadcast %add3A_203 : i32 to vector<16xi32>
    %add3A_205 = arith.addi %get3A_202, %add3A_204 : vector<16xi32>
    %swap3A_206 = arith.constant 0 : index
    %swap3A_207 = tpu.vector_load %arg8[%swap3A_206] {strides = array<i32>} : memref<128xi32, #tpu.memory_space<vmem>>, vector<16xi32>,
    tpu.vector_store %arg8[%swap3A_206], %add3A_205 {strides = array<i32>} : memref<128xi32, #tpu.memory_space<vmem>>, vector<16xi32>,
    %get3A_208 = arith.constant 0 : i32
    %get3A_209 = arith.index_cast %get3A_208 : i32 to index
    %get3A_210 = arith.constant 16 : index
    %get3A_211 = tpu.vector_load %arg5[%get3A_209, %get3A_210] {strides = array<i32>} : memref<20x128xi32, #tpu.memory_space<vmem>>, vector<16xi32>,
    %add3A_212 = arith.constant 2000 : i32
    %add3A_213 = vector.broadcast %add3A_212 : i32 to vector<16xi32>
    %add3A_214 = arith.addi %get3A_211, %add3A_213 : vector<16xi32>
    %swap3A_215 = arith.constant 16 : index
    %swap3A_216 = tpu.vector_load %arg8[%swap3A_215] {strides = array<i32>} : memref<128xi32, #tpu.memory_space<vmem>>, vector<16xi32>,
    tpu.vector_store %arg8[%swap3A_215], %add3A_214 {strides = array<i32>} : memref<128xi32, #tpu.memory_space<vmem>>, vector<16xi32>,
    %get3A_217 = arith.constant 0 : i32
    %get3A_218 = arith.index_cast %get3A_217 : i32 to index
    %get3A_219 = arith.constant 32 : index
    %get3A_220 = tpu.vector_load %arg5[%get3A_218, %get3A_219] {strides = array<i32>} : memref<20x128xi32, #tpu.memory_space<vmem>>, vector<16xi32>,
    %add3A_221 = arith.constant 2000 : i32
    %add3A_222 = vector.broadcast %add3A_221 : i32 to vector<16xi32>
    %add3A_223 = arith.addi %get3A_220, %add3A_222 : vector<16xi32>
    %swap3A_224 = arith.constant 32 : index
    %swap3A_225 = tpu.vector_load %arg8[%swap3A_224] {strides = array<i32>} : memref<128xi32, #tpu.memory_space<vmem>>, vector<16xi32>,
    tpu.vector_store %arg8[%swap3A_224], %add3A_223 {strides = array<i32>} : memref<128xi32, #tpu.memory_space<vmem>>, vector<16xi32>,
    %get3A_226 = arith.constant 0 : i32
    %get3A_227 = arith.index_cast %get3A_226 : i32 to index
    %get3A_228 = arith.constant 48 : index
    %get3A_229 = tpu.vector_load %arg5[%get3A_227, %get3A_228] {strides = array<i32>} : memref<20x128xi32, #tpu.memory_space<vmem>>, vector<16xi32>,
    %add3A_230 = arith.constant 2000 : i32
    %add3A_231 = vector.broadcast %add3A_230 : i32 to vector<16xi32>
    %add3A_232 = arith.addi %get3A_229, %add3A_231 : vector<16xi32>
    %swap3A_233 = arith.constant 48 : index
    %swap3A_234 = tpu.vector_load %arg8[%swap3A_233] {strides = array<i32>} : memref<128xi32, #tpu.memory_space<vmem>>, vector<16xi32>,
    tpu.vector_store %arg8[%swap3A_233], %add3A_232 {strides = array<i32>} : memref<128xi32, #tpu.memory_space<vmem>>, vector<16xi32>,
    %get3A_235 = arith.constant 0 : i32
    %get3A_236 = arith.index_cast %get3A_235 : i32 to index
    %get3A_237 = arith.constant 64 : index
    %get3A_238 = tpu.vector_load %arg5[%get3A_236, %get3A_237] {strides = array<i32>} : memref<20x128xi32, #tpu.memory_space<vmem>>, vector<16xi32>,
    %add3A_239 = arith.constant 2000 : i32
    %add3A_240 = vector.broadcast %add3A_239 : i32 to vector<16xi32>
    %add3A_241 = arith.addi %get3A_238, %add3A_240 : vector<16xi32>
    %swap3A_242 = arith.constant 64 : index
    %swap3A_243 = tpu.vector_load %arg8[%swap3A_242] {strides = array<i32>} : memref<128xi32, #tpu.memory_space<vmem>>, vector<16xi32>,
    tpu.vector_store %arg8[%swap3A_242], %add3A_241 {strides = array<i32>} : memref<128xi32, #tpu.memory_space<vmem>>, vector<16xi32>,
    %get3A_244 = arith.constant 0 : i32
    %get3A_245 = arith.index_cast %get3A_244 : i32 to index
    %get3A_246 = arith.constant 80 : index
    %get3A_247 = tpu.vector_load %arg5[%get3A_245, %get3A_246] {strides = array<i32>} : memref<20x128xi32, #tpu.memory_space<vmem>>, vector<16xi32>,
    %add3A_248 = arith.constant 2000 : i32
    %add3A_249 = vector.broadcast %add3A_248 : i32 to vector<16xi32>
    %add3A_250 = arith.addi %get3A_247, %add3A_249 : vector<16xi32>
    %swap3A_251 = arith.constant 80 : index
    %swap3A_252 = tpu.vector_load %arg8[%swap3A_251] {strides = array<i32>} : memref<128xi32, #tpu.memory_space<vmem>>, vector<16xi32>,
    tpu.vector_store %arg8[%swap3A_251], %add3A_250 {strides = array<i32>} : memref<128xi32, #tpu.memory_space<vmem>>, vector<16xi32>,
    %get3A_253 = arith.constant 0 : i32
    %get3A_254 = arith.index_cast %get3A_253 : i32 to index
    %get3A_255 = arith.constant 96 : index
    %get3A_256 = tpu.vector_load %arg5[%get3A_254, %get3A_255] {strides = array<i32>} : memref<20x128xi32, #tpu.memory_space<vmem>>, vector<16xi32>,
    %add3A_257 = arith.constant 2000 : i32
    %add3A_258 = vector.broadcast %add3A_257 : i32 to vector<16xi32>
    %add3A_259 = arith.addi %get3A_256, %add3A_258 : vector<16xi32>
    %swap3A_260 = arith.constant 96 : index
    %swap3A_261 = tpu.vector_load %arg8[%swap3A_260] {strides = array<i32>} : memref<128xi32, #tpu.memory_space<vmem>>, vector<16xi32>,
    tpu.vector_store %arg8[%swap3A_260], %add3A_259 {strides = array<i32>} : memref<128xi32, #tpu.memory_space<vmem>>, vector<16xi32>,
    %get3A_262 = arith.constant 0 : i32
    %get3A_263 = arith.index_cast %get3A_262 : i32 to index
    %get3A_264 = arith.constant 112 : index
    %get3A_265 = tpu.vector_load %arg5[%get3A_263, %get3A_264] {strides = array<i32>} : memref<20x128xi32, #tpu.memory_space<vmem>>, vector<16xi32>,
    %add3A_266 = arith.constant 2000 : i32
    %add3A_267 = vector.broadcast %add3A_266 : i32 to vector<16xi32>
    %add3A_268 = arith.addi %get3A_265, %add3A_267 : vector<16xi32>
    %swap3A_269 = arith.constant 112 : index
    %swap3A_270 = tpu.vector_load %arg8[%swap3A_269] {strides = array<i32>} : memref<128xi32, #tpu.memory_space<vmem>>, vector<16xi32>,
    tpu.vector_store %arg8[%swap3A_269], %add3A_268 {strides = array<i32>} : memref<128xi32, #tpu.memory_space<vmem>>, vector<16xi32>,
    %dma_start3A_271 = arith.constant 0 : i32
    %dma_start3A_272 = arith.constant 0 : i32
    %dma_start3A_273 = tpu.memref_slice %arg2[%dma_start3A_271, %dma_start3A_272] : memref<8000x128xf32, #tpu.memory_space<hbm>> -> memref<8000x128xf32, #tpu.memory_space<hbm>>
    tpu.enqueue_indirect_dma source(%dma_start3A_273 : memref<8000x128xf32, #tpu.memory_space<hbm>>) target(%arg12 : memref<128x128xf32, #tpu.memory_space<vmem>>) offsets(%arg8 : memref<128xi32, #tpu.memory_space<vmem>>) semaphore(%arg18 : memref<!tpu.dma_semaphore, #tpu.memory_space<semaphore_mem>>)
    %get3A_274 = arith.constant 0 : i32
    %get3A_275 = arith.index_cast %get3A_274 : i32 to index
    %get3A_276 = arith.constant 0 : index
    %get3A_277 = tpu.vector_load %arg5[%get3A_275, %get3A_276] {strides = array<i32>} : memref<20x128xi32, #tpu.memory_space<vmem>>, vector<16xi32>,
    %add3A_278 = arith.constant 3000 : i32
    %add3A_279 = vector.broadcast %add3A_278 : i32 to vector<16xi32>
    %add3A_280 = arith.addi %get3A_277, %add3A_279 : vector<16xi32>
    %swap3A_281 = arith.constant 0 : index
    %swap3A_282 = tpu.vector_load %arg9[%swap3A_281] {strides = array<i32>} : memref<128xi32, #tpu.memory_space<vmem>>, vector<16xi32>,
    tpu.vector_store %arg9[%swap3A_281], %add3A_280 {strides = array<i32>} : memref<128xi32, #tpu.memory_space<vmem>>, vector<16xi32>,
    %get3A_283 = arith.constant 0 : i32
    %get3A_284 = arith.index_cast %get3A_283 : i32 to index
    %get3A_285 = arith.constant 16 : index
    %get3A_286 = tpu.vector_load %arg5[%get3A_284, %get3A_285] {strides = array<i32>} : memref<20x128xi32, #tpu.memory_space<vmem>>, vector<16xi32>,
    %add3A_287 = arith.constant 3000 : i32
    %add3A_288 = vector.broadcast %add3A_287 : i32 to vector<16xi32>
    %add3A_289 = arith.addi %get3A_286, %add3A_288 : vector<16xi32>
    %swap3A_290 = arith.constant 16 : index
    %swap3A_291 = tpu.vector_load %arg9[%swap3A_290] {strides = array<i32>} : memref<128xi32, #tpu.memory_space<vmem>>, vector<16xi32>,
    tpu.vector_store %arg9[%swap3A_290], %add3A_289 {strides = array<i32>} : memref<128xi32, #tpu.memory_space<vmem>>, vector<16xi32>,
    %get3A_292 = arith.constant 0 : i32
    %get3A_293 = arith.index_cast %get3A_292 : i32 to index
    %get3A_294 = arith.constant 32 : index
    %get3A_295 = tpu.vector_load %arg5[%get3A_293, %get3A_294] {strides = array<i32>} : memref<20x128xi32, #tpu.memory_space<vmem>>, vector<16xi32>,
    %add3A_296 = arith.constant 3000 : i32
    %add3A_297 = vector.broadcast %add3A_296 : i32 to vector<16xi32>
    %add3A_298 = arith.addi %get3A_295, %add3A_297 : vector<16xi32>
    %swap3A_299 = arith.constant 32 : index
    %swap3A_300 = tpu.vector_load %arg9[%swap3A_299] {strides = array<i32>} : memref<128xi32, #tpu.memory_space<vmem>>, vector<16xi32>,
    tpu.vector_store %arg9[%swap3A_299], %add3A_298 {strides = array<i32>} : memref<128xi32, #tpu.memory_space<vmem>>, vector<16xi32>,
    %get3A_301 = arith.constant 0 : i32
    %get3A_302 = arith.index_cast %get3A_301 : i32 to index
    %get3A_303 = arith.constant 48 : index
    %get3A_304 = tpu.vector_load %arg5[%get3A_302, %get3A_303] {strides = array<i32>} : memref<20x128xi32, #tpu.memory_space<vmem>>, vector<16xi32>,
    %add3A_305 = arith.constant 3000 : i32
    %add3A_306 = vector.broadcast %add3A_305 : i32 to vector<16xi32>
    %add3A_307 = arith.addi %get3A_304, %add3A_306 : vector<16xi32>
    %swap3A_308 = arith.constant 48 : index
    %swap3A_309 = tpu.vector_load %arg9[%swap3A_308] {strides = array<i32>} : memref<128xi32, #tpu.memory_space<vmem>>, vector<16xi32>,
    tpu.vector_store %arg9[%swap3A_308], %add3A_307 {strides = array<i32>} : memref<128xi32, #tpu.memory_space<vmem>>, vector<16xi32>,
    %get3A_310 = arith.constant 0 : i32
    %get3A_311 = arith.index_cast %get3A_310 : i32 to index
    %get3A_312 = arith.constant 64 : index
    %get3A_313 = tpu.vector_load %arg5[%get3A_311, %get3A_312] {strides = array<i32>} : memref<20x128xi32, #tpu.memory_space<vmem>>, vector<16xi32>,
    %add3A_314 = arith.constant 3000 : i32
    %add3A_315 = vector.broadcast %add3A_314 : i32 to vector<16xi32>
    %add3A_316 = arith.addi %get3A_313, %add3A_315 : vector<16xi32>
    %swap3A_317 = arith.constant 64 : index
    %swap3A_318 = tpu.vector_load %arg9[%swap3A_317] {strides = array<i32>} : memref<128xi32, #tpu.memory_space<vmem>>, vector<16xi32>,
    tpu.vector_store %arg9[%swap3A_317], %add3A_316 {strides = array<i32>} : memref<128xi32, #tpu.memory_space<vmem>>, vector<16xi32>,
    %get3A_319 = arith.constant 0 : i32
    %get3A_320 = arith.index_cast %get3A_319 : i32 to index
    %get3A_321 = arith.constant 80 : index
    %get3A_322 = tpu.vector_load %arg5[%get3A_320, %get3A_321] {strides = array<i32>} : memref<20x128xi32, #tpu.memory_space<vmem>>, vector<16xi32>,
    %add3A_323 = arith.constant 3000 : i32
    %add3A_324 = vector.broadcast %add3A_323 : i32 to vector<16xi32>
    %add3A_325 = arith.addi %get3A_322, %add3A_324 : vector<16xi32>
    %swap3A_326 = arith.constant 80 : index
    %swap3A_327 = tpu.vector_load %arg9[%swap3A_326] {strides = array<i32>} : memref<128xi32, #tpu.memory_space<vmem>>, vector<16xi32>,
    tpu.vector_store %arg9[%swap3A_326], %add3A_325 {strides = array<i32>} : memref<128xi32, #tpu.memory_space<vmem>>, vector<16xi32>,
    %get3A_328 = arith.constant 0 : i32
    %get3A_329 = arith.index_cast %get3A_328 : i32 to index
    %get3A_330 = arith.constant 96 : index
    %get3A_331 = tpu.vector_load %arg5[%get3A_329, %get3A_330] {strides = array<i32>} : memref<20x128xi32, #tpu.memory_space<vmem>>, vector<16xi32>,
    %add3A_332 = arith.constant 3000 : i32
    %add3A_333 = vector.broadcast %add3A_332 : i32 to vector<16xi32>
    %add3A_334 = arith.addi %get3A_331, %add3A_333 : vector<16xi32>
    %swap3A_335 = arith.constant 96 : index
    %swap3A_336 = tpu.vector_load %arg9[%swap3A_335] {strides = array<i32>} : memref<128xi32, #tpu.memory_space<vmem>>, vector<16xi32>,
    tpu.vector_store %arg9[%swap3A_335], %add3A_334 {strides = array<i32>} : memref<128xi32, #tpu.memory_space<vmem>>, vector<16xi32>,
    %get3A_337 = arith.constant 0 : i32
    %get3A_338 = arith.index_cast %get3A_337 : i32 to index
    %get3A_339 = arith.constant 112 : index
    %get3A_340 = tpu.vector_load %arg5[%get3A_338, %get3A_339] {strides = array<i32>} : memref<20x128xi32, #tpu.memory_space<vmem>>, vector<16xi32>,
    %add3A_341 = arith.constant 3000 : i32
    %add3A_342 = vector.broadcast %add3A_341 : i32 to vector<16xi32>
    %add3A_343 = arith.addi %get3A_340, %add3A_342 : vector<16xi32>
    %swap3A_344 = arith.constant 112 : index
    %swap3A_345 = tpu.vector_load %arg9[%swap3A_344] {strides = array<i32>} : memref<128xi32, #tpu.memory_space<vmem>>, vector<16xi32>,
    tpu.vector_store %arg9[%swap3A_344], %add3A_343 {strides = array<i32>} : memref<128xi32, #tpu.memory_space<vmem>>, vector<16xi32>,
    %dma_start3A_346 = arith.constant 0 : i32
    %dma_start3A_347 = arith.constant 0 : i32
    %dma_start3A_348 = tpu.memref_slice %arg2[%dma_start3A_346, %dma_start3A_347] : memref<8000x128xf32, #tpu.memory_space<hbm>> -> memref<8000x128xf32, #tpu.memory_space<hbm>>
    tpu.enqueue_indirect_dma source(%dma_start3A_348 : memref<8000x128xf32, #tpu.memory_space<hbm>>) target(%arg13 : memref<128x128xf32, #tpu.memory_space<vmem>>) offsets(%arg9 : memref<128xi32, #tpu.memory_space<vmem>>) semaphore(%arg19 : memref<!tpu.dma_semaphore, #tpu.memory_space<semaphore_mem>>)
    %scan3A = arith.constant 0 : i32
    %scan3A_349 = arith.constant 0 : i32
    %scan3A_350 = arith.constant 40 : i32
    %scan3A_351 = arith.addi %scan3A_349, %scan3A_350 : i32
    %scan3A_352 = arith.constant 1 : i32
    scf.for %scan3A_374 = %scan3A_349 to %scan3A_351 step %scan3A_352  : i32 {
      %mul3A_375 = arith.constant 4 : i32
      %mul3A_376 = arith.muli %mul3A_375, %scan3A_374 : i32
      %add3A_377 = arith.constant 0 : i32
      %add3A_378 = arith.addi %mul3A_376, %add3A_377 : i32
      %jit3A = arith.constant 8 : i32
      %div3A = arith.divsi %add3A_378, %jit3A : i32
      %sign3A = arith.constant 0 : i32
      %sign3A_379 = arith.cmpi sgt, %add3A_378, %sign3A : i32
      %sign3A_380 = arith.extui %sign3A_379 : i1 to i32
      %sign3A_381 = arith.constant 0 : i32
      %sign3A_382 = arith.cmpi slt, %add3A_378, %sign3A_381 : i32
      %sign3A_383 = arith.extui %sign3A_382 : i1 to i32
      %sign3A_384 = arith.subi %sign3A_380, %sign3A_383 : i32
      %sign3A_385 = arith.constant 0 : i32
      %sign3A_386 = arith.cmpi sgt, %jit3A, %sign3A_385 : i32
      %sign3A_387 = arith.extui %sign3A_386 : i1 to i32
      %sign3A_388 = arith.constant 0 : i32
      %sign3A_389 = arith.cmpi slt, %jit3A, %sign3A_388 : i32
      %sign3A_390 = arith.extui %sign3A_389 : i1 to i32
      %sign3A_391 = arith.subi %sign3A_387, %sign3A_390 : i32
      %ne3A = arith.cmpi ne, %sign3A_384, %sign3A_391 : i32
      %rem3A = arith.remsi %add3A_378, %jit3A : i32
      %ne3A_392 = arith.constant 0 : i32
      %ne3A_393 = arith.cmpi ne, %rem3A, %ne3A_392 : i32
      %and3A_394 = arith.andi %ne3A, %ne3A_393 : i1
      %sub3A = arith.constant 1 : i32
      %sub3A_395 = arith.subi %div3A, %sub3A : i32
      %select_n3A = arith.select %and3A_394, %sub3A_395, %div3A : i32
      %jit3A_396 = arith.constant 8 : i32
      %eq3A_397 = arith.constant 0 : i32
      %eq3A_398 = arith.cmpi eq, %jit3A_396, %eq3A_397 : i32
      %jit3A_399 = arith.constant 1 : i32
      %select_n3A_400 = arith.select %eq3A_398, %jit3A_399, %jit3A_396 : i32
      %rem3A_401 = arith.remsi %add3A_378, %select_n3A_400 : i32
      %ne3A_402 = arith.constant 0 : i32
      %ne3A_403 = arith.cmpi ne, %rem3A_401, %ne3A_402 : i32
      %lt3A_404 = arith.constant 0 : i32
      %lt3A_405 = arith.cmpi slt, %rem3A_401, %lt3A_404 : i32
      %lt3A_406 = arith.constant 0 : i32
      %lt3A_407 = arith.cmpi slt, %select_n3A_400, %lt3A_406 : i32
      %ne3A_408 = arith.xori %lt3A_405, %lt3A_407 : i1
      %and3A_409 = arith.andi %ne3A_408, %ne3A_403 : i1
      %add3A_410 = arith.addi %rem3A_401, %select_n3A_400 : i32
      %select_n3A_411 = arith.select %and3A_409, %add3A_410, %rem3A_401 : i32
      %dma_wait3A = arith.constant 0 : i32
      %dma_wait3A_412 = arith.constant 0 : i32
      %dma_wait3A_413 = tpu.memref_slice %arg2[%dma_wait3A, %dma_wait3A_412] : memref<8000x128xf32, #tpu.memory_space<hbm>> -> memref<8000x128xf32, #tpu.memory_space<hbm>>
      tpu.wait_indirect_dma semaphore(%arg16 : memref<!tpu.dma_semaphore, #tpu.memory_space<semaphore_mem>>) src(%dma_wait3A_413 : memref<8000x128xf32, #tpu.memory_space<hbm>>) dst(%arg10 : memref<128x128xf32, #tpu.memory_space<vmem>>)
      %ge3A = arith.constant 2 : i32
      %ge3A_414 = arith.cmpi sge, %add3A_378, %ge3A : i32
      %convert_element_type3A_415 = arith.extui %ge3A_414 : i1 to i32
      %cond3A_416 = arith.constant 0 : i32
      %cond3A_417 = arith.cmpi ne, %convert_element_type3A_415, %cond3A_416 : i32
      scf.if %cond3A_417 {
        %sub3A_653 = arith.constant 2 : i32
        %sub3A_654 = arith.subi %add3A_378, %sub3A_653 : i32
        %jit3A_655 = arith.constant 8 : i32
        %eq3A_656 = arith.constant 0 : i32
        %eq3A_657 = arith.cmpi eq, %jit3A_655, %eq3A_656 : i32
        %jit3A_658 = arith.constant 1 : i32
        %select_n3A_659 = arith.select %eq3A_657, %jit3A_658, %jit3A_655 : i32
        %rem3A_660 = arith.remsi %sub3A_654, %select_n3A_659 : i32
        %ne3A_661 = arith.constant 0 : i32
        %ne3A_662 = arith.cmpi ne, %rem3A_660, %ne3A_661 : i32
        %lt3A_663 = arith.constant 0 : i32
        %lt3A_664 = arith.cmpi slt, %rem3A_660, %lt3A_663 : i32
        %lt3A_665 = arith.constant 0 : i32
        %lt3A_666 = arith.cmpi slt, %select_n3A_659, %lt3A_665 : i32
        %ne3A_667 = arith.xori %lt3A_664, %lt3A_666 : i1
        %and3A_668 = arith.andi %ne3A_667, %ne3A_662 : i1
        %add3A_669 = arith.addi %rem3A_660, %select_n3A_659 : i32
        %select_n3A_670 = arith.select %and3A_668, %add3A_669, %rem3A_660 : i32
        %lt3A_671 = arith.constant 7 : i32
        %lt3A_672 = arith.cmpi slt, %select_n3A_670, %lt3A_671 : i32
        %convert_element_type3A_673 = arith.extui %lt3A_672 : i1 to i32
        %cond3A_674 = arith.constant 0 : i32
        %cond3A_675 = arith.cmpi ne, %convert_element_type3A_673, %cond3A_674 : i32
        scf.if %cond3A_675 {
          %dma_wait3A_681 = arith.constant 0 : i32
          %dma_wait3A_682 = arith.constant 0 : i32
          %dma_wait3A_683 = arith.constant 0 : i32
          %dma_wait3A_684 = arith.constant 0 : i32
          %dma_wait3A_685 = tpu.memref_slice %arg4[%dma_wait3A_681, %dma_wait3A_683, %dma_wait3A_682, %dma_wait3A_684] : memref<20x125x32x1024xf32, #tpu.memory_space<hbm>> -> memref<1x16x1x1024xf32, #tpu.memory_space<hbm>>
          %dma_wait3A_686 = tpu.memref_squeeze %dma_wait3A_685 : memref<1x16x1x1024xf32, #tpu.memory_space<hbm>> -> memref<16x1024xf32, #tpu.memory_space<hbm>>
          %dma_wait3A_687 = arith.constant 0 : i32
          %dma_wait3A_688 = arith.constant 0 : i32
          %dma_wait3A_689 = tpu.memref_slice %arg4[%dma_wait3A_681, %dma_wait3A_687, %dma_wait3A_682, %dma_wait3A_688] : memref<20x125x32x1024xf32, #tpu.memory_space<hbm>> -> memref<1x16x1x1024xf32, #tpu.memory_space<hbm>>
          %dma_wait3A_690 = tpu.memref_squeeze %dma_wait3A_689 : memref<1x16x1x1024xf32, #tpu.memory_space<hbm>> -> memref<16x1024xf32, #tpu.memory_space<hbm>>
          tpu.wait_dma2 semaphore(%arg20 : memref<!tpu.dma_semaphore, #tpu.memory_space<semaphore_mem>>) src(%arg14 : memref<16x1024xf32, #tpu.memory_space<vmem>>) dst(%dma_wait3A_690 : memref<16x1024xf32, #tpu.memory_space<hbm>>)
        } else {
        }
        %eq3A_676 = arith.constant 7 : i32
        %eq3A_677 = arith.cmpi eq, %select_n3A_670, %eq3A_676 : i32
        %convert_element_type3A_678 = arith.extui %eq3A_677 : i1 to i32
        %cond3A_679 = arith.constant 0 : i32
        %cond3A_680 = arith.cmpi ne, %convert_element_type3A_678, %cond3A_679 : i32
        scf.if %cond3A_680 {
          %dma_wait3A_681 = arith.constant 0 : i32
          %dma_wait3A_682 = arith.constant 0 : i32
          %dma_wait3A_683 = arith.constant 0 : i32
          %dma_wait3A_684 = arith.constant 0 : i32
          %dma_wait3A_685 = tpu.memref_slice %arg14[%dma_wait3A_683, %dma_wait3A_684] : memref<16x1024xf32, #tpu.memory_space<vmem>> -> memref<13x1024xf32, #tpu.memory_space<vmem>>
          %dma_wait3A_686 = arith.constant 0 : i32
          %dma_wait3A_687 = arith.constant 0 : i32
          %dma_wait3A_688 = tpu.memref_slice %arg4[%dma_wait3A_681, %dma_wait3A_686, %dma_wait3A_682, %dma_wait3A_687] : memref<20x125x32x1024xf32, #tpu.memory_space<hbm>> -> memref<1x13x1x1024xf32, #tpu.memory_space<hbm>>
          %dma_wait3A_689 = tpu.memref_squeeze %dma_wait3A_688 : memref<1x13x1x1024xf32, #tpu.memory_space<hbm>> -> memref<13x1024xf32, #tpu.memory_space<hbm>>
          %dma_wait3A_690 = arith.constant 0 : i32
          %dma_wait3A_691 = arith.constant 0 : i32
          %dma_wait3A_692 = tpu.memref_slice %arg4[%dma_wait3A_681, %dma_wait3A_690, %dma_wait3A_682, %dma_wait3A_691] : memref<20x125x32x1024xf32, #tpu.memory_space<hbm>> -> memref<1x13x1x1024xf32, #tpu.memory_space<hbm>>
          %dma_wait3A_693 = tpu.memref_squeeze %dma_wait3A_692 : memref<1x13x1x1024xf32, #tpu.memory_space<hbm>> -> memref<13x1024xf32, #tpu.memory_space<hbm>>
          %dma_wait3A_694 = arith.constant 0 : i32
          %dma_wait3A_695 = arith.constant 0 : i32
          %dma_wait3A_696 = tpu.memref_slice %arg14[%dma_wait3A_694, %dma_wait3A_695] : memref<16x1024xf32, #tpu.memory_space<vmem>> -> memref<13x1024xf32, #tpu.memory_space<vmem>>
          tpu.wait_dma2 semaphore(%arg20 : memref<!tpu.dma_semaphore, #tpu.memory_space<semaphore_mem>>) src(%dma_wait3A_696 : memref<13x1024xf32, #tpu.memory_space<vmem>>) dst(%dma_wait3A_693 : memref<13x1024xf32, #tpu.memory_space<hbm>>)
        } else {
        }
      } else {
      }
      %parallel_loop3A = arith.constant 0 : i32
      %parallel_loop3A_418 = arith.constant 128 : i32
      %parallel_loop3A_419 = arith.constant 1 : i32
      scf.for %parallel_loop3A_653 = %parallel_loop3A to %parallel_loop3A_418 step %parallel_loop3A_419  : i32 {
        %parallel_loop3A_654 = arith.constant 0 : i32
        %parallel_loop3A_655 = vector.broadcast %parallel_loop3A_654 : i32 to vector<16xi32>
        %parallel_loop3A_656 = vector.broadcast %parallel_loop3A_653 : i32 to vector<16xi32>
        %parallel_loop3A_657 = arith.addi %parallel_loop3A_655, %parallel_loop3A_656 : vector<16xi32>
        %parallel_loop3A_658 = arith.addi %shift_left3A_51, %parallel_loop3A_657 : vector<16xi32>
        %parallel_loop3A_659 = arith.index_cast %parallel_loop3A_653 : i32 to index
        %parallel_loop3A_660 = arith.constant 0 : index
        %parallel_loop3A_661 = tpu.vector_load %arg10[%parallel_loop3A_659, %parallel_loop3A_660] {strides = array<i32>} : memref<128x128xf32, #tpu.memory_space<vmem>>, vector<16xf32>,
        tpu.vector_store_idx %arg14[%add3A_5, %parallel_loop3A_658], %parallel_loop3A_661 : memref<16x1024xf32, #tpu.memory_space<vmem>>[vector<16xi32>, vector<16xi32>], vector<16xf32>,
        %parallel_loop3A_662 = arith.index_cast %parallel_loop3A_653 : i32 to index
        %parallel_loop3A_663 = arith.constant 16 : index
        %parallel_loop3A_664 = tpu.vector_load %arg10[%parallel_loop3A_662, %parallel_loop3A_663] {strides = array<i32>} : memref<128x128xf32, #tpu.memory_space<vmem>>, vector<16xf32>,
        tpu.vector_store_idx %arg14[%add3A_11, %parallel_loop3A_658], %parallel_loop3A_664 : memref<16x1024xf32, #tpu.memory_space<vmem>>[vector<16xi32>, vector<16xi32>], vector<16xf32>,
        %parallel_loop3A_665 = arith.index_cast %parallel_loop3A_653 : i32 to index
        %parallel_loop3A_666 = arith.constant 32 : index
        %parallel_loop3A_667 = tpu.vector_load %arg10[%parallel_loop3A_665, %parallel_loop3A_666] {strides = array<i32>} : memref<128x128xf32, #tpu.memory_space<vmem>>, vector<16xf32>,
        tpu.vector_store_idx %arg14[%add3A_17, %parallel_loop3A_658], %parallel_loop3A_667 : memref<16x1024xf32, #tpu.memory_space<vmem>>[vector<16xi32>, vector<16xi32>], vector<16xf32>,
        %parallel_loop3A_668 = arith.index_cast %parallel_loop3A_653 : i32 to index
        %parallel_loop3A_669 = arith.constant 48 : index
        %parallel_loop3A_670 = tpu.vector_load %arg10[%parallel_loop3A_668, %parallel_loop3A_669] {strides = array<i32>} : memref<128x128xf32, #tpu.memory_space<vmem>>, vector<16xf32>,
        tpu.vector_store_idx %arg14[%add3A_23, %parallel_loop3A_658], %parallel_loop3A_670 : memref<16x1024xf32, #tpu.memory_space<vmem>>[vector<16xi32>, vector<16xi32>], vector<16xf32>,
        %parallel_loop3A_671 = arith.index_cast %parallel_loop3A_653 : i32 to index
        %parallel_loop3A_672 = arith.constant 64 : index
        %parallel_loop3A_673 = tpu.vector_load %arg10[%parallel_loop3A_671, %parallel_loop3A_672] {strides = array<i32>} : memref<128x128xf32, #tpu.memory_space<vmem>>, vector<16xf32>,
        tpu.vector_store_idx %arg14[%add3A_29, %parallel_loop3A_658], %parallel_loop3A_673 : memref<16x1024xf32, #tpu.memory_space<vmem>>[vector<16xi32>, vector<16xi32>], vector<16xf32>,
        %parallel_loop3A_674 = arith.index_cast %parallel_loop3A_653 : i32 to index
        %parallel_loop3A_675 = arith.constant 80 : index
        %parallel_loop3A_676 = tpu.vector_load %arg10[%parallel_loop3A_674, %parallel_loop3A_675] {strides = array<i32>} : memref<128x128xf32, #tpu.memory_space<vmem>>, vector<16xf32>,
        tpu.vector_store_idx %arg14[%add3A_35, %parallel_loop3A_658], %parallel_loop3A_676 : memref<16x1024xf32, #tpu.memory_space<vmem>>[vector<16xi32>, vector<16xi32>], vector<16xf32>,
        %parallel_loop3A_677 = arith.index_cast %parallel_loop3A_653 : i32 to index
        %parallel_loop3A_678 = arith.constant 96 : index
        %parallel_loop3A_679 = tpu.vector_load %arg10[%parallel_loop3A_677, %parallel_loop3A_678] {strides = array<i32>} : memref<128x128xf32, #tpu.memory_space<vmem>>, vector<16xf32>,
        tpu.vector_store_idx %arg14[%add3A_41, %parallel_loop3A_658], %parallel_loop3A_679 : memref<16x1024xf32, #tpu.memory_space<vmem>>[vector<16xi32>, vector<16xi32>], vector<16xf32>,
        %parallel_loop3A_680 = arith.index_cast %parallel_loop3A_653 : i32 to index
        %parallel_loop3A_681 = arith.constant 112 : index
        %parallel_loop3A_682 = tpu.vector_load %arg10[%parallel_loop3A_680, %parallel_loop3A_681] {strides = array<i32>} : memref<128x128xf32, #tpu.memory_space<vmem>>, vector<16xf32>,
        tpu.vector_store_idx %arg14[%add3A_47, %parallel_loop3A_658], %parallel_loop3A_682 : memref<16x1024xf32, #tpu.memory_space<vmem>>[vector<16xi32>, vector<16xi32>], vector<16xf32>,
      } {sc.loop_unroll_factor = 2 : i64, sc.parallel_access}
      %lt3A_420 = arith.constant 7 : i32
      %lt3A_421 = arith.cmpi slt, %select_n3A_411, %lt3A_420 : i32
      %convert_element_type3A_422 = arith.extui %lt3A_421 : i1 to i32
      %cond3A_423 = arith.constant 0 : i32
      %cond3A_424 = arith.cmpi ne, %convert_element_type3A_422, %cond3A_423 : i32
      scf.if %cond3A_424 {
        %mul3A_653 = arith.constant 16 : i32
        %mul3A_654 = arith.muli %mul3A_653, %select_n3A_411 : i32
        %dma_start3A_655 = arith.constant 0 : i32
        %dma_start3A_656 = tpu.memref_slice %arg4[%select_n3A, %mul3A_654, %add3A, %dma_start3A_655] : memref<20x125x32x1024xf32, #tpu.memory_space<hbm>> -> memref<1x16x1x1024xf32, #tpu.memory_space<hbm>>
        %dma_start3A_657 = tpu.memref_squeeze %dma_start3A_656 : memref<1x16x1x1024xf32, #tpu.memory_space<hbm>> -> memref<16x1024xf32, #tpu.memory_space<hbm>>
        %dma_start3A_658 = arith.constant 0 : i32
        %dma_start3A_659 = tpu.memref_slice %arg4[%select_n3A, %mul3A_654, %add3A, %dma_start3A_658] : memref<20x125x32x1024xf32, #tpu.memory_space<hbm>> -> memref<1x16x1x1024xf32, #tpu.memory_space<hbm>>
        %dma_start3A_660 = tpu.memref_squeeze %dma_start3A_659 : memref<1x16x1x1024xf32, #tpu.memory_space<hbm>> -> memref<16x1024xf32, #tpu.memory_space<hbm>>
        tpu.enqueue_dma source(%arg14 : memref<16x1024xf32, #tpu.memory_space<vmem>>) target(%dma_start3A_660 : memref<16x1024xf32, #tpu.memory_space<hbm>>) target_semaphore(%arg20 : memref<!tpu.dma_semaphore, #tpu.memory_space<semaphore_mem>>)
      } else {
      }
      %eq3A_425 = arith.constant 7 : i32
      %eq3A_426 = arith.cmpi eq, %select_n3A_411, %eq3A_425 : i32
      %convert_element_type3A_427 = arith.extui %eq3A_426 : i1 to i32
      %cond3A_428 = arith.constant 0 : i32
      %cond3A_429 = arith.cmpi ne, %convert_element_type3A_427, %cond3A_428 : i32
      scf.if %cond3A_429 {
        %dma_start3A_653 = arith.constant 0 : i32
        %dma_start3A_654 = arith.constant 0 : i32
        %dma_start3A_655 = tpu.memref_slice %arg14[%dma_start3A_653, %dma_start3A_654] : memref<16x1024xf32, #tpu.memory_space<vmem>> -> memref<13x1024xf32, #tpu.memory_space<vmem>>
        %dma_start3A_656 = arith.constant 112 : i32
        %dma_start3A_657 = arith.constant 0 : i32
        %dma_start3A_658 = tpu.memref_slice %arg4[%select_n3A, %dma_start3A_656, %add3A, %dma_start3A_657] : memref<20x125x32x1024xf32, #tpu.memory_space<hbm>> -> memref<1x13x1x1024xf32, #tpu.memory_space<hbm>>
        %dma_start3A_659 = tpu.memref_squeeze %dma_start3A_658 : memref<1x13x1x1024xf32, #tpu.memory_space<hbm>> -> memref<13x1024xf32, #tpu.memory_space<hbm>>
        %dma_start3A_660 = arith.constant 112 : i32
        %dma_start3A_661 = arith.constant 0 : i32
        %dma_start3A_662 = tpu.memref_slice %arg4[%select_n3A, %dma_start3A_660, %add3A, %dma_start3A_661] : memref<20x125x32x1024xf32, #tpu.memory_space<hbm>> -> memref<1x13x1x1024xf32, #tpu.memory_space<hbm>>
        %dma_start3A_663 = tpu.memref_squeeze %dma_start3A_662 : memref<1x13x1x1024xf32, #tpu.memory_space<hbm>> -> memref<13x1024xf32, #tpu.memory_space<hbm>>
        %dma_start3A_664 = arith.constant 0 : i32
        %dma_start3A_665 = arith.constant 0 : i32
        %dma_start3A_666 = tpu.memref_slice %arg14[%dma_start3A_664, %dma_start3A_665] : memref<16x1024xf32, #tpu.memory_space<vmem>> -> memref<13x1024xf32, #tpu.memory_space<vmem>>
        tpu.enqueue_dma source(%dma_start3A_666 : memref<13x1024xf32, #tpu.memory_space<vmem>>) target(%dma_start3A_663 : memref<13x1024xf32, #tpu.memory_space<hbm>>) target_semaphore(%arg20 : memref<!tpu.dma_semaphore, #tpu.memory_space<semaphore_mem>>)
      } else {
      }
      %add3A_430 = arith.constant 4 : i32
      %add3A_431 = arith.addi %add3A_378, %add3A_430 : i32
      %lt3A_432 = arith.constant 160 : i32
      %lt3A_433 = arith.cmpi slt, %add3A_431, %lt3A_432 : i32
      %convert_element_type3A_434 = arith.extui %lt3A_433 : i1 to i32
      %cond3A_435 = arith.constant 0 : i32
      %cond3A_436 = arith.cmpi ne, %convert_element_type3A_434, %cond3A_435 : i32
      scf.if %cond3A_436 {
        %add3A_653 = arith.constant 4 : i32
        %add3A_654 = arith.addi %add3A_378, %add3A_653 : i32
        %jit3A_655 = arith.constant 8 : i32
        %div3A_656 = arith.divsi %add3A_654, %jit3A_655 : i32
        %sign3A_657 = arith.constant 0 : i32
        %sign3A_658 = arith.cmpi sgt, %add3A_654, %sign3A_657 : i32
        %sign3A_659 = arith.extui %sign3A_658 : i1 to i32
        %sign3A_660 = arith.constant 0 : i32
        %sign3A_661 = arith.cmpi slt, %add3A_654, %sign3A_660 : i32
        %sign3A_662 = arith.extui %sign3A_661 : i1 to i32
        %sign3A_663 = arith.subi %sign3A_659, %sign3A_662 : i32
        %sign3A_664 = arith.constant 0 : i32
        %sign3A_665 = arith.cmpi sgt, %jit3A_655, %sign3A_664 : i32
        %sign3A_666 = arith.extui %sign3A_665 : i1 to i32
        %sign3A_667 = arith.constant 0 : i32
        %sign3A_668 = arith.cmpi slt, %jit3A_655, %sign3A_667 : i32
        %sign3A_669 = arith.extui %sign3A_668 : i1 to i32
        %sign3A_670 = arith.subi %sign3A_666, %sign3A_669 : i32
        %ne3A_671 = arith.cmpi ne, %sign3A_663, %sign3A_670 : i32
        %rem3A_672 = arith.remsi %add3A_654, %jit3A_655 : i32
        %ne3A_673 = arith.constant 0 : i32
        %ne3A_674 = arith.cmpi ne, %rem3A_672, %ne3A_673 : i32
        %and3A_675 = arith.andi %ne3A_671, %ne3A_674 : i1
        %sub3A_676 = arith.constant 1 : i32
        %sub3A_677 = arith.subi %div3A_656, %sub3A_676 : i32
        %select_n3A_678 = arith.select %and3A_675, %sub3A_677, %div3A_656 : i32
        %jit3A_679 = arith.constant 8 : i32
        %eq3A_680 = arith.constant 0 : i32
        %eq3A_681 = arith.cmpi eq, %jit3A_679, %eq3A_680 : i32
        %jit3A_682 = arith.constant 1 : i32
        %select_n3A_683 = arith.select %eq3A_681, %jit3A_682, %jit3A_679 : i32
        %rem3A_684 = arith.remsi %add3A_654, %select_n3A_683 : i32
        %ne3A_685 = arith.constant 0 : i32
        %ne3A_686 = arith.cmpi ne, %rem3A_684, %ne3A_685 : i32
        %lt3A_687 = arith.constant 0 : i32
        %lt3A_688 = arith.cmpi slt, %rem3A_684, %lt3A_687 : i32
        %lt3A_689 = arith.constant 0 : i32
        %lt3A_690 = arith.cmpi slt, %select_n3A_683, %lt3A_689 : i32
        %ne3A_691 = arith.xori %lt3A_688, %lt3A_690 : i1
        %and3A_692 = arith.andi %ne3A_691, %ne3A_686 : i1
        %add3A_693 = arith.addi %rem3A_684, %select_n3A_683 : i32
        %select_n3A_694 = arith.select %and3A_692, %add3A_693, %rem3A_684 : i32
        %mul3A_695 = arith.constant 1000 : i32
        %mul3A_696 = arith.muli %select_n3A_694, %mul3A_695 : i32
        %get3A_697 = arith.index_cast %select_n3A_678 : i32 to index
        %get3A_698 = arith.constant 0 : index
        %get3A_699 = tpu.vector_load %arg5[%get3A_697, %get3A_698] {strides = array<i32>} : memref<20x128xi32, #tpu.memory_space<vmem>>, vector<16xi32>,
        %add3A_700 = vector.broadcast %mul3A_696 : i32 to vector<16xi32>
        %add3A_701 = arith.addi %get3A_699, %add3A_700 : vector<16xi32>
        %swap3A_702 = arith.constant 0 : index
        %swap3A_703 = tpu.vector_load %arg6[%swap3A_702] {strides = array<i32>} : memref<128xi32, #tpu.memory_space<vmem>>, vector<16xi32>,
        tpu.vector_store %arg6[%swap3A_702], %add3A_701 {strides = array<i32>} : memref<128xi32, #tpu.memory_space<vmem>>, vector<16xi32>,
        %get3A_704 = arith.index_cast %select_n3A_678 : i32 to index
        %get3A_705 = arith.constant 16 : index
        %get3A_706 = tpu.vector_load %arg5[%get3A_704, %get3A_705] {strides = array<i32>} : memref<20x128xi32, #tpu.memory_space<vmem>>, vector<16xi32>,
        %add3A_707 = vector.broadcast %mul3A_696 : i32 to vector<16xi32>
        %add3A_708 = arith.addi %get3A_706, %add3A_707 : vector<16xi32>
        %swap3A_709 = arith.constant 16 : index
        %swap3A_710 = tpu.vector_load %arg6[%swap3A_709] {strides = array<i32>} : memref<128xi32, #tpu.memory_space<vmem>>, vector<16xi32>,
        tpu.vector_store %arg6[%swap3A_709], %add3A_708 {strides = array<i32>} : memref<128xi32, #tpu.memory_space<vmem>>, vector<16xi32>,
        %get3A_711 = arith.index_cast %select_n3A_678 : i32 to index
        %get3A_712 = arith.constant 32 : index
        %get3A_713 = tpu.vector_load %arg5[%get3A_711, %get3A_712] {strides = array<i32>} : memref<20x128xi32, #tpu.memory_space<vmem>>, vector<16xi32>,
        %add3A_714 = vector.broadcast %mul3A_696 : i32 to vector<16xi32>
        %add3A_715 = arith.addi %get3A_713, %add3A_714 : vector<16xi32>
        %swap3A_716 = arith.constant 32 : index
        %swap3A_717 = tpu.vector_load %arg6[%swap3A_716] {strides = array<i32>} : memref<128xi32, #tpu.memory_space<vmem>>, vector<16xi32>,
        tpu.vector_store %arg6[%swap3A_716], %add3A_715 {strides = array<i32>} : memref<128xi32, #tpu.memory_space<vmem>>, vector<16xi32>,
        %get3A_718 = arith.index_cast %select_n3A_678 : i32 to index
        %get3A_719 = arith.constant 48 : index
        %get3A_720 = tpu.vector_load %arg5[%get3A_718, %get3A_719] {strides = array<i32>} : memref<20x128xi32, #tpu.memory_space<vmem>>, vector<16xi32>,
        %add3A_721 = vector.broadcast %mul3A_696 : i32 to vector<16xi32>
        %add3A_722 = arith.addi %get3A_720, %add3A_721 : vector<16xi32>
        %swap3A_723 = arith.constant 48 : index
        %swap3A_724 = tpu.vector_load %arg6[%swap3A_723] {strides = array<i32>} : memref<128xi32, #tpu.memory_space<vmem>>, vector<16xi32>,
        tpu.vector_store %arg6[%swap3A_723], %add3A_722 {strides = array<i32>} : memref<128xi32, #tpu.memory_space<vmem>>, vector<16xi32>,
        %get3A_725 = arith.index_cast %select_n3A_678 : i32 to index
        %get3A_726 = arith.constant 64 : index
        %get3A_727 = tpu.vector_load %arg5[%get3A_725, %get3A_726] {strides = array<i32>} : memref<20x128xi32, #tpu.memory_space<vmem>>, vector<16xi32>,
        %add3A_728 = vector.broadcast %mul3A_696 : i32 to vector<16xi32>
        %add3A_729 = arith.addi %get3A_727, %add3A_728 : vector<16xi32>
        %swap3A_730 = arith.constant 64 : index
        %swap3A_731 = tpu.vector_load %arg6[%swap3A_730] {strides = array<i32>} : memref<128xi32, #tpu.memory_space<vmem>>, vector<16xi32>,
        tpu.vector_store %arg6[%swap3A_730], %add3A_729 {strides = array<i32>} : memref<128xi32, #tpu.memory_space<vmem>>, vector<16xi32>,
        %get3A_732 = arith.index_cast %select_n3A_678 : i32 to index
        %get3A_733 = arith.constant 80 : index
        %get3A_734 = tpu.vector_load %arg5[%get3A_732, %get3A_733] {strides = array<i32>} : memref<20x128xi32, #tpu.memory_space<vmem>>, vector<16xi32>,
        %add3A_735 = vector.broadcast %mul3A_696 : i32 to vector<16xi32>
        %add3A_736 = arith.addi %get3A_734, %add3A_735 : vector<16xi32>
        %swap3A_737 = arith.constant 80 : index
        %swap3A_738 = tpu.vector_load %arg6[%swap3A_737] {strides = array<i32>} : memref<128xi32, #tpu.memory_space<vmem>>, vector<16xi32>,
        tpu.vector_store %arg6[%swap3A_737], %add3A_736 {strides = array<i32>} : memref<128xi32, #tpu.memory_space<vmem>>, vector<16xi32>,
        %get3A_739 = arith.index_cast %select_n3A_678 : i32 to index
        %get3A_740 = arith.constant 96 : index
        %get3A_741 = tpu.vector_load %arg5[%get3A_739, %get3A_740] {strides = array<i32>} : memref<20x128xi32, #tpu.memory_space<vmem>>, vector<16xi32>,
        %add3A_742 = vector.broadcast %mul3A_696 : i32 to vector<16xi32>
        %add3A_743 = arith.addi %get3A_741, %add3A_742 : vector<16xi32>
        %swap3A_744 = arith.constant 96 : index
        %swap3A_745 = tpu.vector_load %arg6[%swap3A_744] {strides = array<i32>} : memref<128xi32, #tpu.memory_space<vmem>>, vector<16xi32>,
        tpu.vector_store %arg6[%swap3A_744], %add3A_743 {strides = array<i32>} : memref<128xi32, #tpu.memory_space<vmem>>, vector<16xi32>,
        %get3A_746 = arith.index_cast %select_n3A_678 : i32 to index
        %get3A_747 = arith.constant 112 : index
        %get3A_748 = tpu.vector_load %arg5[%get3A_746, %get3A_747] {strides = array<i32>} : memref<20x128xi32, #tpu.memory_space<vmem>>, vector<16xi32>,
        %add3A_749 = vector.broadcast %mul3A_696 : i32 to vector<16xi32>
        %add3A_750 = arith.addi %get3A_748, %add3A_749 : vector<16xi32>
        %swap3A_751 = arith.constant 112 : index
        %swap3A_752 = tpu.vector_load %arg6[%swap3A_751] {strides = array<i32>} : memref<128xi32, #tpu.memory_space<vmem>>, vector<16xi32>,
        tpu.vector_store %arg6[%swap3A_751], %add3A_750 {strides = array<i32>} : memref<128xi32, #tpu.memory_space<vmem>>, vector<16xi32>,
        %dma_start3A_753 = arith.constant 0 : i32
        %dma_start3A_754 = arith.constant 0 : i32
        %dma_start3A_755 = tpu.memref_slice %arg2[%dma_start3A_753, %dma_start3A_754] : memref<8000x128xf32, #tpu.memory_space<hbm>> -> memref<8000x128xf32, #tpu.memory_space<hbm>>
        tpu.enqueue_indirect_dma source(%dma_start3A_755 : memref<8000x128xf32, #tpu.memory_space<hbm>>) target(%arg10 : memref<128x128xf32, #tpu.memory_space<vmem>>) offsets(%arg6 : memref<128xi32, #tpu.memory_space<vmem>>) semaphore(%arg16 : memref<!tpu.dma_semaphore, #tpu.memory_space<semaphore_mem>>)
      } else {
      }
      %mul3A_437 = arith.constant 4 : i32
      %mul3A_438 = arith.muli %mul3A_437, %scan3A_374 : i32
      %add3A_439 = arith.constant 1 : i32
      %add3A_440 = arith.addi %mul3A_438, %add3A_439 : i32
      %jit3A_441 = arith.constant 8 : i32
      %div3A_442 = arith.divsi %add3A_440, %jit3A_441 : i32
      %sign3A_443 = arith.constant 0 : i32
      %sign3A_444 = arith.cmpi sgt, %add3A_440, %sign3A_443 : i32
      %sign3A_445 = arith.extui %sign3A_444 : i1 to i32
      %sign3A_446 = arith.constant 0 : i32
      %sign3A_447 = arith.cmpi slt, %add3A_440, %sign3A_446 : i32
      %sign3A_448 = arith.extui %sign3A_447 : i1 to i32
      %sign3A_449 = arith.subi %sign3A_445, %sign3A_448 : i32
      %sign3A_450 = arith.constant 0 : i32
      %sign3A_451 = arith.cmpi sgt, %jit3A_441, %sign3A_450 : i32
      %sign3A_452 = arith.extui %sign3A_451 : i1 to i32
      %sign3A_453 = arith.constant 0 : i32
      %sign3A_454 = arith.cmpi slt, %jit3A_441, %sign3A_453 : i32
      %sign3A_455 = arith.extui %sign3A_454 : i1 to i32
      %sign3A_456 = arith.subi %sign3A_452, %sign3A_455 : i32
      %ne3A_457 = arith.cmpi ne, %sign3A_449, %sign3A_456 : i32
      %rem3A_458 = arith.remsi %add3A_440, %jit3A_441 : i32
      %ne3A_459 = arith.constant 0 : i32
      %ne3A_460 = arith.cmpi ne, %rem3A_458, %ne3A_459 : i32
      %and3A_461 = arith.andi %ne3A_457, %ne3A_460 : i1
      %sub3A_462 = arith.constant 1 : i32
      %sub3A_463 = arith.subi %div3A_442, %sub3A_462 : i32
      %select_n3A_464 = arith.select %and3A_461, %sub3A_463, %div3A_442 : i32
      %jit3A_465 = arith.constant 8 : i32
      %eq3A_466 = arith.constant 0 : i32
      %eq3A_467 = arith.cmpi eq, %jit3A_465, %eq3A_466 : i32
      %jit3A_468 = arith.constant 1 : i32
      %select_n3A_469 = arith.select %eq3A_467, %jit3A_468, %jit3A_465 : i32
      %rem3A_470 = arith.remsi %add3A_440, %select_n3A_469 : i32
      %ne3A_471 = arith.constant 0 : i32
      %ne3A_472 = arith.cmpi ne, %rem3A_470, %ne3A_471 : i32
      %lt3A_473 = arith.constant 0 : i32
      %lt3A_474 = arith.cmpi slt, %rem3A_470, %lt3A_473 : i32
      %lt3A_475 = arith.constant 0 : i32
      %lt3A_476 = arith.cmpi slt, %select_n3A_469, %lt3A_475 : i32
      %ne3A_477 = arith.xori %lt3A_474, %lt3A_476 : i1
      %and3A_478 = arith.andi %ne3A_477, %ne3A_472 : i1
      %add3A_479 = arith.addi %rem3A_470, %select_n3A_469 : i32
      %select_n3A_480 = arith.select %and3A_478, %add3A_479, %rem3A_470 : i32
      %dma_wait3A_481 = arith.constant 0 : i32
      %dma_wait3A_482 = arith.constant 0 : i32
      %dma_wait3A_483 = tpu.memref_slice %arg2[%dma_wait3A_481, %dma_wait3A_482] : memref<8000x128xf32, #tpu.memory_space<hbm>> -> memref<8000x128xf32, #tpu.memory_space<hbm>>
      tpu.wait_indirect_dma semaphore(%arg17 : memref<!tpu.dma_semaphore, #tpu.memory_space<semaphore_mem>>) src(%dma_wait3A_483 : memref<8000x128xf32, #tpu.memory_space<hbm>>) dst(%arg11 : memref<128x128xf32, #tpu.memory_space<vmem>>)
      %ge3A_484 = arith.constant 2 : i32
      %ge3A_485 = arith.cmpi sge, %add3A_440, %ge3A_484 : i32
      %convert_element_type3A_486 = arith.extui %ge3A_485 : i1 to i32
      %cond3A_487 = arith.constant 0 : i32
      %cond3A_488 = arith.cmpi ne, %convert_element_type3A_486, %cond3A_487 : i32
      scf.if %cond3A_488 {
        %sub3A_653 = arith.constant 2 : i32
        %sub3A_654 = arith.subi %add3A_440, %sub3A_653 : i32
        %jit3A_655 = arith.constant 8 : i32
        %eq3A_656 = arith.constant 0 : i32
        %eq3A_657 = arith.cmpi eq, %jit3A_655, %eq3A_656 : i32
        %jit3A_658 = arith.constant 1 : i32
        %select_n3A_659 = arith.select %eq3A_657, %jit3A_658, %jit3A_655 : i32
        %rem3A_660 = arith.remsi %sub3A_654, %select_n3A_659 : i32
        %ne3A_661 = arith.constant 0 : i32
        %ne3A_662 = arith.cmpi ne, %rem3A_660, %ne3A_661 : i32
        %lt3A_663 = arith.constant 0 : i32
        %lt3A_664 = arith.cmpi slt, %rem3A_660, %lt3A_663 : i32
        %lt3A_665 = arith.constant 0 : i32
        %lt3A_666 = arith.cmpi slt, %select_n3A_659, %lt3A_665 : i32
        %ne3A_667 = arith.xori %lt3A_664, %lt3A_666 : i1
        %and3A_668 = arith.andi %ne3A_667, %ne3A_662 : i1
        %add3A_669 = arith.addi %rem3A_660, %select_n3A_659 : i32
        %select_n3A_670 = arith.select %and3A_668, %add3A_669, %rem3A_660 : i32
        %lt3A_671 = arith.constant 7 : i32
        %lt3A_672 = arith.cmpi slt, %select_n3A_670, %lt3A_671 : i32
        %convert_element_type3A_673 = arith.extui %lt3A_672 : i1 to i32
        %cond3A_674 = arith.constant 0 : i32
        %cond3A_675 = arith.cmpi ne, %convert_element_type3A_673, %cond3A_674 : i32
        scf.if %cond3A_675 {
          %dma_wait3A_681 = arith.constant 0 : i32
          %dma_wait3A_682 = arith.constant 0 : i32
          %dma_wait3A_683 = arith.constant 0 : i32
          %dma_wait3A_684 = arith.constant 0 : i32
          %dma_wait3A_685 = tpu.memref_slice %arg4[%dma_wait3A_681, %dma_wait3A_683, %dma_wait3A_682, %dma_wait3A_684] : memref<20x125x32x1024xf32, #tpu.memory_space<hbm>> -> memref<1x16x1x1024xf32, #tpu.memory_space<hbm>>
          %dma_wait3A_686 = tpu.memref_squeeze %dma_wait3A_685 : memref<1x16x1x1024xf32, #tpu.memory_space<hbm>> -> memref<16x1024xf32, #tpu.memory_space<hbm>>
          %dma_wait3A_687 = arith.constant 0 : i32
          %dma_wait3A_688 = arith.constant 0 : i32
          %dma_wait3A_689 = tpu.memref_slice %arg4[%dma_wait3A_681, %dma_wait3A_687, %dma_wait3A_682, %dma_wait3A_688] : memref<20x125x32x1024xf32, #tpu.memory_space<hbm>> -> memref<1x16x1x1024xf32, #tpu.memory_space<hbm>>
          %dma_wait3A_690 = tpu.memref_squeeze %dma_wait3A_689 : memref<1x16x1x1024xf32, #tpu.memory_space<hbm>> -> memref<16x1024xf32, #tpu.memory_space<hbm>>
          tpu.wait_dma2 semaphore(%arg21 : memref<!tpu.dma_semaphore, #tpu.memory_space<semaphore_mem>>) src(%arg15 : memref<16x1024xf32, #tpu.memory_space<vmem>>) dst(%dma_wait3A_690 : memref<16x1024xf32, #tpu.memory_space<hbm>>)
        } else {
        }
        %eq3A_676 = arith.constant 7 : i32
        %eq3A_677 = arith.cmpi eq, %select_n3A_670, %eq3A_676 : i32
        %convert_element_type3A_678 = arith.extui %eq3A_677 : i1 to i32
        %cond3A_679 = arith.constant 0 : i32
        %cond3A_680 = arith.cmpi ne, %convert_element_type3A_678, %cond3A_679 : i32
        scf.if %cond3A_680 {
          %dma_wait3A_681 = arith.constant 0 : i32
          %dma_wait3A_682 = arith.constant 0 : i32
          %dma_wait3A_683 = arith.constant 0 : i32
          %dma_wait3A_684 = arith.constant 0 : i32
          %dma_wait3A_685 = tpu.memref_slice %arg15[%dma_wait3A_683, %dma_wait3A_684] : memref<16x1024xf32, #tpu.memory_space<vmem>> -> memref<13x1024xf32, #tpu.memory_space<vmem>>
          %dma_wait3A_686 = arith.constant 0 : i32
          %dma_wait3A_687 = arith.constant 0 : i32
          %dma_wait3A_688 = tpu.memref_slice %arg4[%dma_wait3A_681, %dma_wait3A_686, %dma_wait3A_682, %dma_wait3A_687] : memref<20x125x32x1024xf32, #tpu.memory_space<hbm>> -> memref<1x13x1x1024xf32, #tpu.memory_space<hbm>>
          %dma_wait3A_689 = tpu.memref_squeeze %dma_wait3A_688 : memref<1x13x1x1024xf32, #tpu.memory_space<hbm>> -> memref<13x1024xf32, #tpu.memory_space<hbm>>
          %dma_wait3A_690 = arith.constant 0 : i32
          %dma_wait3A_691 = arith.constant 0 : i32
          %dma_wait3A_692 = tpu.memref_slice %arg4[%dma_wait3A_681, %dma_wait3A_690, %dma_wait3A_682, %dma_wait3A_691] : memref<20x125x32x1024xf32, #tpu.memory_space<hbm>> -> memref<1x13x1x1024xf32, #tpu.memory_space<hbm>>
          %dma_wait3A_693 = tpu.memref_squeeze %dma_wait3A_692 : memref<1x13x1x1024xf32, #tpu.memory_space<hbm>> -> memref<13x1024xf32, #tpu.memory_space<hbm>>
          %dma_wait3A_694 = arith.constant 0 : i32
          %dma_wait3A_695 = arith.constant 0 : i32
          %dma_wait3A_696 = tpu.memref_slice %arg15[%dma_wait3A_694, %dma_wait3A_695] : memref<16x1024xf32, #tpu.memory_space<vmem>> -> memref<13x1024xf32, #tpu.memory_space<vmem>>
          tpu.wait_dma2 semaphore(%arg21 : memref<!tpu.dma_semaphore, #tpu.memory_space<semaphore_mem>>) src(%dma_wait3A_696 : memref<13x1024xf32, #tpu.memory_space<vmem>>) dst(%dma_wait3A_693 : memref<13x1024xf32, #tpu.memory_space<hbm>>)
        } else {
        }
      } else {
      }
      %parallel_loop3A_489 = arith.constant 0 : i32
      %parallel_loop3A_490 = arith.constant 128 : i32
      %parallel_loop3A_491 = arith.constant 1 : i32
      scf.for %parallel_loop3A_653 = %parallel_loop3A_489 to %parallel_loop3A_490 step %parallel_loop3A_491  : i32 {
        %parallel_loop3A_654 = arith.constant 0 : i32
        %parallel_loop3A_655 = vector.broadcast %parallel_loop3A_654 : i32 to vector<16xi32>
        %parallel_loop3A_656 = vector.broadcast %parallel_loop3A_653 : i32 to vector<16xi32>
        %parallel_loop3A_657 = arith.addi %parallel_loop3A_655, %parallel_loop3A_656 : vector<16xi32>
        %parallel_loop3A_658 = arith.addi %shift_left3A_51, %parallel_loop3A_657 : vector<16xi32>
        %parallel_loop3A_659 = arith.index_cast %parallel_loop3A_653 : i32 to index
        %parallel_loop3A_660 = arith.constant 0 : index
        %parallel_loop3A_661 = tpu.vector_load %arg11[%parallel_loop3A_659, %parallel_loop3A_660] {strides = array<i32>} : memref<128x128xf32, #tpu.memory_space<vmem>>, vector<16xf32>,
        tpu.vector_store_idx %arg15[%add3A_5, %parallel_loop3A_658], %parallel_loop3A_661 : memref<16x1024xf32, #tpu.memory_space<vmem>>[vector<16xi32>, vector<16xi32>], vector<16xf32>,
        %parallel_loop3A_662 = arith.index_cast %parallel_loop3A_653 : i32 to index
        %parallel_loop3A_663 = arith.constant 16 : index
        %parallel_loop3A_664 = tpu.vector_load %arg11[%parallel_loop3A_662, %parallel_loop3A_663] {strides = array<i32>} : memref<128x128xf32, #tpu.memory_space<vmem>>, vector<16xf32>,
        tpu.vector_store_idx %arg15[%add3A_11, %parallel_loop3A_658], %parallel_loop3A_664 : memref<16x1024xf32, #tpu.memory_space<vmem>>[vector<16xi32>, vector<16xi32>], vector<16xf32>,
        %parallel_loop3A_665 = arith.index_cast %parallel_loop3A_653 : i32 to index
        %parallel_loop3A_666 = arith.constant 32 : index
        %parallel_loop3A_667 = tpu.vector_load %arg11[%parallel_loop3A_665, %parallel_loop3A_666] {strides = array<i32>} : memref<128x128xf32, #tpu.memory_space<vmem>>, vector<16xf32>,
        tpu.vector_store_idx %arg15[%add3A_17, %parallel_loop3A_658], %parallel_loop3A_667 : memref<16x1024xf32, #tpu.memory_space<vmem>>[vector<16xi32>, vector<16xi32>], vector<16xf32>,
        %parallel_loop3A_668 = arith.index_cast %parallel_loop3A_653 : i32 to index
        %parallel_loop3A_669 = arith.constant 48 : index
        %parallel_loop3A_670 = tpu.vector_load %arg11[%parallel_loop3A_668, %parallel_loop3A_669] {strides = array<i32>} : memref<128x128xf32, #tpu.memory_space<vmem>>, vector<16xf32>,
        tpu.vector_store_idx %arg15[%add3A_23, %parallel_loop3A_658], %parallel_loop3A_670 : memref<16x1024xf32, #tpu.memory_space<vmem>>[vector<16xi32>, vector<16xi32>], vector<16xf32>,
        %parallel_loop3A_671 = arith.index_cast %parallel_loop3A_653 : i32 to index
        %parallel_loop3A_672 = arith.constant 64 : index
        %parallel_loop3A_673 = tpu.vector_load %arg11[%parallel_loop3A_671, %parallel_loop3A_672] {strides = array<i32>} : memref<128x128xf32, #tpu.memory_space<vmem>>, vector<16xf32>,
        tpu.vector_store_idx %arg15[%add3A_29, %parallel_loop3A_658], %parallel_loop3A_673 : memref<16x1024xf32, #tpu.memory_space<vmem>>[vector<16xi32>, vector<16xi32>], vector<16xf32>,
        %parallel_loop3A_674 = arith.index_cast %parallel_loop3A_653 : i32 to index
        %parallel_loop3A_675 = arith.constant 80 : index
        %parallel_loop3A_676 = tpu.vector_load %arg11[%parallel_loop3A_674, %parallel_loop3A_675] {strides = array<i32>} : memref<128x128xf32, #tpu.memory_space<vmem>>, vector<16xf32>,
        tpu.vector_store_idx %arg15[%add3A_35, %parallel_loop3A_658], %parallel_loop3A_676 : memref<16x1024xf32, #tpu.memory_space<vmem>>[vector<16xi32>, vector<16xi32>], vector<16xf32>,
        %parallel_loop3A_677 = arith.index_cast %parallel_loop3A_653 : i32 to index
        %parallel_loop3A_678 = arith.constant 96 : index
        %parallel_loop3A_679 = tpu.vector_load %arg11[%parallel_loop3A_677, %parallel_loop3A_678] {strides = array<i32>} : memref<128x128xf32, #tpu.memory_space<vmem>>, vector<16xf32>,
        tpu.vector_store_idx %arg15[%add3A_41, %parallel_loop3A_658], %parallel_loop3A_679 : memref<16x1024xf32, #tpu.memory_space<vmem>>[vector<16xi32>, vector<16xi32>], vector<16xf32>,
        %parallel_loop3A_680 = arith.index_cast %parallel_loop3A_653 : i32 to index
        %parallel_loop3A_681 = arith.constant 112 : index
        %parallel_loop3A_682 = tpu.vector_load %arg11[%parallel_loop3A_680, %parallel_loop3A_681] {strides = array<i32>} : memref<128x128xf32, #tpu.memory_space<vmem>>, vector<16xf32>,
        tpu.vector_store_idx %arg15[%add3A_47, %parallel_loop3A_658], %parallel_loop3A_682 : memref<16x1024xf32, #tpu.memory_space<vmem>>[vector<16xi32>, vector<16xi32>], vector<16xf32>,
      } {sc.loop_unroll_factor = 2 : i64, sc.parallel_access}
      %lt3A_492 = arith.constant 7 : i32
      %lt3A_493 = arith.cmpi slt, %select_n3A_480, %lt3A_492 : i32
      %convert_element_type3A_494 = arith.extui %lt3A_493 : i1 to i32
      %cond3A_495 = arith.constant 0 : i32
      %cond3A_496 = arith.cmpi ne, %convert_element_type3A_494, %cond3A_495 : i32
      scf.if %cond3A_496 {
        %mul3A_653 = arith.constant 16 : i32
        %mul3A_654 = arith.muli %mul3A_653, %select_n3A_480 : i32
        %dma_start3A_655 = arith.constant 0 : i32
        %dma_start3A_656 = tpu.memref_slice %arg4[%select_n3A_464, %mul3A_654, %add3A, %dma_start3A_655] : memref<20x125x32x1024xf32, #tpu.memory_space<hbm>> -> memref<1x16x1x1024xf32, #tpu.memory_space<hbm>>
        %dma_start3A_657 = tpu.memref_squeeze %dma_start3A_656 : memref<1x16x1x1024xf32, #tpu.memory_space<hbm>> -> memref<16x1024xf32, #tpu.memory_space<hbm>>
        %dma_start3A_658 = arith.constant 0 : i32
        %dma_start3A_659 = tpu.memref_slice %arg4[%select_n3A_464, %mul3A_654, %add3A, %dma_start3A_658] : memref<20x125x32x1024xf32, #tpu.memory_space<hbm>> -> memref<1x16x1x1024xf32, #tpu.memory_space<hbm>>
        %dma_start3A_660 = tpu.memref_squeeze %dma_start3A_659 : memref<1x16x1x1024xf32, #tpu.memory_space<hbm>> -> memref<16x1024xf32, #tpu.memory_space<hbm>>
        tpu.enqueue_dma source(%arg15 : memref<16x1024xf32, #tpu.memory_space<vmem>>) target(%dma_start3A_660 : memref<16x1024xf32, #tpu.memory_space<hbm>>) target_semaphore(%arg21 : memref<!tpu.dma_semaphore, #tpu.memory_space<semaphore_mem>>)
      } else {
      }
      %eq3A_497 = arith.constant 7 : i32
      %eq3A_498 = arith.cmpi eq, %select_n3A_480, %eq3A_497 : i32
      %convert_element_type3A_499 = arith.extui %eq3A_498 : i1 to i32
      %cond3A_500 = arith.constant 0 : i32
      %cond3A_501 = arith.cmpi ne, %convert_element_type3A_499, %cond3A_500 : i32
      scf.if %cond3A_501 {
        %dma_start3A_653 = arith.constant 0 : i32
        %dma_start3A_654 = arith.constant 0 : i32
        %dma_start3A_655 = tpu.memref_slice %arg15[%dma_start3A_653, %dma_start3A_654] : memref<16x1024xf32, #tpu.memory_space<vmem>> -> memref<13x1024xf32, #tpu.memory_space<vmem>>
        %dma_start3A_656 = arith.constant 112 : i32
        %dma_start3A_657 = arith.constant 0 : i32
        %dma_start3A_658 = tpu.memref_slice %arg4[%select_n3A_464, %dma_start3A_656, %add3A, %dma_start3A_657] : memref<20x125x32x1024xf32, #tpu.memory_space<hbm>> -> memref<1x13x1x1024xf32, #tpu.memory_space<hbm>>
        %dma_start3A_659 = tpu.memref_squeeze %dma_start3A_658 : memref<1x13x1x1024xf32, #tpu.memory_space<hbm>> -> memref<13x1024xf32, #tpu.memory_space<hbm>>
        %dma_start3A_660 = arith.constant 112 : i32
        %dma_start3A_661 = arith.constant 0 : i32
        %dma_start3A_662 = tpu.memref_slice %arg4[%select_n3A_464, %dma_start3A_660, %add3A, %dma_start3A_661] : memref<20x125x32x1024xf32, #tpu.memory_space<hbm>> -> memref<1x13x1x1024xf32, #tpu.memory_space<hbm>>
        %dma_start3A_663 = tpu.memref_squeeze %dma_start3A_662 : memref<1x13x1x1024xf32, #tpu.memory_space<hbm>> -> memref<13x1024xf32, #tpu.memory_space<hbm>>
        %dma_start3A_664 = arith.constant 0 : i32
        %dma_start3A_665 = arith.constant 0 : i32
        %dma_start3A_666 = tpu.memref_slice %arg15[%dma_start3A_664, %dma_start3A_665] : memref<16x1024xf32, #tpu.memory_space<vmem>> -> memref<13x1024xf32, #tpu.memory_space<vmem>>
        tpu.enqueue_dma source(%dma_start3A_666 : memref<13x1024xf32, #tpu.memory_space<vmem>>) target(%dma_start3A_663 : memref<13x1024xf32, #tpu.memory_space<hbm>>) target_semaphore(%arg21 : memref<!tpu.dma_semaphore, #tpu.memory_space<semaphore_mem>>)
      } else {
      }
      %add3A_502 = arith.constant 4 : i32
      %add3A_503 = arith.addi %add3A_440, %add3A_502 : i32
      %lt3A_504 = arith.constant 160 : i32
      %lt3A_505 = arith.cmpi slt, %add3A_503, %lt3A_504 : i32
      %convert_element_type3A_506 = arith.extui %lt3A_505 : i1 to i32
      %cond3A_507 = arith.constant 0 : i32
      %cond3A_508 = arith.cmpi ne, %convert_element_type3A_506, %cond3A_507 : i32
      scf.if %cond3A_508 {
        %add3A_653 = arith.constant 4 : i32
        %add3A_654 = arith.addi %add3A_440, %add3A_653 : i32
        %jit3A_655 = arith.constant 8 : i32
        %div3A_656 = arith.divsi %add3A_654, %jit3A_655 : i32
        %sign3A_657 = arith.constant 0 : i32
        %sign3A_658 = arith.cmpi sgt, %add3A_654, %sign3A_657 : i32
        %sign3A_659 = arith.extui %sign3A_658 : i1 to i32
        %sign3A_660 = arith.constant 0 : i32
        %sign3A_661 = arith.cmpi slt, %add3A_654, %sign3A_660 : i32
        %sign3A_662 = arith.extui %sign3A_661 : i1 to i32
        %sign3A_663 = arith.subi %sign3A_659, %sign3A_662 : i32
        %sign3A_664 = arith.constant 0 : i32
        %sign3A_665 = arith.cmpi sgt, %jit3A_655, %sign3A_664 : i32
        %sign3A_666 = arith.extui %sign3A_665 : i1 to i32
        %sign3A_667 = arith.constant 0 : i32
        %sign3A_668 = arith.cmpi slt, %jit3A_655, %sign3A_667 : i32
        %sign3A_669 = arith.extui %sign3A_668 : i1 to i32
        %sign3A_670 = arith.subi %sign3A_666, %sign3A_669 : i32
        %ne3A_671 = arith.cmpi ne, %sign3A_663, %sign3A_670 : i32
        %rem3A_672 = arith.remsi %add3A_654, %jit3A_655 : i32
        %ne3A_673 = arith.constant 0 : i32
        %ne3A_674 = arith.cmpi ne, %rem3A_672, %ne3A_673 : i32
        %and3A_675 = arith.andi %ne3A_671, %ne3A_674 : i1
        %sub3A_676 = arith.constant 1 : i32
        %sub3A_677 = arith.subi %div3A_656, %sub3A_676 : i32
        %select_n3A_678 = arith.select %and3A_675, %sub3A_677, %div3A_656 : i32
        %jit3A_679 = arith.constant 8 : i32
        %eq3A_680 = arith.constant 0 : i32
        %eq3A_681 = arith.cmpi eq, %jit3A_679, %eq3A_680 : i32
        %jit3A_682 = arith.constant 1 : i32
        %select_n3A_683 = arith.select %eq3A_681, %jit3A_682, %jit3A_679 : i32
        %rem3A_684 = arith.remsi %add3A_654, %select_n3A_683 : i32
        %ne3A_685 = arith.constant 0 : i32
        %ne3A_686 = arith.cmpi ne, %rem3A_684, %ne3A_685 : i32
        %lt3A_687 = arith.constant 0 : i32
        %lt3A_688 = arith.cmpi slt, %rem3A_684, %lt3A_687 : i32
        %lt3A_689 = arith.constant 0 : i32
        %lt3A_690 = arith.cmpi slt, %select_n3A_683, %lt3A_689 : i32
        %ne3A_691 = arith.xori %lt3A_688, %lt3A_690 : i1
        %and3A_692 = arith.andi %ne3A_691, %ne3A_686 : i1
        %add3A_693 = arith.addi %rem3A_684, %select_n3A_683 : i32
        %select_n3A_694 = arith.select %and3A_692, %add3A_693, %rem3A_684 : i32
        %mul3A_695 = arith.constant 1000 : i32
        %mul3A_696 = arith.muli %select_n3A_694, %mul3A_695 : i32
        %get3A_697 = arith.index_cast %select_n3A_678 : i32 to index
        %get3A_698 = arith.constant 0 : index
        %get3A_699 = tpu.vector_load %arg5[%get3A_697, %get3A_698] {strides = array<i32>} : memref<20x128xi32, #tpu.memory_space<vmem>>, vector<16xi32>,
        %add3A_700 = vector.broadcast %mul3A_696 : i32 to vector<16xi32>
        %add3A_701 = arith.addi %get3A_699, %add3A_700 : vector<16xi32>
        %swap3A_702 = arith.constant 0 : index
        %swap3A_703 = tpu.vector_load %arg7[%swap3A_702] {strides = array<i32>} : memref<128xi32, #tpu.memory_space<vmem>>, vector<16xi32>,
        tpu.vector_store %arg7[%swap3A_702], %add3A_701 {strides = array<i32>} : memref<128xi32, #tpu.memory_space<vmem>>, vector<16xi32>,
        %get3A_704 = arith.index_cast %select_n3A_678 : i32 to index
        %get3A_705 = arith.constant 16 : index
        %get3A_706 = tpu.vector_load %arg5[%get3A_704, %get3A_705] {strides = array<i32>} : memref<20x128xi32, #tpu.memory_space<vmem>>, vector<16xi32>,
        %add3A_707 = vector.broadcast %mul3A_696 : i32 to vector<16xi32>
        %add3A_708 = arith.addi %get3A_706, %add3A_707 : vector<16xi32>
        %swap3A_709 = arith.constant 16 : index
        %swap3A_710 = tpu.vector_load %arg7[%swap3A_709] {strides = array<i32>} : memref<128xi32, #tpu.memory_space<vmem>>, vector<16xi32>,
        tpu.vector_store %arg7[%swap3A_709], %add3A_708 {strides = array<i32>} : memref<128xi32, #tpu.memory_space<vmem>>, vector<16xi32>,
        %get3A_711 = arith.index_cast %select_n3A_678 : i32 to index
        %get3A_712 = arith.constant 32 : index
        %get3A_713 = tpu.vector_load %arg5[%get3A_711, %get3A_712] {strides = array<i32>} : memref<20x128xi32, #tpu.memory_space<vmem>>, vector<16xi32>,
        %add3A_714 = vector.broadcast %mul3A_696 : i32 to vector<16xi32>
        %add3A_715 = arith.addi %get3A_713, %add3A_714 : vector<16xi32>
        %swap3A_716 = arith.constant 32 : index
        %swap3A_717 = tpu.vector_load %arg7[%swap3A_716] {strides = array<i32>} : memref<128xi32, #tpu.memory_space<vmem>>, vector<16xi32>,
        tpu.vector_store %arg7[%swap3A_716], %add3A_715 {strides = array<i32>} : memref<128xi32, #tpu.memory_space<vmem>>, vector<16xi32>,
        %get3A_718 = arith.index_cast %select_n3A_678 : i32 to index
        %get3A_719 = arith.constant 48 : index
        %get3A_720 = tpu.vector_load %arg5[%get3A_718, %get3A_719] {strides = array<i32>} : memref<20x128xi32, #tpu.memory_space<vmem>>, vector<16xi32>,
        %add3A_721 = vector.broadcast %mul3A_696 : i32 to vector<16xi32>
        %add3A_722 = arith.addi %get3A_720, %add3A_721 : vector<16xi32>
        %swap3A_723 = arith.constant 48 : index
        %swap3A_724 = tpu.vector_load %arg7[%swap3A_723] {strides = array<i32>} : memref<128xi32, #tpu.memory_space<vmem>>, vector<16xi32>,
        tpu.vector_store %arg7[%swap3A_723], %add3A_722 {strides = array<i32>} : memref<128xi32, #tpu.memory_space<vmem>>, vector<16xi32>,
        %get3A_725 = arith.index_cast %select_n3A_678 : i32 to index
        %get3A_726 = arith.constant 64 : index
        %get3A_727 = tpu.vector_load %arg5[%get3A_725, %get3A_726] {strides = array<i32>} : memref<20x128xi32, #tpu.memory_space<vmem>>, vector<16xi32>,
        %add3A_728 = vector.broadcast %mul3A_696 : i32 to vector<16xi32>
        %add3A_729 = arith.addi %get3A_727, %add3A_728 : vector<16xi32>
        %swap3A_730 = arith.constant 64 : index
        %swap3A_731 = tpu.vector_load %arg7[%swap3A_730] {strides = array<i32>} : memref<128xi32, #tpu.memory_space<vmem>>, vector<16xi32>,
        tpu.vector_store %arg7[%swap3A_730], %add3A_729 {strides = array<i32>} : memref<128xi32, #tpu.memory_space<vmem>>, vector<16xi32>,
        %get3A_732 = arith.index_cast %select_n3A_678 : i32 to index
        %get3A_733 = arith.constant 80 : index
        %get3A_734 = tpu.vector_load %arg5[%get3A_732, %get3A_733] {strides = array<i32>} : memref<20x128xi32, #tpu.memory_space<vmem>>, vector<16xi32>,
        %add3A_735 = vector.broadcast %mul3A_696 : i32 to vector<16xi32>
        %add3A_736 = arith.addi %get3A_734, %add3A_735 : vector<16xi32>
        %swap3A_737 = arith.constant 80 : index
        %swap3A_738 = tpu.vector_load %arg7[%swap3A_737] {strides = array<i32>} : memref<128xi32, #tpu.memory_space<vmem>>, vector<16xi32>,
        tpu.vector_store %arg7[%swap3A_737], %add3A_736 {strides = array<i32>} : memref<128xi32, #tpu.memory_space<vmem>>, vector<16xi32>,
        %get3A_739 = arith.index_cast %select_n3A_678 : i32 to index
        %get3A_740 = arith.constant 96 : index
        %get3A_741 = tpu.vector_load %arg5[%get3A_739, %get3A_740] {strides = array<i32>} : memref<20x128xi32, #tpu.memory_space<vmem>>, vector<16xi32>,
        %add3A_742 = vector.broadcast %mul3A_696 : i32 to vector<16xi32>
        %add3A_743 = arith.addi %get3A_741, %add3A_742 : vector<16xi32>
        %swap3A_744 = arith.constant 96 : index
        %swap3A_745 = tpu.vector_load %arg7[%swap3A_744] {strides = array<i32>} : memref<128xi32, #tpu.memory_space<vmem>>, vector<16xi32>,
        tpu.vector_store %arg7[%swap3A_744], %add3A_743 {strides = array<i32>} : memref<128xi32, #tpu.memory_space<vmem>>, vector<16xi32>,
        %get3A_746 = arith.index_cast %select_n3A_678 : i32 to index
        %get3A_747 = arith.constant 112 : index
        %get3A_748 = tpu.vector_load %arg5[%get3A_746, %get3A_747] {strides = array<i32>} : memref<20x128xi32, #tpu.memory_space<vmem>>, vector<16xi32>,
        %add3A_749 = vector.broadcast %mul3A_696 : i32 to vector<16xi32>
        %add3A_750 = arith.addi %get3A_748, %add3A_749 : vector<16xi32>
        %swap3A_751 = arith.constant 112 : index
        %swap3A_752 = tpu.vector_load %arg7[%swap3A_751] {strides = array<i32>} : memref<128xi32, #tpu.memory_space<vmem>>, vector<16xi32>,
        tpu.vector_store %arg7[%swap3A_751], %add3A_750 {strides = array<i32>} : memref<128xi32, #tpu.memory_space<vmem>>, vector<16xi32>,
        %dma_start3A_753 = arith.constant 0 : i32
        %dma_start3A_754 = arith.constant 0 : i32
        %dma_start3A_755 = tpu.memref_slice %arg2[%dma_start3A_753, %dma_start3A_754] : memref<8000x128xf32, #tpu.memory_space<hbm>> -> memref<8000x128xf32, #tpu.memory_space<hbm>>
        tpu.enqueue_indirect_dma source(%dma_start3A_755 : memref<8000x128xf32, #tpu.memory_space<hbm>>) target(%arg11 : memref<128x128xf32, #tpu.memory_space<vmem>>) offsets(%arg7 : memref<128xi32, #tpu.memory_space<vmem>>) semaphore(%arg17 : memref<!tpu.dma_semaphore, #tpu.memory_space<semaphore_mem>>)
      } else {
      }
      %mul3A_509 = arith.constant 4 : i32
      %mul3A_510 = arith.muli %mul3A_509, %scan3A_374 : i32
      %add3A_511 = arith.constant 2 : i32
      %add3A_512 = arith.addi %mul3A_510, %add3A_511 : i32
      %jit3A_513 = arith.constant 8 : i32
      %div3A_514 = arith.divsi %add3A_512, %jit3A_513 : i32
      %sign3A_515 = arith.constant 0 : i32
      %sign3A_516 = arith.cmpi sgt, %add3A_512, %sign3A_515 : i32
      %sign3A_517 = arith.extui %sign3A_516 : i1 to i32
      %sign3A_518 = arith.constant 0 : i32
      %sign3A_519 = arith.cmpi slt, %add3A_512, %sign3A_518 : i32
      %sign3A_520 = arith.extui %sign3A_519 : i1 to i32
      %sign3A_521 = arith.subi %sign3A_517, %sign3A_520 : i32
      %sign3A_522 = arith.constant 0 : i32
      %sign3A_523 = arith.cmpi sgt, %jit3A_513, %sign3A_522 : i32
      %sign3A_524 = arith.extui %sign3A_523 : i1 to i32
      %sign3A_525 = arith.constant 0 : i32
      %sign3A_526 = arith.cmpi slt, %jit3A_513, %sign3A_525 : i32
      %sign3A_527 = arith.extui %sign3A_526 : i1 to i32
      %sign3A_528 = arith.subi %sign3A_524, %sign3A_527 : i32
      %ne3A_529 = arith.cmpi ne, %sign3A_521, %sign3A_528 : i32
      %rem3A_530 = arith.remsi %add3A_512, %jit3A_513 : i32
      %ne3A_531 = arith.constant 0 : i32
      %ne3A_532 = arith.cmpi ne, %rem3A_530, %ne3A_531 : i32
      %and3A_533 = arith.andi %ne3A_529, %ne3A_532 : i1
      %sub3A_534 = arith.constant 1 : i32
      %sub3A_535 = arith.subi %div3A_514, %sub3A_534 : i32
      %select_n3A_536 = arith.select %and3A_533, %sub3A_535, %div3A_514 : i32
      %jit3A_537 = arith.constant 8 : i32
      %eq3A_538 = arith.constant 0 : i32
      %eq3A_539 = arith.cmpi eq, %jit3A_537, %eq3A_538 : i32
      %jit3A_540 = arith.constant 1 : i32
      %select_n3A_541 = arith.select %eq3A_539, %jit3A_540, %jit3A_537 : i32
      %rem3A_542 = arith.remsi %add3A_512, %select_n3A_541 : i32
      %ne3A_543 = arith.constant 0 : i32
      %ne3A_544 = arith.cmpi ne, %rem3A_542, %ne3A_543 : i32
      %lt3A_545 = arith.constant 0 : i32
      %lt3A_546 = arith.cmpi slt, %rem3A_542, %lt3A_545 : i32
      %lt3A_547 = arith.constant 0 : i32
      %lt3A_548 = arith.cmpi slt, %select_n3A_541, %lt3A_547 : i32
      %ne3A_549 = arith.xori %lt3A_546, %lt3A_548 : i1
      %and3A_550 = arith.andi %ne3A_549, %ne3A_544 : i1
      %add3A_551 = arith.addi %rem3A_542, %select_n3A_541 : i32
      %select_n3A_552 = arith.select %and3A_550, %add3A_551, %rem3A_542 : i32
      %dma_wait3A_553 = arith.constant 0 : i32
      %dma_wait3A_554 = arith.constant 0 : i32
      %dma_wait3A_555 = tpu.memref_slice %arg2[%dma_wait3A_553, %dma_wait3A_554] : memref<8000x128xf32, #tpu.memory_space<hbm>> -> memref<8000x128xf32, #tpu.memory_space<hbm>>
      tpu.wait_indirect_dma semaphore(%arg18 : memref<!tpu.dma_semaphore, #tpu.memory_space<semaphore_mem>>) src(%dma_wait3A_555 : memref<8000x128xf32, #tpu.memory_space<hbm>>) dst(%arg12 : memref<128x128xf32, #tpu.memory_space<vmem>>)
      %ge3A_556 = arith.constant 2 : i32
      %ge3A_557 = arith.cmpi sge, %add3A_512, %ge3A_556 : i32
      %convert_element_type3A_558 = arith.extui %ge3A_557 : i1 to i32
      %cond3A_559 = arith.constant 0 : i32
      %cond3A_560 = arith.cmpi ne, %convert_element_type3A_558, %cond3A_559 : i32
      scf.if %cond3A_560 {
        %sub3A_653 = arith.constant 2 : i32
        %sub3A_654 = arith.subi %add3A_512, %sub3A_653 : i32
        %jit3A_655 = arith.constant 8 : i32
        %eq3A_656 = arith.constant 0 : i32
        %eq3A_657 = arith.cmpi eq, %jit3A_655, %eq3A_656 : i32
        %jit3A_658 = arith.constant 1 : i32
        %select_n3A_659 = arith.select %eq3A_657, %jit3A_658, %jit3A_655 : i32
        %rem3A_660 = arith.remsi %sub3A_654, %select_n3A_659 : i32
        %ne3A_661 = arith.constant 0 : i32
        %ne3A_662 = arith.cmpi ne, %rem3A_660, %ne3A_661 : i32
        %lt3A_663 = arith.constant 0 : i32
        %lt3A_664 = arith.cmpi slt, %rem3A_660, %lt3A_663 : i32
        %lt3A_665 = arith.constant 0 : i32
        %lt3A_666 = arith.cmpi slt, %select_n3A_659, %lt3A_665 : i32
        %ne3A_667 = arith.xori %lt3A_664, %lt3A_666 : i1
        %and3A_668 = arith.andi %ne3A_667, %ne3A_662 : i1
        %add3A_669 = arith.addi %rem3A_660, %select_n3A_659 : i32
        %select_n3A_670 = arith.select %and3A_668, %add3A_669, %rem3A_660 : i32
        %lt3A_671 = arith.constant 7 : i32
        %lt3A_672 = arith.cmpi slt, %select_n3A_670, %lt3A_671 : i32
        %convert_element_type3A_673 = arith.extui %lt3A_672 : i1 to i32
        %cond3A_674 = arith.constant 0 : i32
        %cond3A_675 = arith.cmpi ne, %convert_element_type3A_673, %cond3A_674 : i32
        scf.if %cond3A_675 {
          %dma_wait3A_681 = arith.constant 0 : i32
          %dma_wait3A_682 = arith.constant 0 : i32
          %dma_wait3A_683 = arith.constant 0 : i32
          %dma_wait3A_684 = arith.constant 0 : i32
          %dma_wait3A_685 = tpu.memref_slice %arg4[%dma_wait3A_681, %dma_wait3A_683, %dma_wait3A_682, %dma_wait3A_684] : memref<20x125x32x1024xf32, #tpu.memory_space<hbm>> -> memref<1x16x1x1024xf32, #tpu.memory_space<hbm>>
          %dma_wait3A_686 = tpu.memref_squeeze %dma_wait3A_685 : memref<1x16x1x1024xf32, #tpu.memory_space<hbm>> -> memref<16x1024xf32, #tpu.memory_space<hbm>>
          %dma_wait3A_687 = arith.constant 0 : i32
          %dma_wait3A_688 = arith.constant 0 : i32
          %dma_wait3A_689 = tpu.memref_slice %arg4[%dma_wait3A_681, %dma_wait3A_687, %dma_wait3A_682, %dma_wait3A_688] : memref<20x125x32x1024xf32, #tpu.memory_space<hbm>> -> memref<1x16x1x1024xf32, #tpu.memory_space<hbm>>
          %dma_wait3A_690 = tpu.memref_squeeze %dma_wait3A_689 : memref<1x16x1x1024xf32, #tpu.memory_space<hbm>> -> memref<16x1024xf32, #tpu.memory_space<hbm>>
          tpu.wait_dma2 semaphore(%arg20 : memref<!tpu.dma_semaphore, #tpu.memory_space<semaphore_mem>>) src(%arg14 : memref<16x1024xf32, #tpu.memory_space<vmem>>) dst(%dma_wait3A_690 : memref<16x1024xf32, #tpu.memory_space<hbm>>)
        } else {
        }
        %eq3A_676 = arith.constant 7 : i32
        %eq3A_677 = arith.cmpi eq, %select_n3A_670, %eq3A_676 : i32
        %convert_element_type3A_678 = arith.extui %eq3A_677 : i1 to i32
        %cond3A_679 = arith.constant 0 : i32
        %cond3A_680 = arith.cmpi ne, %convert_element_type3A_678, %cond3A_679 : i32
        scf.if %cond3A_680 {
          %dma_wait3A_681 = arith.constant 0 : i32
          %dma_wait3A_682 = arith.constant 0 : i32
          %dma_wait3A_683 = arith.constant 0 : i32
          %dma_wait3A_684 = arith.constant 0 : i32
          %dma_wait3A_685 = tpu.memref_slice %arg14[%dma_wait3A_683, %dma_wait3A_684] : memref<16x1024xf32, #tpu.memory_space<vmem>> -> memref<13x1024xf32, #tpu.memory_space<vmem>>
          %dma_wait3A_686 = arith.constant 0 : i32
          %dma_wait3A_687 = arith.constant 0 : i32
          %dma_wait3A_688 = tpu.memref_slice %arg4[%dma_wait3A_681, %dma_wait3A_686, %dma_wait3A_682, %dma_wait3A_687] : memref<20x125x32x1024xf32, #tpu.memory_space<hbm>> -> memref<1x13x1x1024xf32, #tpu.memory_space<hbm>>
          %dma_wait3A_689 = tpu.memref_squeeze %dma_wait3A_688 : memref<1x13x1x1024xf32, #tpu.memory_space<hbm>> -> memref<13x1024xf32, #tpu.memory_space<hbm>>
          %dma_wait3A_690 = arith.constant 0 : i32
          %dma_wait3A_691 = arith.constant 0 : i32
          %dma_wait3A_692 = tpu.memref_slice %arg4[%dma_wait3A_681, %dma_wait3A_690, %dma_wait3A_682, %dma_wait3A_691] : memref<20x125x32x1024xf32, #tpu.memory_space<hbm>> -> memref<1x13x1x1024xf32, #tpu.memory_space<hbm>>
          %dma_wait3A_693 = tpu.memref_squeeze %dma_wait3A_692 : memref<1x13x1x1024xf32, #tpu.memory_space<hbm>> -> memref<13x1024xf32, #tpu.memory_space<hbm>>
          %dma_wait3A_694 = arith.constant 0 : i32
          %dma_wait3A_695 = arith.constant 0 : i32
          %dma_wait3A_696 = tpu.memref_slice %arg14[%dma_wait3A_694, %dma_wait3A_695] : memref<16x1024xf32, #tpu.memory_space<vmem>> -> memref<13x1024xf32, #tpu.memory_space<vmem>>
          tpu.wait_dma2 semaphore(%arg20 : memref<!tpu.dma_semaphore, #tpu.memory_space<semaphore_mem>>) src(%dma_wait3A_696 : memref<13x1024xf32, #tpu.memory_space<vmem>>) dst(%dma_wait3A_693 : memref<13x1024xf32, #tpu.memory_space<hbm>>)
        } else {
        }
      } else {
      }
      %parallel_loop3A_561 = arith.constant 0 : i32
      %parallel_loop3A_562 = arith.constant 128 : i32
      %parallel_loop3A_563 = arith.constant 1 : i32
      scf.for %parallel_loop3A_653 = %parallel_loop3A_561 to %parallel_loop3A_562 step %parallel_loop3A_563  : i32 {
        %parallel_loop3A_654 = arith.constant 0 : i32
        %parallel_loop3A_655 = vector.broadcast %parallel_loop3A_654 : i32 to vector<16xi32>
        %parallel_loop3A_656 = vector.broadcast %parallel_loop3A_653 : i32 to vector<16xi32>
        %parallel_loop3A_657 = arith.addi %parallel_loop3A_655, %parallel_loop3A_656 : vector<16xi32>
        %parallel_loop3A_658 = arith.addi %shift_left3A_51, %parallel_loop3A_657 : vector<16xi32>
        %parallel_loop3A_659 = arith.index_cast %parallel_loop3A_653 : i32 to index
        %parallel_loop3A_660 = arith.constant 0 : index
        %parallel_loop3A_661 = tpu.vector_load %arg12[%parallel_loop3A_659, %parallel_loop3A_660] {strides = array<i32>} : memref<128x128xf32, #tpu.memory_space<vmem>>, vector<16xf32>,
        tpu.vector_store_idx %arg14[%add3A_5, %parallel_loop3A_658], %parallel_loop3A_661 : memref<16x1024xf32, #tpu.memory_space<vmem>>[vector<16xi32>, vector<16xi32>], vector<16xf32>,
        %parallel_loop3A_662 = arith.index_cast %parallel_loop3A_653 : i32 to index
        %parallel_loop3A_663 = arith.constant 16 : index
        %parallel_loop3A_664 = tpu.vector_load %arg12[%parallel_loop3A_662, %parallel_loop3A_663] {strides = array<i32>} : memref<128x128xf32, #tpu.memory_space<vmem>>, vector<16xf32>,
        tpu.vector_store_idx %arg14[%add3A_11, %parallel_loop3A_658], %parallel_loop3A_664 : memref<16x1024xf32, #tpu.memory_space<vmem>>[vector<16xi32>, vector<16xi32>], vector<16xf32>,
        %parallel_loop3A_665 = arith.index_cast %parallel_loop3A_653 : i32 to index
        %parallel_loop3A_666 = arith.constant 32 : index
        %parallel_loop3A_667 = tpu.vector_load %arg12[%parallel_loop3A_665, %parallel_loop3A_666] {strides = array<i32>} : memref<128x128xf32, #tpu.memory_space<vmem>>, vector<16xf32>,
        tpu.vector_store_idx %arg14[%add3A_17, %parallel_loop3A_658], %parallel_loop3A_667 : memref<16x1024xf32, #tpu.memory_space<vmem>>[vector<16xi32>, vector<16xi32>], vector<16xf32>,
        %parallel_loop3A_668 = arith.index_cast %parallel_loop3A_653 : i32 to index
        %parallel_loop3A_669 = arith.constant 48 : index
        %parallel_loop3A_670 = tpu.vector_load %arg12[%parallel_loop3A_668, %parallel_loop3A_669] {strides = array<i32>} : memref<128x128xf32, #tpu.memory_space<vmem>>, vector<16xf32>,
        tpu.vector_store_idx %arg14[%add3A_23, %parallel_loop3A_658], %parallel_loop3A_670 : memref<16x1024xf32, #tpu.memory_space<vmem>>[vector<16xi32>, vector<16xi32>], vector<16xf32>,
        %parallel_loop3A_671 = arith.index_cast %parallel_loop3A_653 : i32 to index
        %parallel_loop3A_672 = arith.constant 64 : index
        %parallel_loop3A_673 = tpu.vector_load %arg12[%parallel_loop3A_671, %parallel_loop3A_672] {strides = array<i32>} : memref<128x128xf32, #tpu.memory_space<vmem>>, vector<16xf32>,
        tpu.vector_store_idx %arg14[%add3A_29, %parallel_loop3A_658], %parallel_loop3A_673 : memref<16x1024xf32, #tpu.memory_space<vmem>>[vector<16xi32>, vector<16xi32>], vector<16xf32>,
        %parallel_loop3A_674 = arith.index_cast %parallel_loop3A_653 : i32 to index
        %parallel_loop3A_675 = arith.constant 80 : index
        %parallel_loop3A_676 = tpu.vector_load %arg12[%parallel_loop3A_674, %parallel_loop3A_675] {strides = array<i32>} : memref<128x128xf32, #tpu.memory_space<vmem>>, vector<16xf32>,
        tpu.vector_store_idx %arg14[%add3A_35, %parallel_loop3A_658], %parallel_loop3A_676 : memref<16x1024xf32, #tpu.memory_space<vmem>>[vector<16xi32>, vector<16xi32>], vector<16xf32>,
        %parallel_loop3A_677 = arith.index_cast %parallel_loop3A_653 : i32 to index
        %parallel_loop3A_678 = arith.constant 96 : index
        %parallel_loop3A_679 = tpu.vector_load %arg12[%parallel_loop3A_677, %parallel_loop3A_678] {strides = array<i32>} : memref<128x128xf32, #tpu.memory_space<vmem>>, vector<16xf32>,
        tpu.vector_store_idx %arg14[%add3A_41, %parallel_loop3A_658], %parallel_loop3A_679 : memref<16x1024xf32, #tpu.memory_space<vmem>>[vector<16xi32>, vector<16xi32>], vector<16xf32>,
        %parallel_loop3A_680 = arith.index_cast %parallel_loop3A_653 : i32 to index
        %parallel_loop3A_681 = arith.constant 112 : index
        %parallel_loop3A_682 = tpu.vector_load %arg12[%parallel_loop3A_680, %parallel_loop3A_681] {strides = array<i32>} : memref<128x128xf32, #tpu.memory_space<vmem>>, vector<16xf32>,
        tpu.vector_store_idx %arg14[%add3A_47, %parallel_loop3A_658], %parallel_loop3A_682 : memref<16x1024xf32, #tpu.memory_space<vmem>>[vector<16xi32>, vector<16xi32>], vector<16xf32>,
      } {sc.loop_unroll_factor = 2 : i64, sc.parallel_access}
      %lt3A_564 = arith.constant 7 : i32
      %lt3A_565 = arith.cmpi slt, %select_n3A_552, %lt3A_564 : i32
      %convert_element_type3A_566 = arith.extui %lt3A_565 : i1 to i32
      %cond3A_567 = arith.constant 0 : i32
      %cond3A_568 = arith.cmpi ne, %convert_element_type3A_566, %cond3A_567 : i32
      scf.if %cond3A_568 {
        %mul3A_653 = arith.constant 16 : i32
        %mul3A_654 = arith.muli %mul3A_653, %select_n3A_552 : i32
        %dma_start3A_655 = arith.constant 0 : i32
        %dma_start3A_656 = tpu.memref_slice %arg4[%select_n3A_536, %mul3A_654, %add3A, %dma_start3A_655] : memref<20x125x32x1024xf32, #tpu.memory_space<hbm>> -> memref<1x16x1x1024xf32, #tpu.memory_space<hbm>>
        %dma_start3A_657 = tpu.memref_squeeze %dma_start3A_656 : memref<1x16x1x1024xf32, #tpu.memory_space<hbm>> -> memref<16x1024xf32, #tpu.memory_space<hbm>>
        %dma_start3A_658 = arith.constant 0 : i32
        %dma_start3A_659 = tpu.memref_slice %arg4[%select_n3A_536, %mul3A_654, %add3A, %dma_start3A_658] : memref<20x125x32x1024xf32, #tpu.memory_space<hbm>> -> memref<1x16x1x1024xf32, #tpu.memory_space<hbm>>
        %dma_start3A_660 = tpu.memref_squeeze %dma_start3A_659 : memref<1x16x1x1024xf32, #tpu.memory_space<hbm>> -> memref<16x1024xf32, #tpu.memory_space<hbm>>
        tpu.enqueue_dma source(%arg14 : memref<16x1024xf32, #tpu.memory_space<vmem>>) target(%dma_start3A_660 : memref<16x1024xf32, #tpu.memory_space<hbm>>) target_semaphore(%arg20 : memref<!tpu.dma_semaphore, #tpu.memory_space<semaphore_mem>>)
      } else {
      }
      %eq3A_569 = arith.constant 7 : i32
      %eq3A_570 = arith.cmpi eq, %select_n3A_552, %eq3A_569 : i32
      %convert_element_type3A_571 = arith.extui %eq3A_570 : i1 to i32
      %cond3A_572 = arith.constant 0 : i32
      %cond3A_573 = arith.cmpi ne, %convert_element_type3A_571, %cond3A_572 : i32
      scf.if %cond3A_573 {
        %dma_start3A_653 = arith.constant 0 : i32
        %dma_start3A_654 = arith.constant 0 : i32
        %dma_start3A_655 = tpu.memref_slice %arg14[%dma_start3A_653, %dma_start3A_654] : memref<16x1024xf32, #tpu.memory_space<vmem>> -> memref<13x1024xf32, #tpu.memory_space<vmem>>
        %dma_start3A_656 = arith.constant 112 : i32
        %dma_start3A_657 = arith.constant 0 : i32
        %dma_start3A_658 = tpu.memref_slice %arg4[%select_n3A_536, %dma_start3A_656, %add3A, %dma_start3A_657] : memref<20x125x32x1024xf32, #tpu.memory_space<hbm>> -> memref<1x13x1x1024xf32, #tpu.memory_space<hbm>>
        %dma_start3A_659 = tpu.memref_squeeze %dma_start3A_658 : memref<1x13x1x1024xf32, #tpu.memory_space<hbm>> -> memref<13x1024xf32, #tpu.memory_space<hbm>>
        %dma_start3A_660 = arith.constant 112 : i32
        %dma_start3A_661 = arith.constant 0 : i32
        %dma_start3A_662 = tpu.memref_slice %arg4[%select_n3A_536, %dma_start3A_660, %add3A, %dma_start3A_661] : memref<20x125x32x1024xf32, #tpu.memory_space<hbm>> -> memref<1x13x1x1024xf32, #tpu.memory_space<hbm>>
        %dma_start3A_663 = tpu.memref_squeeze %dma_start3A_662 : memref<1x13x1x1024xf32, #tpu.memory_space<hbm>> -> memref<13x1024xf32, #tpu.memory_space<hbm>>
        %dma_start3A_664 = arith.constant 0 : i32
        %dma_start3A_665 = arith.constant 0 : i32
        %dma_start3A_666 = tpu.memref_slice %arg14[%dma_start3A_664, %dma_start3A_665] : memref<16x1024xf32, #tpu.memory_space<vmem>> -> memref<13x1024xf32, #tpu.memory_space<vmem>>
        tpu.enqueue_dma source(%dma_start3A_666 : memref<13x1024xf32, #tpu.memory_space<vmem>>) target(%dma_start3A_663 : memref<13x1024xf32, #tpu.memory_space<hbm>>) target_semaphore(%arg20 : memref<!tpu.dma_semaphore, #tpu.memory_space<semaphore_mem>>)
      } else {
      }
      %add3A_574 = arith.constant 4 : i32
      %add3A_575 = arith.addi %add3A_512, %add3A_574 : i32
      %lt3A_576 = arith.constant 160 : i32
      %lt3A_577 = arith.cmpi slt, %add3A_575, %lt3A_576 : i32
      %convert_element_type3A_578 = arith.extui %lt3A_577 : i1 to i32
      %cond3A_579 = arith.constant 0 : i32
      %cond3A_580 = arith.cmpi ne, %convert_element_type3A_578, %cond3A_579 : i32
      scf.if %cond3A_580 {
        %add3A_653 = arith.constant 4 : i32
        %add3A_654 = arith.addi %add3A_512, %add3A_653 : i32
        %jit3A_655 = arith.constant 8 : i32
        %div3A_656 = arith.divsi %add3A_654, %jit3A_655 : i32
        %sign3A_657 = arith.constant 0 : i32
        %sign3A_658 = arith.cmpi sgt, %add3A_654, %sign3A_657 : i32
        %sign3A_659 = arith.extui %sign3A_658 : i1 to i32
        %sign3A_660 = arith.constant 0 : i32
        %sign3A_661 = arith.cmpi slt, %add3A_654, %sign3A_660 : i32
        %sign3A_662 = arith.extui %sign3A_661 : i1 to i32
        %sign3A_663 = arith.subi %sign3A_659, %sign3A_662 : i32
        %sign3A_664 = arith.constant 0 : i32
        %sign3A_665 = arith.cmpi sgt, %jit3A_655, %sign3A_664 : i32
        %sign3A_666 = arith.extui %sign3A_665 : i1 to i32
        %sign3A_667 = arith.constant 0 : i32
        %sign3A_668 = arith.cmpi slt, %jit3A_655, %sign3A_667 : i32
        %sign3A_669 = arith.extui %sign3A_668 : i1 to i32
        %sign3A_670 = arith.subi %sign3A_666, %sign3A_669 : i32
        %ne3A_671 = arith.cmpi ne, %sign3A_663, %sign3A_670 : i32
        %rem3A_672 = arith.remsi %add3A_654, %jit3A_655 : i32
        %ne3A_673 = arith.constant 0 : i32
        %ne3A_674 = arith.cmpi ne, %rem3A_672, %ne3A_673 : i32
        %and3A_675 = arith.andi %ne3A_671, %ne3A_674 : i1
        %sub3A_676 = arith.constant 1 : i32
        %sub3A_677 = arith.subi %div3A_656, %sub3A_676 : i32
        %select_n3A_678 = arith.select %and3A_675, %sub3A_677, %div3A_656 : i32
        %jit3A_679 = arith.constant 8 : i32
        %eq3A_680 = arith.constant 0 : i32
        %eq3A_681 = arith.cmpi eq, %jit3A_679, %eq3A_680 : i32
        %jit3A_682 = arith.constant 1 : i32
        %select_n3A_683 = arith.select %eq3A_681, %jit3A_682, %jit3A_679 : i32
        %rem3A_684 = arith.remsi %add3A_654, %select_n3A_683 : i32
        %ne3A_685 = arith.constant 0 : i32
        %ne3A_686 = arith.cmpi ne, %rem3A_684, %ne3A_685 : i32
        %lt3A_687 = arith.constant 0 : i32
        %lt3A_688 = arith.cmpi slt, %rem3A_684, %lt3A_687 : i32
        %lt3A_689 = arith.constant 0 : i32
        %lt3A_690 = arith.cmpi slt, %select_n3A_683, %lt3A_689 : i32
        %ne3A_691 = arith.xori %lt3A_688, %lt3A_690 : i1
        %and3A_692 = arith.andi %ne3A_691, %ne3A_686 : i1
        %add3A_693 = arith.addi %rem3A_684, %select_n3A_683 : i32
        %select_n3A_694 = arith.select %and3A_692, %add3A_693, %rem3A_684 : i32
        %mul3A_695 = arith.constant 1000 : i32
        %mul3A_696 = arith.muli %select_n3A_694, %mul3A_695 : i32
        %get3A_697 = arith.index_cast %select_n3A_678 : i32 to index
        %get3A_698 = arith.constant 0 : index
        %get3A_699 = tpu.vector_load %arg5[%get3A_697, %get3A_698] {strides = array<i32>} : memref<20x128xi32, #tpu.memory_space<vmem>>, vector<16xi32>,
        %add3A_700 = vector.broadcast %mul3A_696 : i32 to vector<16xi32>
        %add3A_701 = arith.addi %get3A_699, %add3A_700 : vector<16xi32>
        %swap3A_702 = arith.constant 0 : index
        %swap3A_703 = tpu.vector_load %arg8[%swap3A_702] {strides = array<i32>} : memref<128xi32, #tpu.memory_space<vmem>>, vector<16xi32>,
        tpu.vector_store %arg8[%swap3A_702], %add3A_701 {strides = array<i32>} : memref<128xi32, #tpu.memory_space<vmem>>, vector<16xi32>,
        %get3A_704 = arith.index_cast %select_n3A_678 : i32 to index
        %get3A_705 = arith.constant 16 : index
        %get3A_706 = tpu.vector_load %arg5[%get3A_704, %get3A_705] {strides = array<i32>} : memref<20x128xi32, #tpu.memory_space<vmem>>, vector<16xi32>,
        %add3A_707 = vector.broadcast %mul3A_696 : i32 to vector<16xi32>
        %add3A_708 = arith.addi %get3A_706, %add3A_707 : vector<16xi32>
        %swap3A_709 = arith.constant 16 : index
        %swap3A_710 = tpu.vector_load %arg8[%swap3A_709] {strides = array<i32>} : memref<128xi32, #tpu.memory_space<vmem>>, vector<16xi32>,
        tpu.vector_store %arg8[%swap3A_709], %add3A_708 {strides = array<i32>} : memref<128xi32, #tpu.memory_space<vmem>>, vector<16xi32>,
        %get3A_711 = arith.index_cast %select_n3A_678 : i32 to index
        %get3A_712 = arith.constant 32 : index
        %get3A_713 = tpu.vector_load %arg5[%get3A_711, %get3A_712] {strides = array<i32>} : memref<20x128xi32, #tpu.memory_space<vmem>>, vector<16xi32>,
        %add3A_714 = vector.broadcast %mul3A_696 : i32 to vector<16xi32>
        %add3A_715 = arith.addi %get3A_713, %add3A_714 : vector<16xi32>
        %swap3A_716 = arith.constant 32 : index
        %swap3A_717 = tpu.vector_load %arg8[%swap3A_716] {strides = array<i32>} : memref<128xi32, #tpu.memory_space<vmem>>, vector<16xi32>,
        tpu.vector_store %arg8[%swap3A_716], %add3A_715 {strides = array<i32>} : memref<128xi32, #tpu.memory_space<vmem>>, vector<16xi32>,
        %get3A_718 = arith.index_cast %select_n3A_678 : i32 to index
        %get3A_719 = arith.constant 48 : index
        %get3A_720 = tpu.vector_load %arg5[%get3A_718, %get3A_719] {strides = array<i32>} : memref<20x128xi32, #tpu.memory_space<vmem>>, vector<16xi32>,
        %add3A_721 = vector.broadcast %mul3A_696 : i32 to vector<16xi32>
        %add3A_722 = arith.addi %get3A_720, %add3A_721 : vector<16xi32>
        %swap3A_723 = arith.constant 48 : index
        %swap3A_724 = tpu.vector_load %arg8[%swap3A_723] {strides = array<i32>} : memref<128xi32, #tpu.memory_space<vmem>>, vector<16xi32>,
        tpu.vector_store %arg8[%swap3A_723], %add3A_722 {strides = array<i32>} : memref<128xi32, #tpu.memory_space<vmem>>, vector<16xi32>,
        %get3A_725 = arith.index_cast %select_n3A_678 : i32 to index
        %get3A_726 = arith.constant 64 : index
        %get3A_727 = tpu.vector_load %arg5[%get3A_725, %get3A_726] {strides = array<i32>} : memref<20x128xi32, #tpu.memory_space<vmem>>, vector<16xi32>,
        %add3A_728 = vector.broadcast %mul3A_696 : i32 to vector<16xi32>
        %add3A_729 = arith.addi %get3A_727, %add3A_728 : vector<16xi32>
        %swap3A_730 = arith.constant 64 : index
        %swap3A_731 = tpu.vector_load %arg8[%swap3A_730] {strides = array<i32>} : memref<128xi32, #tpu.memory_space<vmem>>, vector<16xi32>,
        tpu.vector_store %arg8[%swap3A_730], %add3A_729 {strides = array<i32>} : memref<128xi32, #tpu.memory_space<vmem>>, vector<16xi32>,
        %get3A_732 = arith.index_cast %select_n3A_678 : i32 to index
        %get3A_733 = arith.constant 80 : index
        %get3A_734 = tpu.vector_load %arg5[%get3A_732, %get3A_733] {strides = array<i32>} : memref<20x128xi32, #tpu.memory_space<vmem>>, vector<16xi32>,
        %add3A_735 = vector.broadcast %mul3A_696 : i32 to vector<16xi32>
        %add3A_736 = arith.addi %get3A_734, %add3A_735 : vector<16xi32>
        %swap3A_737 = arith.constant 80 : index
        %swap3A_738 = tpu.vector_load %arg8[%swap3A_737] {strides = array<i32>} : memref<128xi32, #tpu.memory_space<vmem>>, vector<16xi32>,
        tpu.vector_store %arg8[%swap3A_737], %add3A_736 {strides = array<i32>} : memref<128xi32, #tpu.memory_space<vmem>>, vector<16xi32>,
        %get3A_739 = arith.index_cast %select_n3A_678 : i32 to index
        %get3A_740 = arith.constant 96 : index
        %get3A_741 = tpu.vector_load %arg5[%get3A_739, %get3A_740] {strides = array<i32>} : memref<20x128xi32, #tpu.memory_space<vmem>>, vector<16xi32>,
        %add3A_742 = vector.broadcast %mul3A_696 : i32 to vector<16xi32>
        %add3A_743 = arith.addi %get3A_741, %add3A_742 : vector<16xi32>
        %swap3A_744 = arith.constant 96 : index
        %swap3A_745 = tpu.vector_load %arg8[%swap3A_744] {strides = array<i32>} : memref<128xi32, #tpu.memory_space<vmem>>, vector<16xi32>,
        tpu.vector_store %arg8[%swap3A_744], %add3A_743 {strides = array<i32>} : memref<128xi32, #tpu.memory_space<vmem>>, vector<16xi32>,
        %get3A_746 = arith.index_cast %select_n3A_678 : i32 to index
        %get3A_747 = arith.constant 112 : index
        %get3A_748 = tpu.vector_load %arg5[%get3A_746, %get3A_747] {strides = array<i32>} : memref<20x128xi32, #tpu.memory_space<vmem>>, vector<16xi32>,
        %add3A_749 = vector.broadcast %mul3A_696 : i32 to vector<16xi32>
        %add3A_750 = arith.addi %get3A_748, %add3A_749 : vector<16xi32>
        %swap3A_751 = arith.constant 112 : index
        %swap3A_752 = tpu.vector_load %arg8[%swap3A_751] {strides = array<i32>} : memref<128xi32, #tpu.memory_space<vmem>>, vector<16xi32>,
        tpu.vector_store %arg8[%swap3A_751], %add3A_750 {strides = array<i32>} : memref<128xi32, #tpu.memory_space<vmem>>, vector<16xi32>,
        %dma_start3A_753 = arith.constant 0 : i32
        %dma_start3A_754 = arith.constant 0 : i32
        %dma_start3A_755 = tpu.memref_slice %arg2[%dma_start3A_753, %dma_start3A_754] : memref<8000x128xf32, #tpu.memory_space<hbm>> -> memref<8000x128xf32, #tpu.memory_space<hbm>>
        tpu.enqueue_indirect_dma source(%dma_start3A_755 : memref<8000x128xf32, #tpu.memory_space<hbm>>) target(%arg12 : memref<128x128xf32, #tpu.memory_space<vmem>>) offsets(%arg8 : memref<128xi32, #tpu.memory_space<vmem>>) semaphore(%arg18 : memref<!tpu.dma_semaphore, #tpu.memory_space<semaphore_mem>>)
      } else {
      }
      %mul3A_581 = arith.constant 4 : i32
      %mul3A_582 = arith.muli %mul3A_581, %scan3A_374 : i32
      %add3A_583 = arith.constant 3 : i32
      %add3A_584 = arith.addi %mul3A_582, %add3A_583 : i32
      %jit3A_585 = arith.constant 8 : i32
      %div3A_586 = arith.divsi %add3A_584, %jit3A_585 : i32
      %sign3A_587 = arith.constant 0 : i32
      %sign3A_588 = arith.cmpi sgt, %add3A_584, %sign3A_587 : i32
      %sign3A_589 = arith.extui %sign3A_588 : i1 to i32
      %sign3A_590 = arith.constant 0 : i32
      %sign3A_591 = arith.cmpi slt, %add3A_584, %sign3A_590 : i32
      %sign3A_592 = arith.extui %sign3A_591 : i1 to i32
      %sign3A_593 = arith.subi %sign3A_589, %sign3A_592 : i32
      %sign3A_594 = arith.constant 0 : i32
      %sign3A_595 = arith.cmpi sgt, %jit3A_585, %sign3A_594 : i32
      %sign3A_596 = arith.extui %sign3A_595 : i1 to i32
      %sign3A_597 = arith.constant 0 : i32
      %sign3A_598 = arith.cmpi slt, %jit3A_585, %sign3A_597 : i32
      %sign3A_599 = arith.extui %sign3A_598 : i1 to i32
      %sign3A_600 = arith.subi %sign3A_596, %sign3A_599 : i32
      %ne3A_601 = arith.cmpi ne, %sign3A_593, %sign3A_600 : i32
      %rem3A_602 = arith.remsi %add3A_584, %jit3A_585 : i32
      %ne3A_603 = arith.constant 0 : i32
      %ne3A_604 = arith.cmpi ne, %rem3A_602, %ne3A_603 : i32
      %and3A_605 = arith.andi %ne3A_601, %ne3A_604 : i1
      %sub3A_606 = arith.constant 1 : i32
      %sub3A_607 = arith.subi %div3A_586, %sub3A_606 : i32
      %select_n3A_608 = arith.select %and3A_605, %sub3A_607, %div3A_586 : i32
      %jit3A_609 = arith.constant 8 : i32
      %eq3A_610 = arith.constant 0 : i32
      %eq3A_611 = arith.cmpi eq, %jit3A_609, %eq3A_610 : i32
      %jit3A_612 = arith.constant 1 : i32
      %select_n3A_613 = arith.select %eq3A_611, %jit3A_612, %jit3A_609 : i32
      %rem3A_614 = arith.remsi %add3A_584, %select_n3A_613 : i32
      %ne3A_615 = arith.constant 0 : i32
      %ne3A_616 = arith.cmpi ne, %rem3A_614, %ne3A_615 : i32
      %lt3A_617 = arith.constant 0 : i32
      %lt3A_618 = arith.cmpi slt, %rem3A_614, %lt3A_617 : i32
      %lt3A_619 = arith.constant 0 : i32
      %lt3A_620 = arith.cmpi slt, %select_n3A_613, %lt3A_619 : i32
      %ne3A_621 = arith.xori %lt3A_618, %lt3A_620 : i1
      %and3A_622 = arith.andi %ne3A_621, %ne3A_616 : i1
      %add3A_623 = arith.addi %rem3A_614, %select_n3A_613 : i32
      %select_n3A_624 = arith.select %and3A_622, %add3A_623, %rem3A_614 : i32
      %dma_wait3A_625 = arith.constant 0 : i32
      %dma_wait3A_626 = arith.constant 0 : i32
      %dma_wait3A_627 = tpu.memref_slice %arg2[%dma_wait3A_625, %dma_wait3A_626] : memref<8000x128xf32, #tpu.memory_space<hbm>> -> memref<8000x128xf32, #tpu.memory_space<hbm>>
      tpu.wait_indirect_dma semaphore(%arg19 : memref<!tpu.dma_semaphore, #tpu.memory_space<semaphore_mem>>) src(%dma_wait3A_627 : memref<8000x128xf32, #tpu.memory_space<hbm>>) dst(%arg13 : memref<128x128xf32, #tpu.memory_space<vmem>>)
      %ge3A_628 = arith.constant 2 : i32
      %ge3A_629 = arith.cmpi sge, %add3A_584, %ge3A_628 : i32
      %convert_element_type3A_630 = arith.extui %ge3A_629 : i1 to i32
      %cond3A_631 = arith.constant 0 : i32
      %cond3A_632 = arith.cmpi ne, %convert_element_type3A_630, %cond3A_631 : i32
      scf.if %cond3A_632 {
        %sub3A_653 = arith.constant 2 : i32
        %sub3A_654 = arith.subi %add3A_584, %sub3A_653 : i32
        %jit3A_655 = arith.constant 8 : i32
        %eq3A_656 = arith.constant 0 : i32
        %eq3A_657 = arith.cmpi eq, %jit3A_655, %eq3A_656 : i32
        %jit3A_658 = arith.constant 1 : i32
        %select_n3A_659 = arith.select %eq3A_657, %jit3A_658, %jit3A_655 : i32
        %rem3A_660 = arith.remsi %sub3A_654, %select_n3A_659 : i32
        %ne3A_661 = arith.constant 0 : i32
        %ne3A_662 = arith.cmpi ne, %rem3A_660, %ne3A_661 : i32
        %lt3A_663 = arith.constant 0 : i32
        %lt3A_664 = arith.cmpi slt, %rem3A_660, %lt3A_663 : i32
        %lt3A_665 = arith.constant 0 : i32
        %lt3A_666 = arith.cmpi slt, %select_n3A_659, %lt3A_665 : i32
        %ne3A_667 = arith.xori %lt3A_664, %lt3A_666 : i1
        %and3A_668 = arith.andi %ne3A_667, %ne3A_662 : i1
        %add3A_669 = arith.addi %rem3A_660, %select_n3A_659 : i32
        %select_n3A_670 = arith.select %and3A_668, %add3A_669, %rem3A_660 : i32
        %lt3A_671 = arith.constant 7 : i32
        %lt3A_672 = arith.cmpi slt, %select_n3A_670, %lt3A_671 : i32
        %convert_element_type3A_673 = arith.extui %lt3A_672 : i1 to i32
        %cond3A_674 = arith.constant 0 : i32
        %cond3A_675 = arith.cmpi ne, %convert_element_type3A_673, %cond3A_674 : i32
        scf.if %cond3A_675 {
          %dma_wait3A_681 = arith.constant 0 : i32
          %dma_wait3A_682 = arith.constant 0 : i32
          %dma_wait3A_683 = arith.constant 0 : i32
          %dma_wait3A_684 = arith.constant 0 : i32
          %dma_wait3A_685 = tpu.memref_slice %arg4[%dma_wait3A_681, %dma_wait3A_683, %dma_wait3A_682, %dma_wait3A_684] : memref<20x125x32x1024xf32, #tpu.memory_space<hbm>> -> memref<1x16x1x1024xf32, #tpu.memory_space<hbm>>
          %dma_wait3A_686 = tpu.memref_squeeze %dma_wait3A_685 : memref<1x16x1x1024xf32, #tpu.memory_space<hbm>> -> memref<16x1024xf32, #tpu.memory_space<hbm>>
          %dma_wait3A_687 = arith.constant 0 : i32
          %dma_wait3A_688 = arith.constant 0 : i32
          %dma_wait3A_689 = tpu.memref_slice %arg4[%dma_wait3A_681, %dma_wait3A_687, %dma_wait3A_682, %dma_wait3A_688] : memref<20x125x32x1024xf32, #tpu.memory_space<hbm>> -> memref<1x16x1x1024xf32, #tpu.memory_space<hbm>>
          %dma_wait3A_690 = tpu.memref_squeeze %dma_wait3A_689 : memref<1x16x1x1024xf32, #tpu.memory_space<hbm>> -> memref<16x1024xf32, #tpu.memory_space<hbm>>
          tpu.wait_dma2 semaphore(%arg21 : memref<!tpu.dma_semaphore, #tpu.memory_space<semaphore_mem>>) src(%arg15 : memref<16x1024xf32, #tpu.memory_space<vmem>>) dst(%dma_wait3A_690 : memref<16x1024xf32, #tpu.memory_space<hbm>>)
        } else {
        }
        %eq3A_676 = arith.constant 7 : i32
        %eq3A_677 = arith.cmpi eq, %select_n3A_670, %eq3A_676 : i32
        %convert_element_type3A_678 = arith.extui %eq3A_677 : i1 to i32
        %cond3A_679 = arith.constant 0 : i32
        %cond3A_680 = arith.cmpi ne, %convert_element_type3A_678, %cond3A_679 : i32
        scf.if %cond3A_680 {
          %dma_wait3A_681 = arith.constant 0 : i32
          %dma_wait3A_682 = arith.constant 0 : i32
          %dma_wait3A_683 = arith.constant 0 : i32
          %dma_wait3A_684 = arith.constant 0 : i32
          %dma_wait3A_685 = tpu.memref_slice %arg15[%dma_wait3A_683, %dma_wait3A_684] : memref<16x1024xf32, #tpu.memory_space<vmem>> -> memref<13x1024xf32, #tpu.memory_space<vmem>>
          %dma_wait3A_686 = arith.constant 0 : i32
          %dma_wait3A_687 = arith.constant 0 : i32
          %dma_wait3A_688 = tpu.memref_slice %arg4[%dma_wait3A_681, %dma_wait3A_686, %dma_wait3A_682, %dma_wait3A_687] : memref<20x125x32x1024xf32, #tpu.memory_space<hbm>> -> memref<1x13x1x1024xf32, #tpu.memory_space<hbm>>
          %dma_wait3A_689 = tpu.memref_squeeze %dma_wait3A_688 : memref<1x13x1x1024xf32, #tpu.memory_space<hbm>> -> memref<13x1024xf32, #tpu.memory_space<hbm>>
          %dma_wait3A_690 = arith.constant 0 : i32
          %dma_wait3A_691 = arith.constant 0 : i32
          %dma_wait3A_692 = tpu.memref_slice %arg4[%dma_wait3A_681, %dma_wait3A_690, %dma_wait3A_682, %dma_wait3A_691] : memref<20x125x32x1024xf32, #tpu.memory_space<hbm>> -> memref<1x13x1x1024xf32, #tpu.memory_space<hbm>>
          %dma_wait3A_693 = tpu.memref_squeeze %dma_wait3A_692 : memref<1x13x1x1024xf32, #tpu.memory_space<hbm>> -> memref<13x1024xf32, #tpu.memory_space<hbm>>
          %dma_wait3A_694 = arith.constant 0 : i32
          %dma_wait3A_695 = arith.constant 0 : i32
          %dma_wait3A_696 = tpu.memref_slice %arg15[%dma_wait3A_694, %dma_wait3A_695] : memref<16x1024xf32, #tpu.memory_space<vmem>> -> memref<13x1024xf32, #tpu.memory_space<vmem>>
          tpu.wait_dma2 semaphore(%arg21 : memref<!tpu.dma_semaphore, #tpu.memory_space<semaphore_mem>>) src(%dma_wait3A_696 : memref<13x1024xf32, #tpu.memory_space<vmem>>) dst(%dma_wait3A_693 : memref<13x1024xf32, #tpu.memory_space<hbm>>)
        } else {
        }
      } else {
      }
      %parallel_loop3A_633 = arith.constant 0 : i32
      %parallel_loop3A_634 = arith.constant 128 : i32
      %parallel_loop3A_635 = arith.constant 1 : i32
      scf.for %parallel_loop3A_653 = %parallel_loop3A_633 to %parallel_loop3A_634 step %parallel_loop3A_635  : i32 {
        %parallel_loop3A_654 = arith.constant 0 : i32
        %parallel_loop3A_655 = vector.broadcast %parallel_loop3A_654 : i32 to vector<16xi32>
        %parallel_loop3A_656 = vector.broadcast %parallel_loop3A_653 : i32 to vector<16xi32>
        %parallel_loop3A_657 = arith.addi %parallel_loop3A_655, %parallel_loop3A_656 : vector<16xi32>
        %parallel_loop3A_658 = arith.addi %shift_left3A_51, %parallel_loop3A_657 : vector<16xi32>
        %parallel_loop3A_659 = arith.index_cast %parallel_loop3A_653 : i32 to index
        %parallel_loop3A_660 = arith.constant 0 : index
        %parallel_loop3A_661 = tpu.vector_load %arg13[%parallel_loop3A_659, %parallel_loop3A_660] {strides = array<i32>} : memref<128x128xf32, #tpu.memory_space<vmem>>, vector<16xf32>,
        tpu.vector_store_idx %arg15[%add3A_5, %parallel_loop3A_658], %parallel_loop3A_661 : memref<16x1024xf32, #tpu.memory_space<vmem>>[vector<16xi32>, vector<16xi32>], vector<16xf32>,
        %parallel_loop3A_662 = arith.index_cast %parallel_loop3A_653 : i32 to index
        %parallel_loop3A_663 = arith.constant 16 : index
        %parallel_loop3A_664 = tpu.vector_load %arg13[%parallel_loop3A_662, %parallel_loop3A_663] {strides = array<i32>} : memref<128x128xf32, #tpu.memory_space<vmem>>, vector<16xf32>,
        tpu.vector_store_idx %arg15[%add3A_11, %parallel_loop3A_658], %parallel_loop3A_664 : memref<16x1024xf32, #tpu.memory_space<vmem>>[vector<16xi32>, vector<16xi32>], vector<16xf32>,
        %parallel_loop3A_665 = arith.index_cast %parallel_loop3A_653 : i32 to index
        %parallel_loop3A_666 = arith.constant 32 : index
        %parallel_loop3A_667 = tpu.vector_load %arg13[%parallel_loop3A_665, %parallel_loop3A_666] {strides = array<i32>} : memref<128x128xf32, #tpu.memory_space<vmem>>, vector<16xf32>,
        tpu.vector_store_idx %arg15[%add3A_17, %parallel_loop3A_658], %parallel_loop3A_667 : memref<16x1024xf32, #tpu.memory_space<vmem>>[vector<16xi32>, vector<16xi32>], vector<16xf32>,
        %parallel_loop3A_668 = arith.index_cast %parallel_loop3A_653 : i32 to index
        %parallel_loop3A_669 = arith.constant 48 : index
        %parallel_loop3A_670 = tpu.vector_load %arg13[%parallel_loop3A_668, %parallel_loop3A_669] {strides = array<i32>} : memref<128x128xf32, #tpu.memory_space<vmem>>, vector<16xf32>,
        tpu.vector_store_idx %arg15[%add3A_23, %parallel_loop3A_658], %parallel_loop3A_670 : memref<16x1024xf32, #tpu.memory_space<vmem>>[vector<16xi32>, vector<16xi32>], vector<16xf32>,
        %parallel_loop3A_671 = arith.index_cast %parallel_loop3A_653 : i32 to index
        %parallel_loop3A_672 = arith.constant 64 : index
        %parallel_loop3A_673 = tpu.vector_load %arg13[%parallel_loop3A_671, %parallel_loop3A_672] {strides = array<i32>} : memref<128x128xf32, #tpu.memory_space<vmem>>, vector<16xf32>,
        tpu.vector_store_idx %arg15[%add3A_29, %parallel_loop3A_658], %parallel_loop3A_673 : memref<16x1024xf32, #tpu.memory_space<vmem>>[vector<16xi32>, vector<16xi32>], vector<16xf32>,
        %parallel_loop3A_674 = arith.index_cast %parallel_loop3A_653 : i32 to index
        %parallel_loop3A_675 = arith.constant 80 : index
        %parallel_loop3A_676 = tpu.vector_load %arg13[%parallel_loop3A_674, %parallel_loop3A_675] {strides = array<i32>} : memref<128x128xf32, #tpu.memory_space<vmem>>, vector<16xf32>,
        tpu.vector_store_idx %arg15[%add3A_35, %parallel_loop3A_658], %parallel_loop3A_676 : memref<16x1024xf32, #tpu.memory_space<vmem>>[vector<16xi32>, vector<16xi32>], vector<16xf32>,
        %parallel_loop3A_677 = arith.index_cast %parallel_loop3A_653 : i32 to index
        %parallel_loop3A_678 = arith.constant 96 : index
        %parallel_loop3A_679 = tpu.vector_load %arg13[%parallel_loop3A_677, %parallel_loop3A_678] {strides = array<i32>} : memref<128x128xf32, #tpu.memory_space<vmem>>, vector<16xf32>,
        tpu.vector_store_idx %arg15[%add3A_41, %parallel_loop3A_658], %parallel_loop3A_679 : memref<16x1024xf32, #tpu.memory_space<vmem>>[vector<16xi32>, vector<16xi32>], vector<16xf32>,
        %parallel_loop3A_680 = arith.index_cast %parallel_loop3A_653 : i32 to index
        %parallel_loop3A_681 = arith.constant 112 : index
        %parallel_loop3A_682 = tpu.vector_load %arg13[%parallel_loop3A_680, %parallel_loop3A_681] {strides = array<i32>} : memref<128x128xf32, #tpu.memory_space<vmem>>, vector<16xf32>,
        tpu.vector_store_idx %arg15[%add3A_47, %parallel_loop3A_658], %parallel_loop3A_682 : memref<16x1024xf32, #tpu.memory_space<vmem>>[vector<16xi32>, vector<16xi32>], vector<16xf32>,
      } {sc.loop_unroll_factor = 2 : i64, sc.parallel_access}
      %lt3A_636 = arith.constant 7 : i32
      %lt3A_637 = arith.cmpi slt, %select_n3A_624, %lt3A_636 : i32
      %convert_element_type3A_638 = arith.extui %lt3A_637 : i1 to i32
      %cond3A_639 = arith.constant 0 : i32
      %cond3A_640 = arith.cmpi ne, %convert_element_type3A_638, %cond3A_639 : i32
      scf.if %cond3A_640 {
        %mul3A_653 = arith.constant 16 : i32
        %mul3A_654 = arith.muli %mul3A_653, %select_n3A_624 : i32
        %dma_start3A_655 = arith.constant 0 : i32
        %dma_start3A_656 = tpu.memref_slice %arg4[%select_n3A_608, %mul3A_654, %add3A, %dma_start3A_655] : memref<20x125x32x1024xf32, #tpu.memory_space<hbm>> -> memref<1x16x1x1024xf32, #tpu.memory_space<hbm>>
        %dma_start3A_657 = tpu.memref_squeeze %dma_start3A_656 : memref<1x16x1x1024xf32, #tpu.memory_space<hbm>> -> memref<16x1024xf32, #tpu.memory_space<hbm>>
        %dma_start3A_658 = arith.constant 0 : i32
        %dma_start3A_659 = tpu.memref_slice %arg4[%select_n3A_608, %mul3A_654, %add3A, %dma_start3A_658] : memref<20x125x32x1024xf32, #tpu.memory_space<hbm>> -> memref<1x16x1x1024xf32, #tpu.memory_space<hbm>>
        %dma_start3A_660 = tpu.memref_squeeze %dma_start3A_659 : memref<1x16x1x1024xf32, #tpu.memory_space<hbm>> -> memref<16x1024xf32, #tpu.memory_space<hbm>>
        tpu.enqueue_dma source(%arg15 : memref<16x1024xf32, #tpu.memory_space<vmem>>) target(%dma_start3A_660 : memref<16x1024xf32, #tpu.memory_space<hbm>>) target_semaphore(%arg21 : memref<!tpu.dma_semaphore, #tpu.memory_space<semaphore_mem>>)
      } else {
      }
      %eq3A_641 = arith.constant 7 : i32
      %eq3A_642 = arith.cmpi eq, %select_n3A_624, %eq3A_641 : i32
      %convert_element_type3A_643 = arith.extui %eq3A_642 : i1 to i32
      %cond3A_644 = arith.constant 0 : i32
      %cond3A_645 = arith.cmpi ne, %convert_element_type3A_643, %cond3A_644 : i32
      scf.if %cond3A_645 {
        %dma_start3A_653 = arith.constant 0 : i32
        %dma_start3A_654 = arith.constant 0 : i32
        %dma_start3A_655 = tpu.memref_slice %arg15[%dma_start3A_653, %dma_start3A_654] : memref<16x1024xf32, #tpu.memory_space<vmem>> -> memref<13x1024xf32, #tpu.memory_space<vmem>>
        %dma_start3A_656 = arith.constant 112 : i32
        %dma_start3A_657 = arith.constant 0 : i32
        %dma_start3A_658 = tpu.memref_slice %arg4[%select_n3A_608, %dma_start3A_656, %add3A, %dma_start3A_657] : memref<20x125x32x1024xf32, #tpu.memory_space<hbm>> -> memref<1x13x1x1024xf32, #tpu.memory_space<hbm>>
        %dma_start3A_659 = tpu.memref_squeeze %dma_start3A_658 : memref<1x13x1x1024xf32, #tpu.memory_space<hbm>> -> memref<13x1024xf32, #tpu.memory_space<hbm>>
        %dma_start3A_660 = arith.constant 112 : i32
        %dma_start3A_661 = arith.constant 0 : i32
        %dma_start3A_662 = tpu.memref_slice %arg4[%select_n3A_608, %dma_start3A_660, %add3A, %dma_start3A_661] : memref<20x125x32x1024xf32, #tpu.memory_space<hbm>> -> memref<1x13x1x1024xf32, #tpu.memory_space<hbm>>
        %dma_start3A_663 = tpu.memref_squeeze %dma_start3A_662 : memref<1x13x1x1024xf32, #tpu.memory_space<hbm>> -> memref<13x1024xf32, #tpu.memory_space<hbm>>
        %dma_start3A_664 = arith.constant 0 : i32
        %dma_start3A_665 = arith.constant 0 : i32
        %dma_start3A_666 = tpu.memref_slice %arg15[%dma_start3A_664, %dma_start3A_665] : memref<16x1024xf32, #tpu.memory_space<vmem>> -> memref<13x1024xf32, #tpu.memory_space<vmem>>
        tpu.enqueue_dma source(%dma_start3A_666 : memref<13x1024xf32, #tpu.memory_space<vmem>>) target(%dma_start3A_663 : memref<13x1024xf32, #tpu.memory_space<hbm>>) target_semaphore(%arg21 : memref<!tpu.dma_semaphore, #tpu.memory_space<semaphore_mem>>)
      } else {
      }
      %add3A_646 = arith.constant 4 : i32
      %add3A_647 = arith.addi %add3A_584, %add3A_646 : i32
      %lt3A_648 = arith.constant 160 : i32
      %lt3A_649 = arith.cmpi slt, %add3A_647, %lt3A_648 : i32
      %convert_element_type3A_650 = arith.extui %lt3A_649 : i1 to i32
      %cond3A_651 = arith.constant 0 : i32
      %cond3A_652 = arith.cmpi ne, %convert_element_type3A_650, %cond3A_651 : i32
      scf.if %cond3A_652 {
        %add3A_653 = arith.constant 4 : i32
        %add3A_654 = arith.addi %add3A_584, %add3A_653 : i32
        %jit3A_655 = arith.constant 8 : i32
        %div3A_656 = arith.divsi %add3A_654, %jit3A_655 : i32
        %sign3A_657 = arith.constant 0 : i32
        %sign3A_658 = arith.cmpi sgt, %add3A_654, %sign3A_657 : i32
        %sign3A_659 = arith.extui %sign3A_658 : i1 to i32
        %sign3A_660 = arith.constant 0 : i32
        %sign3A_661 = arith.cmpi slt, %add3A_654, %sign3A_660 : i32
        %sign3A_662 = arith.extui %sign3A_661 : i1 to i32
        %sign3A_663 = arith.subi %sign3A_659, %sign3A_662 : i32
        %sign3A_664 = arith.constant 0 : i32
        %sign3A_665 = arith.cmpi sgt, %jit3A_655, %sign3A_664 : i32
        %sign3A_666 = arith.extui %sign3A_665 : i1 to i32
        %sign3A_667 = arith.constant 0 : i32
        %sign3A_668 = arith.cmpi slt, %jit3A_655, %sign3A_667 : i32
        %sign3A_669 = arith.extui %sign3A_668 : i1 to i32
        %sign3A_670 = arith.subi %sign3A_666, %sign3A_669 : i32
        %ne3A_671 = arith.cmpi ne, %sign3A_663, %sign3A_670 : i32
        %rem3A_672 = arith.remsi %add3A_654, %jit3A_655 : i32
        %ne3A_673 = arith.constant 0 : i32
        %ne3A_674 = arith.cmpi ne, %rem3A_672, %ne3A_673 : i32
        %and3A_675 = arith.andi %ne3A_671, %ne3A_674 : i1
        %sub3A_676 = arith.constant 1 : i32
        %sub3A_677 = arith.subi %div3A_656, %sub3A_676 : i32
        %select_n3A_678 = arith.select %and3A_675, %sub3A_677, %div3A_656 : i32
        %jit3A_679 = arith.constant 8 : i32
        %eq3A_680 = arith.constant 0 : i32
        %eq3A_681 = arith.cmpi eq, %jit3A_679, %eq3A_680 : i32
        %jit3A_682 = arith.constant 1 : i32
        %select_n3A_683 = arith.select %eq3A_681, %jit3A_682, %jit3A_679 : i32
        %rem3A_684 = arith.remsi %add3A_654, %select_n3A_683 : i32
        %ne3A_685 = arith.constant 0 : i32
        %ne3A_686 = arith.cmpi ne, %rem3A_684, %ne3A_685 : i32
        %lt3A_687 = arith.constant 0 : i32
        %lt3A_688 = arith.cmpi slt, %rem3A_684, %lt3A_687 : i32
        %lt3A_689 = arith.constant 0 : i32
        %lt3A_690 = arith.cmpi slt, %select_n3A_683, %lt3A_689 : i32
        %ne3A_691 = arith.xori %lt3A_688, %lt3A_690 : i1
        %and3A_692 = arith.andi %ne3A_691, %ne3A_686 : i1
        %add3A_693 = arith.addi %rem3A_684, %select_n3A_683 : i32
        %select_n3A_694 = arith.select %and3A_692, %add3A_693, %rem3A_684 : i32
        %mul3A_695 = arith.constant 1000 : i32
        %mul3A_696 = arith.muli %select_n3A_694, %mul3A_695 : i32
        %get3A_697 = arith.index_cast %select_n3A_678 : i32 to index
        %get3A_698 = arith.constant 0 : index
        %get3A_699 = tpu.vector_load %arg5[%get3A_697, %get3A_698] {strides = array<i32>} : memref<20x128xi32, #tpu.memory_space<vmem>>, vector<16xi32>,
        %add3A_700 = vector.broadcast %mul3A_696 : i32 to vector<16xi32>
        %add3A_701 = arith.addi %get3A_699, %add3A_700 : vector<16xi32>
        %swap3A_702 = arith.constant 0 : index
        %swap3A_703 = tpu.vector_load %arg9[%swap3A_702] {strides = array<i32>} : memref<128xi32, #tpu.memory_space<vmem>>, vector<16xi32>,
        tpu.vector_store %arg9[%swap3A_702], %add3A_701 {strides = array<i32>} : memref<128xi32, #tpu.memory_space<vmem>>, vector<16xi32>,
        %get3A_704 = arith.index_cast %select_n3A_678 : i32 to index
        %get3A_705 = arith.constant 16 : index
        %get3A_706 = tpu.vector_load %arg5[%get3A_704, %get3A_705] {strides = array<i32>} : memref<20x128xi32, #tpu.memory_space<vmem>>, vector<16xi32>,
        %add3A_707 = vector.broadcast %mul3A_696 : i32 to vector<16xi32>
        %add3A_708 = arith.addi %get3A_706, %add3A_707 : vector<16xi32>
        %swap3A_709 = arith.constant 16 : index
        %swap3A_710 = tpu.vector_load %arg9[%swap3A_709] {strides = array<i32>} : memref<128xi32, #tpu.memory_space<vmem>>, vector<16xi32>,
        tpu.vector_store %arg9[%swap3A_709], %add3A_708 {strides = array<i32>} : memref<128xi32, #tpu.memory_space<vmem>>, vector<16xi32>,
        %get3A_711 = arith.index_cast %select_n3A_678 : i32 to index
        %get3A_712 = arith.constant 32 : index
        %get3A_713 = tpu.vector_load %arg5[%get3A_711, %get3A_712] {strides = array<i32>} : memref<20x128xi32, #tpu.memory_space<vmem>>, vector<16xi32>,
        %add3A_714 = vector.broadcast %mul3A_696 : i32 to vector<16xi32>
        %add3A_715 = arith.addi %get3A_713, %add3A_714 : vector<16xi32>
        %swap3A_716 = arith.constant 32 : index
        %swap3A_717 = tpu.vector_load %arg9[%swap3A_716] {strides = array<i32>} : memref<128xi32, #tpu.memory_space<vmem>>, vector<16xi32>,
        tpu.vector_store %arg9[%swap3A_716], %add3A_715 {strides = array<i32>} : memref<128xi32, #tpu.memory_space<vmem>>, vector<16xi32>,
        %get3A_718 = arith.index_cast %select_n3A_678 : i32 to index
        %get3A_719 = arith.constant 48 : index
        %get3A_720 = tpu.vector_load %arg5[%get3A_718, %get3A_719] {strides = array<i32>} : memref<20x128xi32, #tpu.memory_space<vmem>>, vector<16xi32>,
        %add3A_721 = vector.broadcast %mul3A_696 : i32 to vector<16xi32>
        %add3A_722 = arith.addi %get3A_720, %add3A_721 : vector<16xi32>
        %swap3A_723 = arith.constant 48 : index
        %swap3A_724 = tpu.vector_load %arg9[%swap3A_723] {strides = array<i32>} : memref<128xi32, #tpu.memory_space<vmem>>, vector<16xi32>,
        tpu.vector_store %arg9[%swap3A_723], %add3A_722 {strides = array<i32>} : memref<128xi32, #tpu.memory_space<vmem>>, vector<16xi32>,
        %get3A_725 = arith.index_cast %select_n3A_678 : i32 to index
        %get3A_726 = arith.constant 64 : index
        %get3A_727 = tpu.vector_load %arg5[%get3A_725, %get3A_726] {strides = array<i32>} : memref<20x128xi32, #tpu.memory_space<vmem>>, vector<16xi32>,
        %add3A_728 = vector.broadcast %mul3A_696 : i32 to vector<16xi32>
        %add3A_729 = arith.addi %get3A_727, %add3A_728 : vector<16xi32>
        %swap3A_730 = arith.constant 64 : index
        %swap3A_731 = tpu.vector_load %arg9[%swap3A_730] {strides = array<i32>} : memref<128xi32, #tpu.memory_space<vmem>>, vector<16xi32>,
        tpu.vector_store %arg9[%swap3A_730], %add3A_729 {strides = array<i32>} : memref<128xi32, #tpu.memory_space<vmem>>, vector<16xi32>,
        %get3A_732 = arith.index_cast %select_n3A_678 : i32 to index
        %get3A_733 = arith.constant 80 : index
        %get3A_734 = tpu.vector_load %arg5[%get3A_732, %get3A_733] {strides = array<i32>} : memref<20x128xi32, #tpu.memory_space<vmem>>, vector<16xi32>,
        %add3A_735 = vector.broadcast %mul3A_696 : i32 to vector<16xi32>
        %add3A_736 = arith.addi %get3A_734, %add3A_735 : vector<16xi32>
        %swap3A_737 = arith.constant 80 : index
        %swap3A_738 = tpu.vector_load %arg9[%swap3A_737] {strides = array<i32>} : memref<128xi32, #tpu.memory_space<vmem>>, vector<16xi32>,
        tpu.vector_store %arg9[%swap3A_737], %add3A_736 {strides = array<i32>} : memref<128xi32, #tpu.memory_space<vmem>>, vector<16xi32>,
        %get3A_739 = arith.index_cast %select_n3A_678 : i32 to index
        %get3A_740 = arith.constant 96 : index
        %get3A_741 = tpu.vector_load %arg5[%get3A_739, %get3A_740] {strides = array<i32>} : memref<20x128xi32, #tpu.memory_space<vmem>>, vector<16xi32>,
        %add3A_742 = vector.broadcast %mul3A_696 : i32 to vector<16xi32>
        %add3A_743 = arith.addi %get3A_741, %add3A_742 : vector<16xi32>
        %swap3A_744 = arith.constant 96 : index
        %swap3A_745 = tpu.vector_load %arg9[%swap3A_744] {strides = array<i32>} : memref<128xi32, #tpu.memory_space<vmem>>, vector<16xi32>,
        tpu.vector_store %arg9[%swap3A_744], %add3A_743 {strides = array<i32>} : memref<128xi32, #tpu.memory_space<vmem>>, vector<16xi32>,
        %get3A_746 = arith.index_cast %select_n3A_678 : i32 to index
        %get3A_747 = arith.constant 112 : index
        %get3A_748 = tpu.vector_load %arg5[%get3A_746, %get3A_747] {strides = array<i32>} : memref<20x128xi32, #tpu.memory_space<vmem>>, vector<16xi32>,
        %add3A_749 = vector.broadcast %mul3A_696 : i32 to vector<16xi32>
        %add3A_750 = arith.addi %get3A_748, %add3A_749 : vector<16xi32>
        %swap3A_751 = arith.constant 112 : index
        %swap3A_752 = tpu.vector_load %arg9[%swap3A_751] {strides = array<i32>} : memref<128xi32, #tpu.memory_space<vmem>>, vector<16xi32>,
        tpu.vector_store %arg9[%swap3A_751], %add3A_750 {strides = array<i32>} : memref<128xi32, #tpu.memory_space<vmem>>, vector<16xi32>,
        %dma_start3A_753 = arith.constant 0 : i32
        %dma_start3A_754 = arith.constant 0 : i32
        %dma_start3A_755 = tpu.memref_slice %arg2[%dma_start3A_753, %dma_start3A_754] : memref<8000x128xf32, #tpu.memory_space<hbm>> -> memref<8000x128xf32, #tpu.memory_space<hbm>>
        tpu.enqueue_indirect_dma source(%dma_start3A_755 : memref<8000x128xf32, #tpu.memory_space<hbm>>) target(%arg13 : memref<128x128xf32, #tpu.memory_space<vmem>>) offsets(%arg9 : memref<128xi32, #tpu.memory_space<vmem>>) semaphore(%arg19 : memref<!tpu.dma_semaphore, #tpu.memory_space<semaphore_mem>>)
      } else {
      }
    }
    %scan3A_353 = arith.constant 40 : i32
    %lt3A = arith.constant 6 : i32
    %lt3A_354 = arith.constant 7 : i32
    %lt3A_355 = arith.cmpi slt, %lt3A, %lt3A_354 : i32
    %convert_element_type3A = arith.extui %lt3A_355 : i1 to i32
    %cond3A = arith.constant 0 : i32
    %cond3A_356 = arith.cmpi ne, %convert_element_type3A, %cond3A : i32
    scf.if %cond3A_356 {
      %dma_wait3A = arith.constant 0 : i32
      %dma_wait3A_374 = arith.constant 0 : i32
      %dma_wait3A_375 = arith.constant 0 : i32
      %dma_wait3A_376 = arith.constant 0 : i32
      %dma_wait3A_377 = tpu.memref_slice %arg4[%dma_wait3A, %dma_wait3A_375, %dma_wait3A_374, %dma_wait3A_376] : memref<20x125x32x1024xf32, #tpu.memory_space<hbm>> -> memref<1x16x1x1024xf32, #tpu.memory_space<hbm>>
      %dma_wait3A_378 = tpu.memref_squeeze %dma_wait3A_377 : memref<1x16x1x1024xf32, #tpu.memory_space<hbm>> -> memref<16x1024xf32, #tpu.memory_space<hbm>>
      %dma_wait3A_379 = arith.constant 0 : i32
      %dma_wait3A_380 = arith.constant 0 : i32
      %dma_wait3A_381 = tpu.memref_slice %arg4[%dma_wait3A, %dma_wait3A_379, %dma_wait3A_374, %dma_wait3A_380] : memref<20x125x32x1024xf32, #tpu.memory_space<hbm>> -> memref<1x16x1x1024xf32, #tpu.memory_space<hbm>>
      %dma_wait3A_382 = tpu.memref_squeeze %dma_wait3A_381 : memref<1x16x1x1024xf32, #tpu.memory_space<hbm>> -> memref<16x1024xf32, #tpu.memory_space<hbm>>
      tpu.wait_dma2 semaphore(%arg20 : memref<!tpu.dma_semaphore, #tpu.memory_space<semaphore_mem>>) src(%arg14 : memref<16x1024xf32, #tpu.memory_space<vmem>>) dst(%dma_wait3A_382 : memref<16x1024xf32, #tpu.memory_space<hbm>>)
    } else {
    }
    %eq3A = arith.constant 6 : i32
    %eq3A_357 = arith.constant 7 : i32
    %eq3A_358 = arith.cmpi eq, %eq3A, %eq3A_357 : i32
    %convert_element_type3A_359 = arith.extui %eq3A_358 : i1 to i32
    %cond3A_360 = arith.constant 0 : i32
    %cond3A_361 = arith.cmpi ne, %convert_element_type3A_359, %cond3A_360 : i32
    scf.if %cond3A_361 {
      %dma_wait3A = arith.constant 0 : i32
      %dma_wait3A_374 = arith.constant 0 : i32
      %dma_wait3A_375 = arith.constant 0 : i32
      %dma_wait3A_376 = arith.constant 0 : i32
      %dma_wait3A_377 = tpu.memref_slice %arg14[%dma_wait3A_375, %dma_wait3A_376] : memref<16x1024xf32, #tpu.memory_space<vmem>> -> memref<13x1024xf32, #tpu.memory_space<vmem>>
      %dma_wait3A_378 = arith.constant 0 : i32
      %dma_wait3A_379 = arith.constant 0 : i32
      %dma_wait3A_380 = tpu.memref_slice %arg4[%dma_wait3A, %dma_wait3A_378, %dma_wait3A_374, %dma_wait3A_379] : memref<20x125x32x1024xf32, #tpu.memory_space<hbm>> -> memref<1x13x1x1024xf32, #tpu.memory_space<hbm>>
      %dma_wait3A_381 = tpu.memref_squeeze %dma_wait3A_380 : memref<1x13x1x1024xf32, #tpu.memory_space<hbm>> -> memref<13x1024xf32, #tpu.memory_space<hbm>>
      %dma_wait3A_382 = arith.constant 0 : i32
      %dma_wait3A_383 = arith.constant 0 : i32
      %dma_wait3A_384 = tpu.memref_slice %arg4[%dma_wait3A, %dma_wait3A_382, %dma_wait3A_374, %dma_wait3A_383] : memref<20x125x32x1024xf32, #tpu.memory_space<hbm>> -> memref<1x13x1x1024xf32, #tpu.memory_space<hbm>>
      %dma_wait3A_385 = tpu.memref_squeeze %dma_wait3A_384 : memref<1x13x1x1024xf32, #tpu.memory_space<hbm>> -> memref<13x1024xf32, #tpu.memory_space<hbm>>
      %dma_wait3A_386 = arith.constant 0 : i32
      %dma_wait3A_387 = arith.constant 0 : i32
      %dma_wait3A_388 = tpu.memref_slice %arg14[%dma_wait3A_386, %dma_wait3A_387] : memref<16x1024xf32, #tpu.memory_space<vmem>> -> memref<13x1024xf32, #tpu.memory_space<vmem>>
      tpu.wait_dma2 semaphore(%arg20 : memref<!tpu.dma_semaphore, #tpu.memory_space<semaphore_mem>>) src(%dma_wait3A_388 : memref<13x1024xf32, #tpu.memory_space<vmem>>) dst(%dma_wait3A_385 : memref<13x1024xf32, #tpu.memory_space<hbm>>)
    } else {
    }
    %lt3A_362 = arith.constant 7 : i32
    %lt3A_363 = arith.constant 7 : i32
    %lt3A_364 = arith.cmpi slt, %lt3A_362, %lt3A_363 : i32
    %convert_element_type3A_365 = arith.extui %lt3A_364 : i1 to i32
    %cond3A_366 = arith.constant 0 : i32
    %cond3A_367 = arith.cmpi ne, %convert_element_type3A_365, %cond3A_366 : i32
    scf.if %cond3A_367 {
      %dma_wait3A = arith.constant 0 : i32
      %dma_wait3A_374 = arith.constant 0 : i32
      %dma_wait3A_375 = arith.constant 0 : i32
      %dma_wait3A_376 = arith.constant 0 : i32
      %dma_wait3A_377 = tpu.memref_slice %arg4[%dma_wait3A, %dma_wait3A_375, %dma_wait3A_374, %dma_wait3A_376] : memref<20x125x32x1024xf32, #tpu.memory_space<hbm>> -> memref<1x16x1x1024xf32, #tpu.memory_space<hbm>>
      %dma_wait3A_378 = tpu.memref_squeeze %dma_wait3A_377 : memref<1x16x1x1024xf32, #tpu.memory_space<hbm>> -> memref<16x1024xf32, #tpu.memory_space<hbm>>
      %dma_wait3A_379 = arith.constant 0 : i32
      %dma_wait3A_380 = arith.constant 0 : i32
      %dma_wait3A_381 = tpu.memref_slice %arg4[%dma_wait3A, %dma_wait3A_379, %dma_wait3A_374, %dma_wait3A_380] : memref<20x125x32x1024xf32, #tpu.memory_space<hbm>> -> memref<1x16x1x1024xf32, #tpu.memory_space<hbm>>
      %dma_wait3A_382 = tpu.memref_squeeze %dma_wait3A_381 : memref<1x16x1x1024xf32, #tpu.memory_space<hbm>> -> memref<16x1024xf32, #tpu.memory_space<hbm>>
      tpu.wait_dma2 semaphore(%arg21 : memref<!tpu.dma_semaphore, #tpu.memory_space<semaphore_mem>>) src(%arg15 : memref<16x1024xf32, #tpu.memory_space<vmem>>) dst(%dma_wait3A_382 : memref<16x1024xf32, #tpu.memory_space<hbm>>)
    } else {
    }
    %eq3A_368 = arith.constant 7 : i32
    %eq3A_369 = arith.constant 7 : i32
    %eq3A_370 = arith.cmpi eq, %eq3A_368, %eq3A_369 : i32
    %convert_element_type3A_371 = arith.extui %eq3A_370 : i1 to i32
    %cond3A_372 = arith.constant 0 : i32
    %cond3A_373 = arith.cmpi ne, %convert_element_type3A_371, %cond3A_372 : i32
    scf.if %cond3A_373 {
      %dma_wait3A = arith.constant 0 : i32
      %dma_wait3A_374 = arith.constant 0 : i32
      %dma_wait3A_375 = arith.constant 0 : i32
      %dma_wait3A_376 = arith.constant 0 : i32
      %dma_wait3A_377 = tpu.memref_slice %arg15[%dma_wait3A_375, %dma_wait3A_376] : memref<16x1024xf32, #tpu.memory_space<vmem>> -> memref<13x1024xf32, #tpu.memory_space<vmem>>
      %dma_wait3A_378 = arith.constant 0 : i32
      %dma_wait3A_379 = arith.constant 0 : i32
      %dma_wait3A_380 = tpu.memref_slice %arg4[%dma_wait3A, %dma_wait3A_378, %dma_wait3A_374, %dma_wait3A_379] : memref<20x125x32x1024xf32, #tpu.memory_space<hbm>> -> memref<1x13x1x1024xf32, #tpu.memory_space<hbm>>
      %dma_wait3A_381 = tpu.memref_squeeze %dma_wait3A_380 : memref<1x13x1x1024xf32, #tpu.memory_space<hbm>> -> memref<13x1024xf32, #tpu.memory_space<hbm>>
      %dma_wait3A_382 = arith.constant 0 : i32
      %dma_wait3A_383 = arith.constant 0 : i32
      %dma_wait3A_384 = tpu.memref_slice %arg4[%dma_wait3A, %dma_wait3A_382, %dma_wait3A_374, %dma_wait3A_383] : memref<20x125x32x1024xf32, #tpu.memory_space<hbm>> -> memref<1x13x1x1024xf32, #tpu.memory_space<hbm>>
      %dma_wait3A_385 = tpu.memref_squeeze %dma_wait3A_384 : memref<1x13x1x1024xf32, #tpu.memory_space<hbm>> -> memref<13x1024xf32, #tpu.memory_space<hbm>>
      %dma_wait3A_386 = arith.constant 0 : i32
      %dma_wait3A_387 = arith.constant 0 : i32
      %dma_wait3A_388 = tpu.memref_slice %arg15[%dma_wait3A_386, %dma_wait3A_387] : memref<16x1024xf32, #tpu.memory_space<vmem>> -> memref<13x1024xf32, #tpu.memory_space<vmem>>
      tpu.wait_dma2 semaphore(%arg21 : memref<!tpu.dma_semaphore, #tpu.memory_space<semaphore_mem>>) src(%dma_wait3A_388 : memref<13x1024xf32, #tpu.memory_space<vmem>>) dst(%dma_wait3A_385 : memref<13x1024xf32, #tpu.memory_space<hbm>>)
    } else {
    }
    return
  }
}

</mosaic_0001>

<sc_bundles>
// kernel: kernel.3.cloned.1.call-start
scs
__scs_entry_jumppad:
0x0: {  	(pc) =	sbr.rel $0x88, $3  }
0x1: {  	(tag) =	ssettag $0x0;
	lr =	simm.s32 $0x1  }
0x2: {  	[smem:$0x3F9F] =	sst lr;
	_ =	strace $0xD0000000  }
0x3: {  	_ = 	snop  }
0x4: {  	_ = 	snop  }
0x5: {  	_ = 	snop  }
0x6: {  	_ = 	snop  }
0x7: {  	_ = 	snop  }
__scs_overlays_trampoline_lowered:
0x8: {  	[smem:$0x3FAE] =	sst s0  }
0x9: {  	[smem:$0x3FAF] =	sst s1  }
0xa: {  	[smem:$0x3FB0] =	sst s2  }
0xb: {  	[smem:$0x3FB1] =	sst s3  }
0xc: {  	[smem:$0x3FB2] =	sst s4  }
0xd: {  	[smem:$0x3FB3] =	sst s5  }
0xe: {  	[smem:$0x3FB4] =	sst s6  }
0xf: {  	[smem:$0x3FB5] =	sst s7  }
0x10: {  	[smem:$0x3FB6] =	sst s8  }
0x11: {  	[smem:$0x3FB7] =	sst s9;
	s0 =	simm.s32 @!p0 $0x0  }
0x12: {  	s1 =	sld [smem:$0x3F9D];
	s0 =	simm.s32 @p0 $0x1  }
0x13: {  	[smem:$0x3FB8] =	sst s0;
	s0 =	simm.s32 @!p1 $0x0  }
0x14: {  	s2 =	sld [smem:$0x3F9C];
	s0 =	simm.s32 @p1 $0x1  }
0x15: {  	[smem:$0x3FB9] =	sst s0;
	s0 =	simm.s32 @!p2 $0x0  }
0x16: {  	s3 =	sld [smem:$0x3FDB];
	s0 =	simm.s32 @p2 $0x1  }
0x17: {  	s4 =	simm.s32 $0x1BF5;
	[smem:$0x3FBB] =	sst s0  }
0x18: {  	s0 =	sld [smem:$0x3F9E];
	_ =	swait.ge [sflag:s4], $0x0  }
0x19: {  	s7 =	sld [smem:$0x3F9F]  }
0x1a: {  	s8 =	sadd.s32 $0xFFFFE003, lr  }
0x1b: {  	s9 =	sadd.s32 $0xFFFFFEF7, lr;
	s5 =	simm.s32 $0xFFFFFFFF;
	p2 =	slt.u32 s8, $0xFFFFF086  }
0x1c: {  	p1 =	slt.u32 s9, $0xF7A;
	s5 =	simm.s32 @!p2 $0x0  }
0x1d: {  	s5 =	simm.s32 @p1 $0x1;
	p0 =	seq.s32 s7, s2  }
0x1e: {  	s7 =	smul.u32 @!p0 $0xF7A, s2;
	p2 =	seq.s32 @!p0 s5, $0x0  }
0x1f: {  	s9 =	smul.u32 $0xF7A, s1;
	s8 =	simm.s32 @!p0 $0x1BF5;
	p2 =	por !p2, p0  }
0x20: {  	[sflag:s8] =	ssyncset.s32 @!p0 $0xFFFFF086;
	s6 =	sadd.s32 @!p0 s3, s7;
	s7 =	simm.s32 @!p0 $0x108  }
0x21: {  	s3 =	sadd.s32 s3, s9;
	s6 =	sadd.s32 @!p0 $0x88, s6;
	s7 =	simm.s32 @p2 $0x1082  }
0x22: {  	[simem:s7], [sflag:s8] =	dma.local @!p0 [hbm:s6], $0xF7A  }
0x23: {  	s9 =	sor.u32 $0xD0000000, s2;
	s6 =	simm.s32 $0x108;
	_ =	swait.ge @!p0 [sflag:s8], $0x0  }
0x24: {  	s3 =	sadd.s32 $0x88, s3;
	s6 =	simm.s32 @!p1 $0x1082;
	[sflag:s4] =	ssyncset.s32 $0xFFFFF086  }
0x25: {  	[simem:s6], [sflag:s4] =	dma.local [hbm:s3], $0xF7A  }
0x26: {  	[smem:$0x3F9F] =	sst s1;
	(tag) =	ssettag s2;
	_ =	strace s9  }
0x27: {  	s1 =	sld [smem:$0x3FAF]  }
0x28: {  	s2 =	sld [smem:$0x3FB0]  }
0x29: {  	s4 =	sld [smem:$0x3FB2]  }
0x2a: {  	p0 =	seq.s32 s5, $0x0;
	s5 =	sld [smem:$0x3FB3]  }
0x2b: {  	s6 =	sld [smem:$0x3FB4]  }
0x2c: {  	s7 =	sld [smem:$0x3FB5]  }
0x2d: {  	s3 =	simm.s32 $0x108;
	s8 =	sld [smem:$0x3FB6]  }
0x2e: {  	s3 =	simm.s32 @!p0 $0x1082;
	s9 =	sld [smem:$0x3FB7]  }
0x2f: {  	lr =	sadd.s32 s0, s3;
	s0 =	sld [smem:$0x3FAE]  }
0x30: {  	s3 =	sld [smem:$0x3FB1]  }
0x31: {  	[smem:$0x3FBA] =	sst s10  }
0x32: {  	s10 =	sld [smem:$0x3FB8];
	_ =	sdelay $0x3  }
0x33: {  	p0 =	seq.s32 s10, $0x1;
	s10 =	sld [smem:$0x3FBA];
	_ =	sdelay $0x3  }
0x34: {  	[smem:$0x3FBA] =	sst s10  }
0x35: {  	s10 =	sld [smem:$0x3FB9];
	_ =	sdelay $0x3  }
0x36: {  	p1 =	seq.s32 s10, $0x1;
	s10 =	sld [smem:$0x3FBA];
	_ =	sdelay $0x3  }
0x37: {  	[smem:$0x3FBA] =	sst s10  }
0x38: {  	s10 =	sld [smem:$0x3FBB]  }
0x39: {  	_ = 	snop;
	(pc) =	sbr.ind lr, $3  }
0x3a: {  	_ = 	snop  }
0x3b: {  	_ = 	snop  }
0x3c: {  	p2 =	seq.s32 s10, $0x1;
	s10 =	sld [smem:$0x3FBA]  }
0x3d: {  	_ =	shalt  }
0x3e: {  	_ =	shalt  }
0x3f: {  	_ =	shalt  }
0x40: {  	_ =	shalt  }
0x41: {  	_ =	shalt  }
0x42: {  	_ =	shalt  }
0x43: {  	_ =	shalt  }
0x44: {  	_ =	shalt  }
0x45: {  	_ =	shalt  }
0x46: {  	_ =	shalt  }
0x47: {  	_ =	shalt  }
0x48: {  	_ =	shalt  }
0x49: {  	_ =	shalt  }
0x4a: {  	_ =	shalt  }
0x4b: {  	_ =	shalt  }
0x4c: {  	_ =	shalt  }
0x4d: {  	_ =	shalt  }
0x4e: {  	_ =	shalt  }
0x4f: {  	_ =	shalt  }
0x50: {  	_ =	shalt  }
0x51: {  	_ =	shalt  }
0x52: {  	_ =	shalt  }
0x53: {  	_ =	shalt  }
0x54: {  	_ =	shalt  }
0x55: {  	_ =	shalt  }
0x56: {  	_ =	shalt  }
0x57: {  	_ =	shalt  }
0x58: {  	_ =	shalt  }
0x59: {  	_ =	shalt  }
0x5a: {  	_ =	shalt  }
0x5b: {  	_ =	shalt  }
0x5c: {  	_ =	shalt  }
0x5d: {  	_ =	shalt  }
0x5e: {  	_ =	shalt  }
0x5f: {  	_ =	shalt  }
0x60: {  	_ =	shalt  }
0x61: {  	_ =	shalt  }
0x62: {  	_ =	shalt  }
0x63: {  	_ =	shalt  }
0x64: {  	_ =	shalt  }
0x65: {  	_ =	shalt  }
0x66: {  	_ =	shalt  }
0x67: {  	_ =	shalt  }
0x68: {  	_ =	shalt  }
0x69: {  	_ =	shalt  }
0x6a: {  	_ =	shalt  }
0x6b: {  	_ =	shalt  }
0x6c: {  	_ =	shalt  }
0x6d: {  	_ =	shalt  }
0x6e: {  	_ =	shalt  }
0x6f: {  	_ =	shalt  }
0x70: {  	_ =	shalt  }
0x71: {  	_ =	shalt  }
0x72: {  	_ =	shalt  }
0x73: {  	_ =	shalt  }
0x74: {  	_ =	shalt  }
0x75: {  	_ =	shalt  }
0x76: {  	_ =	shalt  }
0x77: {  	_ =	shalt  }
0x78: {  	_ =	shalt  }
0x79: {  	_ =	shalt  }
0x7a: {  	_ =	shalt  }
0x7b: {  	_ =	shalt  }
0x7c: {  	_ =	shalt  }
0x7d: {  	_ =	shalt  }
0x7e: {  	_ =	shalt  }
0x7f: {  	_ =	shalt  }
0x80: {  	_ =	shalt  }
0x81: {  	_ =	shalt  }
0x82: {  	_ =	shalt  }
0x83: {  	_ =	shalt  }
0x84: {  	_ =	shalt  }
0x85: {  	_ =	shalt  }
0x86: {  	_ =	shalt  }
0x87: {  	_ =	shalt  }
.Lfunc_end0:
.L_simem_size_0:
called_computation_lowered:
.L_overlay_start_0:
0x88: {  	s2 =	sld [smem:$0x3FD9]  }
0x89: {  	s3 =	sld [smem:$0x3FFE];
	_ =	sdelay $0x1  }
0x8a: {  	s1 =	srdreg.scid  }
0x8b: {  	s0 =	sand.u32 $0x1, s1  }
0x8c: {  	s17 =	sshll.u32 s0, $0xA;
	s2 =	sadd.s32 s3, s2  }
0x8d: {  	s2 =	sadd.s32 s2, s17  }
0x8e: {  	[smem:$0x3FC6] =	sst s2  }
0x8f: {  	_ = 	snop  }
0x90: {  	s2 =	sld [smem:$0x3FD0];
	(tm) =	ssettm $0x1  }
0x91: {  	s18 =	sld [smem:$0x3FFB];
	_ =	sdelay $0x3  }
0x92: {  	_ =	strace s18  }
0x93: {  	s3 =	sld [smem:$0x3FFC];
	_ =	sdelay $0x3  }
0x94: {  	_ =	strace s3  }
0x95: {  	s3 =	sld [smem:$0x3FFD];
	_ =	sdelay $0x3  }
0x96: {  	_ =	strace s3  }
0x97: {  	_ =	strace $0x8FFFFFFF  }
0x98: {  	s19 =	sld [smem:$0x3FDB];
	_ =	sdelay $0x1  }
0x99: {  	s4 =	simm.s32 $_scs_section_size  }
0x9a: {  	s5 =	simm.s32 $_size__tile_overlayer_lowered;
	s6 =	simm.s32 $_tile_overlayer_lowered  }
0x9b: {  	s22 =	simm.s32 $0x1BFF;
	s21 =	sshll.u32 s6, $0x1;
	s3 =	sadd.s32 s4, s19  }
0x9c: {  	s7 =	simm.s32 $0x0;
	s20 =	sshll.u32 s5, $0x1;
	s5 =	sadd.s32 s21, s3  }
0x9d: {  	[timem:s7], [sflag:s22] =	dma.local [hbm:s5], s20  }
0x9e: {  	_ =	swait.ge [sflag:s22], s20  }
0x9f: {  	s4 =	ssub.s32 $0x0, s20;
	[sflag:s22] =	ssyncset.done $0x0  }
0xa0: {  	[sflag:s22] =	ssyncadd.s32 s4;
	_ =	sdelay $0x1  }
0xa1: {  	s23 =	simm.s32 $0x1B8B  }
0xa2: {  	_ =	swait.ge [sflag:s23], $0x1  }
0xa3: {  	[sflag:s23] =	ssyncset.done $0x0  }
0xa4: {  	s25 =	simm.s32 $0x1B8E;
	s24 =	sld [smem:$0x3FFE];
	[sflag:s23] =	ssyncadd.s32 $0xFFFFFFFF  }
0xa5: {  	s26 =	simm.s32 $execute0_lowered;
	[smem:$0x3FD2] =	sst s25  }
0xa6: {  	s5 =	sshll.u32 s26, $0x1;
	_ =	strace $0x80000046;
	[dreg:$0x1] =	wrdreg $0xFFFFFFFF  }
0xa7: {  	s28 =	simm.s32 $_size_execute0_lowered;
	s3 =	sadd.s32 s3, s5;
	[dreg:$0x0] =	wrdreg $0x0  }
0xa8: {  	s5 =	sshll.u32 s28, $0x1;
	[dreg:$0x2] =	wrdreg s3  }
0xa9: {  	[dreg:$0x3] =	wrdreg s5  }
0xaa: {  	[dreg:$0x4] =	wrdreg $0xC0  }
0xab: {  	_ =	task [dreg:s7], $0x5FFFF  }
0xac: {  	[dreg:$0x1] =	wrdreg $0xFFFFFFFF  }
0xad: {  	[dreg:$0x0] =	wrdreg $0x60  }
0xae: {  	[dreg:$0x2] =	wrdreg s24  }
0xaf: {  	[dreg:$0x3] =	wrdreg s2  }
0xb0: {  	[dreg:$0x4] =	wrdreg $0x9  }
0xb1: {  	_ =	task.clear_ibuf [dreg:s7], $0x5FFFF;
	_ =	strace $0x90000046  }
0xb2: {  	s29 =	simm.s32 $0x9;
	_ =	strace $0x80000048  }
0xb3: {  	_ =	swait.ge [sflag:s29], $0x1  }
0xb4: {  	[sflag:s29] =	ssyncadd.s32 $0xFFFFFFFF  }
0xb5: {  	_ =	strace $0x90000048  }
0xb6: {  	_ =	sfence  }
0xb7: {  	s30 =	sld [smem:$0x0];
	_ =	sdelay $0x2  }
0xb8: {  	s31 =	sshll.u32 s1, $0xD;
	s1 =	sshrl.u32 s1, $0x2  }
0xb9: {  	s3 =	sand.u32 $0x4000, s31;
	s1 =	sadd.s32 s1, s30  }
0xba: {  	s0 =	sor.u32 s3, s0;
	s1 =	sshll.u32 s1, $0x11  }
0xbb: {  	s0 =	sor.u32 s1, s0  }
0xbc: {  	s0 =	sadd.s32 $0x8F2B, s0  }
0xbd: {  	[sflag:s0] =	ssyncadd.remote.s32 $0x1  }
0xbe: {  	_ =	sfence.sel $0xFFFF  }
0xbf: {  	[dreg:$0x0] =	wrdreg $0xFFFFFFFF;
	(pc) =	sbr.abs _section_cstart, $3  }
0xc0: {  	[dreg:$0x1] =	wrdreg $0xFFFFFFFF  }
0xc1: {  	_ =	task.clear_ibuf [dreg:s7], $0x2FFFF;
	_ =	strace $0x9FFFFFFF  }
0xc2: {  	(tm) =	ssettm $0x7FFFFFFF  }
0xc3: {  	_ =	shalt  }
tec
execute0_lowered:
.L_overlay_start_1:
0x0: {  	(tag) =	ssettag $0x1  }
0x1: {  	s0 =	rddreg [dreg:$0x0];
	s1 =	srdreg.scid  }
0x2: {  	s3 =	stileid.u32;
	s2 =	rddreg [dreg:$0x1]  }
0x3: {  	s4 =	simm.s32 $0x0;
	s11 =	simm.s32 $0x80;
	s12 =	simm.s32 $0xA00  }
0x4: {  	s13 =	simm.s32 $0xC00;
	s18 =	simm.s32 $0xB80;
	s19 =	simm.s32 $0xCC00  }
0x5: {  	s20 =	simm.s32 $0x1;
	s21 =	simm.s32 $0x10C00;
	s22 =	simm.s32 $0x400  }
0x6: {  	s23 =	simm.s32 $0x8000;
	s24 =	simm.s32 $0x2;
	s28 =	simm.s32 $0x3  }
0x7: {  	s29 =	simm.s32 $0x5;
	s1 =	sand.u32 $0x1, s1;
	s3 =	sshll.u32 s3, $0x1  }
0x8: {  	v1 =	vlaneseq.u32;
	s30 =	simm.s32 $0x4;
	s31 =	simm.s32 $0x0;
	s3 =	sor.u32 s1, s3  }
0x9: {  	[smem:$0x7FF] =	sst s4;
	v0 =	vshrl.u32 v1, $0x3;
	s1 =	ssub.s32 $0x2, s1;
	s5 =	smul.u32 $0x140, s3  }
.Ltmp0:
0xa: {  	s4 =	sadd.s32 $0x2C00, s0;
	v0 =	vmul.u32 $0x400, v0;
	s25 =	sshrl.u32 s1, $0x1;
	(pc) =	sbr.rel .LBB2_1-.Ltmp0, $4  }
0xb: {  	v1 =	vand.u32 $0x7, v1;
	_ =	strace $0x80000047;
	s6 =	sshll.u32 s3, $0xA;
	s1 =	ssub.s32 s1, s25  }
0xc: {  	v1 =	vmul.u32 $0x80, v1;
	s7 =	sor.u32 $0x380000, s6;
	v2 =	vor.u32 $0x800, v0;
	s0 =	sadd.s32 s5, s0;
	s26 =	smax.u32 s1, $0x1  }
0xd: {  	s8 =	sor.u32 $0x180000, s6;
	v3 =	vor.u32 $0x1000, v0;
	v4 =	vor.u32 $0x1800, v0;
	v5 =	vor.u32 $0x2000, v0;
	s0 =	sadd.s32 $0x400, s0;
	[dreg:$0x4] =	wrdreg s26  }
0xe: {  	s25 =	simm.s32 $0x6;
	v6 =	vor.u32 $0x2800, v0;
	v7 =	vor.u32 $0x3000, v0;
	v8 =	vor.u32 $0x3800, v0;
	s26 =	simm.s32 $0x14C00;
	[dreg:$0x3] =	wrdreg s0  }
.LBB2_18:
0xf: {  	_ =	swait.ge [sflag:s29], $0x4000  }
0x10: {  	[sflag:s29] =	ssyncset.done $0x0  }
0x11: {  	[sflag:s29] =	ssyncadd.s32 $0xFFFFC000  }
0x12: {  	_ =	swait.ge [sflag:s25], $0x3400  }
0x13: {  	s31 =	sadd.s32 $0x1, s31;
	s0 =	rddreg [dreg:$0x4]  }
0x14: {  	p0 =	sne.s32 s31, s0  }
.Ltmp1:
0x15: {  	_ = 	snop;
	(pc) =	sbr.rel @!p0 .LBB2_19-.Ltmp1, $3  }
0x16: {  	_ =	sdelay $0x1  }
0x17: {  	[sflag:s25] =	ssyncset.done $0x0  }
0x18: {  	[sflag:s25] =	ssyncadd.s32 $0xFFFFCC00  }
.LBB2_1:
0x19: {  	s0 =	simm.s32 $0x0;
	s1 =	rddreg [dreg:$0x3];
	s10 =	simm.s32 $0x7  }
0x1a: {  	[tilespmem:s0], [sflag:$0x7] =	stream.linear.gather [hbm4b:s1+s0], $0xA00, $0x38;
	[tilespmem:$0x18C00] =	vst v63  }
0x1b: {  	_ =	swait.ge [sflag:s10], $0xA00  }
0x1c: {  	[sflag:s10] =	ssyncset.done $0x0  }
0x1d: {  	[sflag:s10] =	ssyncadd.s32 $0xFFFFF600  }
0x1e: {  	v9 =	vld [tilespmem:$0x0]  }
0x1f: {  	v10 =	vld [tilespmem:$0x10]  }
0x20: {  	v11 =	vld [tilespmem:$0x20]  }
0x21: {  	v12 =	vld [tilespmem:$0x30]  }
0x22: {  	v13 =	vld [tilespmem:$0x40]  }
0x23: {  	[tilespmem:$0xA00] =	vst v9;
	v9 =	vld [tilespmem:$0x50]  }
0x24: {  	[tilespmem:$0xA10] =	vst v10;
	v10 =	vld [tilespmem:$0x60]  }
0x25: {  	[tilespmem:$0xA20] =	vst v11;
	v11 =	vld [tilespmem:$0x70]  }
0x26: {  	[tilespmem:$0xA30] =	vst v12  }
0x27: {  	[tilespmem:$0xA40] =	vst v13  }
0x28: {  	[tilespmem:$0xA50] =	vst v9  }
0x29: {  	[tilespmem:$0xA60] =	vst v10  }
0x2a: {  	[tilespmem:$0xA70] =	vst v11  }
0x2b: {  	[tilespmem:s13], [sflag:$0x1] =	stream.indirect.gather [hbm4b:s4+s11], $0x80, s12, s11, $0xb8;
	[tilespmem:$0x18C00] =	vst v63  }
0x2c: {  	v9 =	vld [tilespmem:$0x0]  }
0x2d: {  	v10 =	vld [tilespmem:$0x10]  }
0x2e: {  	v11 =	vld [tilespmem:$0x20]  }
0x2f: {  	v56 =	vld [tilespmem:$0x30]  }
0x30: {  	v57 =	vld [tilespmem:$0x40]  }
0x31: {  	v14 =	vld [tilespmem:$0x50];
	v9 =	vadd.s32 $0x3E8, v9  }
0x32: {  	[tilespmem:$0xA80] =	vst v9;
	v9 =	vadd.s32 $0x3E8, v10;
	v10 =	vld [tilespmem:$0x60]  }
0x33: {  	[tilespmem:$0xA90] =	vst v9;
	v9 =	vadd.s32 $0x3E8, v11;
	v11 =	vld [tilespmem:$0x70]  }
0x34: {  	[tilespmem:$0xAA0] =	vst v9;
	v9 =	vadd.s32 $0x3E8, v56  }
0x35: {  	[tilespmem:$0xAB0] =	vst v9;
	v9 =	vadd.s32 $0x3E8, v57  }
0x36: {  	[tilespmem:$0xAC0] =	vst v9;
	v9 =	vadd.s32 $0x3E8, v14  }
0x37: {  	[tilespmem:$0xAD0] =	vst v9;
	v9 =	vadd.s32 $0x3E8, v10  }
0x38: {  	[tilespmem:$0xAE0] =	vst v9;
	v9 =	vadd.s32 $0x3E8, v11  }
0x39: {  	s14 =	simm.s32 $0xA80;
	s15 =	simm.s32 $0x4C00;
	[tilespmem:$0xAF0] =	vst v9  }
0x3a: {  	[tilespmem:s15], [sflag:$0x2] =	stream.indirect.gather [hbm4b:s4+s11], $0x80, s14, s11, $0xb8;
	[tilespmem:$0x18C00] =	vst v63  }
0x3b: {  	v9 =	vld [tilespmem:$0x0]  }
0x3c: {  	v10 =	vld [tilespmem:$0x10]  }
0x3d: {  	v11 =	vld [tilespmem:$0x20]  }
0x3e: {  	v58 =	vld [tilespmem:$0x30]  }
0x3f: {  	v59 =	vld [tilespmem:$0x40]  }
0x40: {  	v60 =	vld [tilespmem:$0x50];
	v9 =	vadd.s32 $0x7D0, v9  }
0x41: {  	[tilespmem:$0xB00] =	vst v9;
	v9 =	vadd.s32 $0x7D0, v10;
	v10 =	vld [tilespmem:$0x60]  }
0x42: {  	[tilespmem:$0xB10] =	vst v9;
	v9 =	vadd.s32 $0x7D0, v11;
	v11 =	vld [tilespmem:$0x70]  }
0x43: {  	[tilespmem:$0xB20] =	vst v9;
	v9 =	vadd.s32 $0x7D0, v58  }
0x44: {  	[tilespmem:$0xB30] =	vst v9;
	v9 =	vadd.s32 $0x7D0, v59  }
0x45: {  	[tilespmem:$0xB40] =	vst v9;
	v9 =	vadd.s32 $0x7D0, v60  }
0x46: {  	[tilespmem:$0xB50] =	vst v9;
	v9 =	vadd.s32 $0x7D0, v10  }
0x47: {  	[tilespmem:$0xB60] =	vst v9;
	v9 =	vadd.s32 $0x7D0, v11  }
0x48: {  	s16 =	simm.s32 $0xB00;
	s17 =	simm.s32 $0x8C00;
	[tilespmem:$0xB70] =	vst v9  }
0x49: {  	[tilespmem:s17], [sflag:$0x3] =	stream.indirect.gather [hbm4b:s4+s11], $0x80, s16, s11, $0xb8;
	[tilespmem:$0x18C00] =	vst v63  }
0x4a: {  	v9 =	vld [tilespmem:$0x0]  }
0x4b: {  	v10 =	vld [tilespmem:$0x10]  }
0x4c: {  	v11 =	vld [tilespmem:$0x20]  }
0x4d: {  	v61 =	vld [tilespmem:$0x30]  }
0x4e: {  	v62 =	vld [tilespmem:$0x40]  }
0x4f: {  	v63 =	vld [tilespmem:$0x50];
	v9 =	vadd.s32 $0xBB8, v9  }
0x50: {  	[tilespmem:$0xB80] =	vst v9;
	v9 =	vadd.s32 $0xBB8, v10;
	v10 =	vld [tilespmem:$0x60]  }
0x51: {  	[tilespmem:$0xB90] =	vst v9;
	v9 =	vadd.s32 $0xBB8, v11;
	v11 =	vld [tilespmem:$0x70]  }
0x52: {  	[tilespmem:$0xBA0] =	vst v9;
	v9 =	vadd.s32 $0xBB8, v61  }
0x53: {  	[tilespmem:$0xBB0] =	vst v9;
	v9 =	vadd.s32 $0xBB8, v62  }
0x54: {  	[tilespmem:$0xBC0] =	vst v9;
	v9 =	vadd.s32 $0xBB8, v63  }
0x55: {  	[tilespmem:$0xBD0] =	vst v9;
	v9 =	vadd.s32 $0xBB8, v10  }
0x56: {  	[tilespmem:$0xBE0] =	vst v9;
	v9 =	vadd.s32 $0xBB8, v11  }
0x57: {  	s1 =	simm.s32 $0x0;
	[tilespmem:$0xBF0] =	vst v9  }
0x58: {  	[tilespmem:s19], [sflag:$0x4] =	stream.indirect.gather [hbm4b:s4+s11], $0x80, s18, s11, $0xb8;
	[tilespmem:$0x18C00] =	vst v63  }
.LBB2_2:
0x59: {  	_ =	swait.ge [sflag:s20], $0x4000  }
0x5a: {  	p0 =	seq.s32 s1, $0x0;
	[sflag:s20] =	ssyncset.done $0x0  }
0x5b: {  	s0 =	simm.s32 @!p0 $0x5;
	[sflag:s20] =	ssyncadd.s32 $0xFFFFC000  }
0x5c: {  	s3 =	simm.s32 $0x1;
	_ =	swait.ge @!p0 [sflag:s0], $0x4000  }
0x5d: {  	s5 =	simm.s32 $0x0;
	v9 =	vor.u32 s3, v1;
	[sflag:s0] =	ssyncset.done @!p0 $0x0  }
0x5e: {  	s10 =	simm.s32 $0xC80;
	v10 =	vor.u32 s5, v1;
	v15 =	vand.u32 $0x3FF, v9;
	[sflag:s0] =	ssyncadd.s32 @!p0 $0xFFFFC000  }
0x5f: {  	v19 =	vand.u32 $0x3FE, v10;
	v10 =	vor.u32 v0, v15;
	v9 =	vld [tilespmem:s10+$0x0]  }
0x60: {  	v12 =	vor.u32 v0, v19;
	v11 =	vld [tilespmem:s10+$0xFFFFFF80];
	_ =	sdelay $0x3  }
0x61: {  	[tilespmem:v10+s21+$0x0] =	vst.idx.msk $0xffff, v9  }
0x62: {  	[tilespmem:v12+s21+$0x0] =	vst.idx.msk $0xffff, v11;
	v10 =	vor.u32 v2, v15;
	v9 =	vld [tilespmem:s10+$0x10]  }
0x63: {  	v12 =	vor.u32 v2, v19;
	v11 =	vld [tilespmem:s10+$0xFFFFFF90];
	_ =	sdelay $0x3  }
0x64: {  	[tilespmem:v10+s21+$0x0] =	vst.idx.msk $0xffff, v9  }
0x65: {  	[tilespmem:v12+s21+$0x0] =	vst.idx.msk $0xffff, v11;
	v12 =	vor.u32 v3, v15;
	v11 =	vld [tilespmem:s10+$0x20]  }
0x66: {  	s14 =	simm.s32 $0x3;
	v14 =	vor.u32 v3, v19;
	v13 =	vld [tilespmem:s10+$0xFFFFFFA0]  }
0x67: {  	s15 =	simm.s32 $0x2;
	v9 =	vor.u32 s14, v1  }
0x68: {  	v10 =	vor.u32 s15, v1;
	s14 =	simm.s32 $0xD80;
	v9 =	vand.u32 $0x3FF, v9  }
0x69: {  	v10 =	vand.u32 $0x3FE, v10;
	v16 =	vld [tilespmem:s14+$0x0];
	v17 =	vor.u32 v0, v9  }
0x6a: {  	v18 =	vld [tilespmem:s14+$0xFFFFFF80];
	v20 =	vor.u32 v0, v10;
	[tilespmem:v12+s21+$0x0] =	vst.idx.msk $0xffff, v11  }
0x6b: {  	[tilespmem:v14+s21+$0x0] =	vst.idx.msk $0xffff, v13;
	v12 =	vor.u32 v4, v15;
	v11 =	vld [tilespmem:s10+$0x30]  }
0x6c: {  	v14 =	vor.u32 v4, v19;
	v13 =	vld [tilespmem:s10+$0xFFFFFFB0];
	_ =	sdelay $0x1  }
0x6d: {  	[tilespmem:v17+s21+$0x0] =	vst.idx.msk $0xffff, v16  }
0x6e: {  	[tilespmem:v20+s21+$0x0] =	vst.idx.msk $0xffff, v18;
	v17 =	vor.u32 v2, v9;
	v16 =	vld [tilespmem:s14+$0x10]  }
0x6f: {  	v20 =	vor.u32 v2, v10;
	v18 =	vld [tilespmem:s14+$0xFFFFFF90];
	[tilespmem:v12+s21+$0x0] =	vst.idx.msk $0xffff, v11  }
0x70: {  	[tilespmem:v14+s21+$0x0] =	vst.idx.msk $0xffff, v13;
	v12 =	vor.u32 v5, v15;
	v11 =	vld [tilespmem:s10+$0x40]  }
0x71: {  	v14 =	vor.u32 v5, v19;
	v13 =	vld [tilespmem:s10+$0xFFFFFFC0];
	_ =	sdelay $0x1  }
0x72: {  	[tilespmem:v17+s21+$0x0] =	vst.idx.msk $0xffff, v16  }
0x73: {  	[tilespmem:v20+s21+$0x0] =	vst.idx.msk $0xffff, v18;
	v17 =	vor.u32 v3, v9;
	v16 =	vld [tilespmem:s14+$0x20]  }
0x74: {  	s16 =	simm.s32 $0x5;
	v20 =	vor.u32 v3, v10;
	v18 =	vld [tilespmem:s14+$0xFFFFFFA0];
	[tilespmem:v12+s21+$0x0] =	vst.idx.msk $0xffff, v11  }
0x75: {  	s17 =	simm.s32 $0x4;
	v11 =	vor.u32 s16, v1;
	[tilespmem:v14+s21+$0x0] =	vst.idx.msk $0xffff, v13;
	v14 =	vor.u32 v6, v15;
	v13 =	vld [tilespmem:s10+$0x50]  }
0x76: {  	v22 =	vor.u32 v6, v19;
	v12 =	vor.u32 s17, v1;
	s17 =	simm.s32 $0xE80;
	v11 =	vand.u32 $0x3FF, v11;
	v21 =	vld [tilespmem:s10+$0xFFFFFFD0]  }
0x77: {  	v12 =	vand.u32 $0x3FE, v12;
	v23 =	vld [tilespmem:s17+$0x0];
	v24 =	vor.u32 v0, v11  }
0x78: {  	v25 =	vld [tilespmem:s17+$0xFFFFFF80];
	[tilespmem:v17+s21+$0x0] =	vst.idx.msk $0xffff, v16;
	v26 =	vor.u32 v0, v12  }
0x79: {  	[tilespmem:v20+s21+$0x0] =	vst.idx.msk $0xffff, v18;
	v17 =	vor.u32 v4, v9;
	v16 =	vld [tilespmem:s14+$0x30]  }
0x7a: {  	v20 =	vor.u32 v4, v10;
	v18 =	vld [tilespmem:s14+$0xFFFFFFB0];
	[tilespmem:v14+s21+$0x0] =	vst.idx.msk $0xffff, v13  }
0x7b: {  	[tilespmem:v22+s21+$0x0] =	vst.idx.msk $0xffff, v21;
	v14 =	vor.u32 v7, v15;
	v13 =	vld [tilespmem:s10+$0x60]  }
0x7c: {  	v22 =	vor.u32 v7, v19;
	[tilespmem:v24+s21+$0x0] =	vst.idx.msk $0xffff, v23;
	v21 =	vld [tilespmem:s10+$0xFFFFFFE0]  }
0x7d: {  	v62 =	vor.u32 v2, v11;
	[tilespmem:v26+s21+$0x0] =	vst.idx.msk $0xffff, v25;
	v23 =	vld [tilespmem:s17+$0x10]  }
0x7e: {  	v63 =	vor.u32 v2, v12;
	[tilespmem:v17+s21+$0x0] =	vst.idx.msk $0xffff, v16;
	v25 =	vld [tilespmem:s17+$0xFFFFFF90]  }
0x7f: {  	v28 =	vor.u32 v5, v9;
	[tilespmem:v20+s21+$0x0] =	vst.idx.msk $0xffff, v18;
	v27 =	vld [tilespmem:s14+$0x40]  }
0x80: {  	v18 =	vor.u32 v5, v10;
	v17 =	vld [tilespmem:s14+$0xFFFFFFC0];
	[tilespmem:v14+s21+$0x0] =	vst.idx.msk $0xffff, v13  }
0x81: {  	v16 =	vor.u32 v8, v15;
	[tilespmem:v22+s21+$0x0] =	vst.idx.msk $0xffff, v21;
	v14 =	vld [tilespmem:s10+$0x70]  }
0x82: {  	v15 =	vor.u32 v8, v19;
	[tilespmem:v62+s21+$0x0] =	vst.idx.msk $0xffff, v23;
	v13 =	vld [tilespmem:s10+$0xFFFFFFF0]  }
0x83: {  	s9 =	simm.s32 $0x7;
	s3 =	simm.s32 $0x6;
	s5 =	simm.s32 $0x8;
	v20 =	vor.u32 v3, v11;
	[tilespmem:v63+s21+$0x0] =	vst.idx.msk $0xffff, v25;
	v19 =	vld [tilespmem:s17+$0x20]  }
0x84: {  	s0 =	sshll.u32 s1, $0x2;
	s15 =	sshrl.u32 s1, $0x1;
	s16 =	simm.s32 $0xE80;
	v22 =	vor.u32 v3, v12;
	[tilespmem:v28+s21+$0x0] =	vst.idx.msk $0xffff, v27;
	v21 =	vld [tilespmem:s17+$0xFFFFFFA0]  }
.LBB2_3:
0x85: {  	p1 =	slt.u32 s5, $0x7E;
	v23 =	vor.u32 s9, v1;
	[tilespmem:v18+s21+$0x0] =	vst.idx.msk $0xffff, v17;
	v17 =	vld [tilespmem:s14+$0x50];
	v18 =	vor.u32 v6, v9  }
0x86: {  	v24 =	vor.u32 s3, v1;
	s17 =	sadd.s32 $0x100, s17;
	v26 =	vor.u32 v6, v10;
	s3 =	smov.u32 s5;
	v23 =	vand.u32 $0x3FF, v23;
	v25 =	vld [tilespmem:s14+$0xFFFFFFD0];
	[tilespmem:v16+s21+$0x0] =	vst.idx.msk $0xffff, v14  }
0x87: {  	v24 =	vand.u32 $0x3FE, v24;
	v14 =	vld [tilespmem:s17+$0x0];
	v16 =	vor.u32 v0, v23;
	[tilespmem:v15+s21+$0x0] =	vst.idx.msk $0xffff, v13  }
0x88: {  	v15 =	vor.u32 v0, v24;
	v13 =	vld [tilespmem:s17+$0xFFFFFF80];
	[tilespmem:v20+s21+$0x0] =	vst.idx.msk $0xffff, v19  }
0x89: {  	v20 =	vor.u32 v4, v11;
	[tilespmem:v22+s21+$0x0] =	vst.idx.msk $0xffff, v21;
	v19 =	vld [tilespmem:s16+$0x30]  }
0x8a: {  	v22 =	vor.u32 v4, v12;
	v21 =	vld [tilespmem:s16+$0xFFFFFFB0];
	[tilespmem:v18+s21+$0x0] =	vst.idx.msk $0xffff, v17  }
0x8b: {  	[tilespmem:v26+s21+$0x0] =	vst.idx.msk $0xffff, v25;
	v25 =	vld [tilespmem:s14+$0x60];
	v26 =	vor.u32 v7, v9  }
0x8c: {  	[tilespmem:v16+s21+$0x0] =	vst.idx.msk $0xffff, v14;
	v14 =	vld [tilespmem:s14+$0xFFFFFFE0];
	v16 =	vor.u32 v7, v10  }
0x8d: {  	[tilespmem:v15+s21+$0x0] =	vst.idx.msk $0xffff, v13;
	v13 =	vld [tilespmem:s17+$0x10];
	v15 =	vor.u32 v2, v23  }
0x8e: {  	v28 =	vor.u32 v2, v24;
	v27 =	vld [tilespmem:s17+$0xFFFFFF90];
	[tilespmem:v20+s21+$0x0] =	vst.idx.msk $0xffff, v19  }
0x8f: {  	v30 =	vor.u32 v5, v11;
	[tilespmem:v22+s21+$0x0] =	vst.idx.msk $0xffff, v21;
	v29 =	vld [tilespmem:s16+$0x40]  }
.Ltmp2:
0x90: {  	v18 =	vor.u32 v5, v12;
	v17 =	vld [tilespmem:s16+$0xFFFFFFC0];
	[tilespmem:v26+s21+$0x0] =	vst.idx.msk $0xffff, v25;
	(pc) =	sbr.rel @p1 .LBB2_3-.Ltmp2, $4  }
0x91: {  	[tilespmem:v16+s21+$0x0] =	vst.idx.msk $0xffff, v14;
	v14 =	vld [tilespmem:s14+$0x70];
	v16 =	vor.u32 v8, v9;
	v9 =	vmov v11;
	v11 =	vmov v23  }
0x92: {  	[tilespmem:v15+s21+$0x0] =	vst.idx.msk $0xffff, v13;
	v13 =	vld [tilespmem:s14+$0xFFFFFFF0];
	v15 =	vor.u32 v8, v10;
	v10 =	vmov v12;
	v12 =	vmov v24;
	s14 =	smov.u32 s16;
	s16 =	smov.u32 s17  }
0x93: {  	v20 =	vor.u32 v3, v11;
	[tilespmem:v28+s21+$0x0] =	vst.idx.msk $0xffff, v27;
	v19 =	vld [tilespmem:s17+$0x20]  }
0x94: {  	s5 =	sadd.s32 $0x2, s5;
	s9 =	sadd.s32 $0x1, s3;
	v22 =	vor.u32 v3, v12;
	v21 =	vld [tilespmem:s17+$0xFFFFFFA0];
	[tilespmem:v30+s21+$0x0] =	vst.idx.msk $0xffff, v29  }
0x95: {  	v23 =	vor.u32 s9, v1  }
0x96: {  	v24 =	vor.u32 s3, v1;
	s10 =	sadd.s32 $0x100, s17;
	v23 =	vand.u32 $0x3FF, v23  }
0x97: {  	v24 =	vand.u32 $0x3FE, v24;
	v25 =	vld [tilespmem:s10+$0x0];
	v26 =	vor.u32 v0, v23  }
0x98: {  	v27 =	vld [tilespmem:s10+$0xFFFFFF80];
	v28 =	vor.u32 v0, v24;
	_ =	sdelay $0x3  }
0x99: {  	[tilespmem:v26+s21+$0x0] =	vst.idx.msk $0xffff, v25  }
0x9a: {  	v56 =	vor.u32 v2, v23;
	[tilespmem:v28+s21+$0x0] =	vst.idx.msk $0xffff, v27;
	v25 =	vld [tilespmem:s10+$0x10]  }
0x9b: {  	v57 =	vor.u32 v2, v24;
	v27 =	vld [tilespmem:s10+$0xFFFFFF90];
	_ =	sdelay $0x3  }
0x9c: {  	[tilespmem:v56+s21+$0x0] =	vst.idx.msk $0xffff, v25  }
0x9d: {  	v58 =	vor.u32 v3, v23;
	[tilespmem:v57+s21+$0x0] =	vst.idx.msk $0xffff, v27;
	v25 =	vld [tilespmem:s10+$0x20]  }
0x9e: {  	v59 =	vor.u32 v3, v24;
	v27 =	vld [tilespmem:s10+$0xFFFFFFA0];
	_ =	sdelay $0x1  }
0x9f: {  	[tilespmem:v20+s21+$0x0] =	vst.idx.msk $0xffff, v19  }
0xa0: {  	v60 =	vor.u32 v4, v11;
	[tilespmem:v22+s21+$0x0] =	vst.idx.msk $0xffff, v21;
	v19 =	vld [tilespmem:s16+$0x30]  }
0xa1: {  	v61 =	vor.u32 v4, v12;
	v21 =	vld [tilespmem:s16+$0xFFFFFFB0];
	[tilespmem:v58+s21+$0x0] =	vst.idx.msk $0xffff, v25  }
0xa2: {  	v62 =	vor.u32 v4, v23;
	[tilespmem:v59+s21+$0x0] =	vst.idx.msk $0xffff, v27;
	v25 =	vld [tilespmem:s10+$0x30]  }
0xa3: {  	v63 =	vor.u32 v4, v24;
	v27 =	vld [tilespmem:s10+$0xFFFFFFB0]  }
0xa4: {  	[tilespmem:v18+s21+$0x0] =	vst.idx.msk $0xffff, v17  }
0xa5: {  	[tilespmem:v60+s21+$0x0] =	vst.idx.msk $0xffff, v19  }
0xa6: {  	v31 =	vor.u32 v5, v11;
	[tilespmem:v61+s21+$0x0] =	vst.idx.msk $0xffff, v21;
	v30 =	vld [tilespmem:s16+$0x40]  }
0xa7: {  	v33 =	vor.u32 v5, v12;
	v32 =	vld [tilespmem:s16+$0xFFFFFFC0];
	[tilespmem:v62+s21+$0x0] =	vst.idx.msk $0xffff, v25  }
0xa8: {  	v35 =	vor.u32 v5, v23;
	[tilespmem:v63+s21+$0x0] =	vst.idx.msk $0xffff, v27;
	v34 =	vld [tilespmem:s10+$0x40]  }
0xa9: {  	[tilespmem:v16+s21+$0x0] =	vst.idx.msk $0xffff, v14;
	v37 =	vor.u32 v5, v24;
	v36 =	vld [tilespmem:s10+$0xFFFFFFC0]  }
0xaa: {  	v38 =	vld [tilespmem:s14+$0x50];
	v39 =	vor.u32 v6, v9;
	[tilespmem:v15+s21+$0x0] =	vst.idx.msk $0xffff, v13  }
0xab: {  	v41 =	vor.u32 v6, v10;
	v40 =	vld [tilespmem:s14+$0xFFFFFFD0];
	[tilespmem:v31+s21+$0x0] =	vst.idx.msk $0xffff, v30  }
0xac: {  	v42 =	vor.u32 v6, v11;
	[tilespmem:v33+s21+$0x0] =	vst.idx.msk $0xffff, v32;
	v17 =	vld [tilespmem:s16+$0x50]  }
0xad: {  	v43 =	vor.u32 v6, v12;
	v19 =	vld [tilespmem:s16+$0xFFFFFFD0];
	[tilespmem:v35+s21+$0x0] =	vst.idx.msk $0xffff, v34  }
0xae: {  	v45 =	vor.u32 v6, v23;
	[tilespmem:v37+s21+$0x0] =	vst.idx.msk $0xffff, v36;
	v44 =	vld [tilespmem:s10+$0x50]  }
0xaf: {  	v47 =	vor.u32 v6, v24;
	[tilespmem:v39+s21+$0x0] =	vst.idx.msk $0xffff, v38;
	v46 =	vld [tilespmem:s10+$0xFFFFFFD0]  }
0xb0: {  	v49 =	vor.u32 v7, v9;
	[tilespmem:v41+s21+$0x0] =	vst.idx.msk $0xffff, v40;
	v48 =	vld [tilespmem:s14+$0x60]  }
0xb1: {  	v51 =	vor.u32 v7, v10;
	v50 =	vld [tilespmem:s14+$0xFFFFFFE0];
	[tilespmem:v42+s21+$0x0] =	vst.idx.msk $0xffff, v17  }
0xb2: {  	v52 =	vor.u32 v7, v11;
	[tilespmem:v43+s21+$0x0] =	vst.idx.msk $0xffff, v19;
	v17 =	vld [tilespmem:s16+$0x60]  }
0xb3: {  	v53 =	vor.u32 v7, v12;
	v19 =	vld [tilespmem:s16+$0xFFFFFFE0];
	[tilespmem:v45+s21+$0x0] =	vst.idx.msk $0xffff, v44  }
0xb4: {  	v54 =	vor.u32 v7, v23;
	[tilespmem:v47+s21+$0x0] =	vst.idx.msk $0xffff, v46;
	v14 =	vld [tilespmem:s10+$0x60]  }
0xb5: {  	[tilespmem:v49+s21+$0x0] =	vst.idx.msk $0xffff, v48;
	v56 =	vor.u32 v7, v24;
	v55 =	vld [tilespmem:s10+$0xFFFFFFE0]  }
0xb6: {  	v9 =	vor.u32 v8, v9;
	[tilespmem:v51+s21+$0x0] =	vst.idx.msk $0xffff, v50;
	v57 =	vld [tilespmem:s14+$0x70]  }
0xb7: {  	v10 =	vor.u32 v8, v10;
	v58 =	vld [tilespmem:s14+$0xFFFFFFF0];
	[tilespmem:v52+s21+$0x0] =	vst.idx.msk $0xffff, v17  }
0xb8: {  	v11 =	vor.u32 v8, v11;
	[tilespmem:v53+s21+$0x0] =	vst.idx.msk $0xffff, v19;
	v17 =	vld [tilespmem:s16+$0x70]  }
0xb9: {  	v60 =	vor.u32 v8, v12;
	v59 =	vld [tilespmem:s16+$0xFFFFFFF0];
	[tilespmem:v54+s21+$0x0] =	vst.idx.msk $0xffff, v14  }
0xba: {  	v62 =	vor.u32 v8, v23;
	[tilespmem:v56+s21+$0x0] =	vst.idx.msk $0xffff, v55;
	v61 =	vld [tilespmem:s10+$0x70]  }
0xbb: {  	s17 =	sshll.u32 s1, $0x15;
	[tilespmem:v9+s21+$0x0] =	vst.idx.msk $0xffff, v57;
	s14 =	smul.u32 $0x3E8000, s15;
	v63 =	vor.u32 v8, v24;
	v9 =	vld [tilespmem:s10+$0xFFFFFFF0]  }
0xbc: {  	p1 =	sne.s32 s1, $0x27;
	s15 =	sand.u32 $0x200000, s17;
	[tilespmem:v10+s21+$0x0] =	vst.idx.msk $0xffff, v58  }
.Ltmp3:
0xbd: {  	s3 =	sadd.s32 s15, s14;
	[tilespmem:v11+s21+$0x0] =	vst.idx.msk $0xffff, v17;
	(pc) =	sbr.rel @p1 .LBB2_6-.Ltmp3, $4  }
0xbe: {  	s3 =	sor.u32 s6, s3;
	[tilespmem:v60+s21+$0x0] =	vst.idx.msk $0xffff, v59  }
0xbf: {  	s3 =	sshrl.u32 s3, $0x3;
	[tilespmem:v62+s21+$0x0] =	vst.idx.msk $0xffff, v61  }
0xc0: {  	s3 =	sadd.s32 s2, s3;
	[tilespmem:v63+s21+$0x0] =	vst.idx.msk $0xffff, v9  }
0xc1: {  	[hbm4b:s3+s22] =	stream.strided.scatter [tilespmem:s21], [sflag:$0x5], $0x4000, s23, s22, $0x38;
	[tilespmem:$0x18C00] =	vst v63  }
.Ltmp4:
0xc2: {  	(pc) =	sbr.rel .LBB2_8-.Ltmp4, $4  }
0xc3: {  	_ = 	snop  }
0xc4: {  	_ =	swait.ge [sflag:s24], $0x4000  }
0xc5: {  	[sflag:s24] =	ssyncset.done $0x0  }
0xc6: {  	[sflag:s24] =	ssyncadd.s32 $0xFFFFC000  }
.LBB2_6:
0xc7: {  	s3 =	sadd.s32 $0x4, s0  }
0xc8: {  	s5 =	sshll.u32 s3, $0x4  }
0xc9: {  	s5 =	sand.u32 $0x1F80, s5  }
0xca: {  	v9 =	vld [tilespmem:s5+$0x0];
	_ =	sdelay $0x1  }
0xcb: {  	s3 =	sand.u32 $0x4, s3  }
0xcc: {  	s3 =	smul.u32 $0x3E8, s3;
	_ =	sdelay $0x1  }
0xcd: {  	v9 =	vadd.s32 s3, v9  }
0xce: {  	[tilespmem:$0xA00] =	vst v9  }
0xcf: {  	v9 =	vld [tilespmem:s5+$0x10];
	_ =	sdelay $0x4  }
0xd0: {  	v9 =	vadd.s32 s3, v9  }
0xd1: {  	[tilespmem:$0xA10] =	vst v9  }
0xd2: {  	v9 =	vld [tilespmem:s5+$0x20];
	_ =	sdelay $0x4  }
0xd3: {  	v9 =	vadd.s32 s3, v9  }
0xd4: {  	[tilespmem:$0xA20] =	vst v9  }
0xd5: {  	v9 =	vld [tilespmem:s5+$0x30];
	_ =	sdelay $0x4  }
0xd6: {  	v9 =	vadd.s32 s3, v9  }
0xd7: {  	[tilespmem:$0xA30] =	vst v9  }
0xd8: {  	v9 =	vld [tilespmem:s5+$0x40];
	_ =	sdelay $0x4  }
0xd9: {  	v9 =	vadd.s32 s3, v9  }
0xda: {  	[tilespmem:$0xA40] =	vst v9  }
0xdb: {  	v9 =	vld [tilespmem:s5+$0x50];
	_ =	sdelay $0x4  }
0xdc: {  	v9 =	vadd.s32 s3, v9  }
0xdd: {  	[tilespmem:$0xA50] =	vst v9  }
0xde: {  	v9 =	vld [tilespmem:s5+$0x60];
	_ =	sdelay $0x4  }
0xdf: {  	v9 =	vadd.s32 s3, v9  }
0xe0: {  	[tilespmem:$0xA60] =	vst v9  }
0xe1: {  	v9 =	vld [tilespmem:s5+$0x70];
	_ =	sdelay $0x4  }
0xe2: {  	v9 =	vadd.s32 s3, v9  }
.Ltmp5:
0xe3: {  	[tilespmem:$0xA70] =	vst v9;
	(pc) =	sbr.rel @p0 .LBB2_10-.Ltmp5, $4  }
0xe4: {  	[tilespmem:s13], [sflag:$0x1] =	stream.indirect.gather [hbm4b:s4+s11], $0x80, s12, s11, $0xb8;
	[tilespmem:$0x18C00] =	vst v63  }
0xe5: {  	_ =	swait.ge [sflag:s24], $0x4000  }
0xe6: {  	[sflag:s24] =	ssyncset.done $0x0  }
0xe7: {  	[sflag:s24] =	ssyncadd.s32 $0xFFFFC000  }
0xe8: {  	s3 =	ssub.s32 $0x0, s0  }
0xe9: {  	s3 =	sand.u32 $0x4, s3  }
0xea: {  	p0 =	seq.s32 s3, $0x0  }
.Ltmp6:
0xeb: {  	_ = 	snop;
	(pc) =	sbr.rel @!p0 .LBB2_8-.Ltmp6, $1  }
0xec: {  	_ =	sdelay $0x3  }
.Ltmp7:
0xed: {  	(pc) =	sbr.rel .LBB2_10-.Ltmp7, $4  }
0xee: {  	_ = 	snop  }
0xef: {  	_ =	swait.ge [sflag:s25], $0x3400  }
0xf0: {  	[sflag:s25] =	ssyncset.done $0x0  }
0xf1: {  	[sflag:s25] =	ssyncadd.s32 $0xFFFFCC00  }
.LBB2_8:
0xf2: {  	_ =	swait.ge [sflag:s25], $0x4000  }
0xf3: {  	[sflag:s25] =	ssyncset.done $0x0  }
0xf4: {  	[sflag:s25] =	ssyncadd.s32 $0xFFFFC000  }
.LBB2_10:
0xf5: {  	s3 =	simm.s32 $0x1  }
0xf6: {  	s5 =	simm.s32 $0x0;
	v9 =	vor.u32 s3, v1  }
0xf7: {  	s17 =	simm.s32 $0x4C80;
	v10 =	vor.u32 s5, v1;
	v15 =	vand.u32 $0x3FF, v9  }
0xf8: {  	v19 =	vand.u32 $0x3FE, v10;
	v9 =	vld [tilespmem:s17+$0x0];
	v10 =	vor.u32 v0, v15  }
0xf9: {  	v11 =	vld [tilespmem:s17+$0xFFFFFF80];
	v12 =	vor.u32 v0, v19;
	_ =	sdelay $0x3  }
0xfa: {  	[tilespmem:v10+s26+$0x0] =	vst.idx.msk $0xffff, v9  }
0xfb: {  	[tilespmem:v12+s26+$0x0] =	vst.idx.msk $0xffff, v11;
	v10 =	vor.u32 v2, v15;
	v9 =	vld [tilespmem:s17+$0x10]  }
0xfc: {  	v12 =	vor.u32 v2, v19;
	v11 =	vld [tilespmem:s17+$0xFFFFFF90];
	_ =	sdelay $0x3  }
0xfd: {  	[tilespmem:v10+s26+$0x0] =	vst.idx.msk $0xffff, v9  }
0xfe: {  	[tilespmem:v12+s26+$0x0] =	vst.idx.msk $0xffff, v11;
	v12 =	vor.u32 v3, v15;
	v11 =	vld [tilespmem:s17+$0x20]  }
0xff: {  	s10 =	simm.s32 $0x3;
	v14 =	vor.u32 v3, v19;
	v13 =	vld [tilespmem:s17+$0xFFFFFFA0]  }
0x100: {  	s16 =	simm.s32 $0x2;
	v9 =	vor.u32 s10, v1  }
0x101: {  	v10 =	vor.u32 s16, v1;
	s16 =	simm.s32 $0x4D80;
	v9 =	vand.u32 $0x3FF, v9  }
0x102: {  	v10 =	vand.u32 $0x3FE, v10;
	v16 =	vld [tilespmem:s16+$0x0];
	v17 =	vor.u32 v0, v9  }
0x103: {  	v18 =	vld [tilespmem:s16+$0xFFFFFF80];
	v20 =	vor.u32 v0, v10;
	[tilespmem:v12+s26+$0x0] =	vst.idx.msk $0xffff, v11  }
0x104: {  	[tilespmem:v14+s26+$0x0] =	vst.idx.msk $0xffff, v13;
	v12 =	vor.u32 v4, v15;
	v11 =	vld [tilespmem:s17+$0x30]  }
0x105: {  	v14 =	vor.u32 v4, v19;
	v13 =	vld [tilespmem:s17+$0xFFFFFFB0];
	_ =	sdelay $0x1  }
0x106: {  	[tilespmem:v17+s26+$0x0] =	vst.idx.msk $0xffff, v16  }
0x107: {  	[tilespmem:v20+s26+$0x0] =	vst.idx.msk $0xffff, v18;
	v17 =	vor.u32 v2, v9;
	v16 =	vld [tilespmem:s16+$0x10]  }
0x108: {  	v20 =	vor.u32 v2, v10;
	v18 =	vld [tilespmem:s16+$0xFFFFFF90];
	[tilespmem:v12+s26+$0x0] =	vst.idx.msk $0xffff, v11  }
0x109: {  	[tilespmem:v14+s26+$0x0] =	vst.idx.msk $0xffff, v13;
	v12 =	vor.u32 v5, v15;
	v11 =	vld [tilespmem:s17+$0x40]  }
0x10a: {  	v14 =	vor.u32 v5, v19;
	v13 =	vld [tilespmem:s17+$0xFFFFFFC0];
	_ =	sdelay $0x1  }
0x10b: {  	[tilespmem:v17+s26+$0x0] =	vst.idx.msk $0xffff, v16  }
0x10c: {  	[tilespmem:v20+s26+$0x0] =	vst.idx.msk $0xffff, v18;
	v17 =	vor.u32 v3, v9;
	v16 =	vld [tilespmem:s16+$0x20]  }
0x10d: {  	s9 =	simm.s32 $0x5;
	v20 =	vor.u32 v3, v10;
	v18 =	vld [tilespmem:s16+$0xFFFFFFA0];
	[tilespmem:v12+s26+$0x0] =	vst.idx.msk $0xffff, v11  }
0x10e: {  	s10 =	simm.s32 $0x4;
	v11 =	vor.u32 s9, v1;
	[tilespmem:v14+s26+$0x0] =	vst.idx.msk $0xffff, v13;
	v14 =	vor.u32 v6, v15;
	v13 =	vld [tilespmem:s17+$0x50]  }
0x10f: {  	s3 =	simm.s32 $0x4E80;
	v22 =	vor.u32 v6, v19;
	v12 =	vor.u32 s10, v1;
	v11 =	vand.u32 $0x3FF, v11;
	v21 =	vld [tilespmem:s17+$0xFFFFFFD0]  }
0x110: {  	v23 =	vld [tilespmem:s3+$0x0];
	v12 =	vand.u32 $0x3FE, v12;
	v24 =	vor.u32 v0, v11  }
0x111: {  	v25 =	vld [tilespmem:s3+$0xFFFFFF80];
	[tilespmem:v17+s26+$0x0] =	vst.idx.msk $0xffff, v16;
	v26 =	vor.u32 v0, v12  }
0x112: {  	[tilespmem:v20+s26+$0x0] =	vst.idx.msk $0xffff, v18;
	v17 =	vor.u32 v4, v9;
	v16 =	vld [tilespmem:s16+$0x30]  }
0x113: {  	v20 =	vor.u32 v4, v10;
	v18 =	vld [tilespmem:s16+$0xFFFFFFB0];
	[tilespmem:v14+s26+$0x0] =	vst.idx.msk $0xffff, v13  }
0x114: {  	[tilespmem:v22+s26+$0x0] =	vst.idx.msk $0xffff, v21;
	v14 =	vor.u32 v7, v15;
	v13 =	vld [tilespmem:s17+$0x60]  }
0x115: {  	v22 =	vor.u32 v7, v19;
	[tilespmem:v24+s26+$0x0] =	vst.idx.msk $0xffff, v23;
	v21 =	vld [tilespmem:s17+$0xFFFFFFE0]  }
0x116: {  	v62 =	vor.u32 v2, v11;
	[tilespmem:v26+s26+$0x0] =	vst.idx.msk $0xffff, v25;
	v23 =	vld [tilespmem:s3+$0x10]  }
0x117: {  	v63 =	vor.u32 v2, v12;
	[tilespmem:v17+s26+$0x0] =	vst.idx.msk $0xffff, v16;
	v25 =	vld [tilespmem:s3+$0xFFFFFF90]  }
0x118: {  	v28 =	vor.u32 v5, v9;
	[tilespmem:v20+s26+$0x0] =	vst.idx.msk $0xffff, v18;
	v27 =	vld [tilespmem:s16+$0x40]  }
0x119: {  	v18 =	vor.u32 v5, v10;
	v17 =	vld [tilespmem:s16+$0xFFFFFFC0];
	[tilespmem:v14+s26+$0x0] =	vst.idx.msk $0xffff, v13  }
0x11a: {  	v16 =	vor.u32 v8, v15;
	[tilespmem:v22+s26+$0x0] =	vst.idx.msk $0xffff, v21;
	v14 =	vld [tilespmem:s17+$0x70]  }
0x11b: {  	v15 =	vor.u32 v8, v19;
	[tilespmem:v62+s26+$0x0] =	vst.idx.msk $0xffff, v23;
	v13 =	vld [tilespmem:s17+$0xFFFFFFF0]  }
0x11c: {  	s5 =	simm.s32 $0x6;
	v20 =	vor.u32 v3, v11;
	[tilespmem:v63+s26+$0x0] =	vst.idx.msk $0xffff, v25;
	v19 =	vld [tilespmem:s3+$0x20]  }
0x11d: {  	s10 =	simm.s32 $0x7;
	s9 =	simm.s32 $0x8;
	v22 =	vor.u32 v3, v12;
	[tilespmem:v28+s26+$0x0] =	vst.idx.msk $0xffff, v27;
	s17 =	simm.s32 $0x4E80;
	v21 =	vld [tilespmem:s3+$0xFFFFFFA0]  }
.LBB2_11:
0x11e: {  	p0 =	slt.u32 s9, $0x7E;
	v23 =	vor.u32 s10, v1;
	[tilespmem:v18+s26+$0x0] =	vst.idx.msk $0xffff, v17;
	v17 =	vld [tilespmem:s16+$0x50];
	v18 =	vor.u32 v6, v9  }
0x11f: {  	v24 =	vor.u32 s5, v1;
	s3 =	sadd.s32 $0x100, s3;
	v26 =	vor.u32 v6, v10;
	s5 =	smov.u32 s9;
	v23 =	vand.u32 $0x3FF, v23;
	v25 =	vld [tilespmem:s16+$0xFFFFFFD0];
	[tilespmem:v16+s26+$0x0] =	vst.idx.msk $0xffff, v14  }
0x120: {  	v24 =	vand.u32 $0x3FE, v24;
	v14 =	vld [tilespmem:s3+$0x0];
	v16 =	vor.u32 v0, v23;
	[tilespmem:v15+s26+$0x0] =	vst.idx.msk $0xffff, v13  }
0x121: {  	v15 =	vor.u32 v0, v24;
	v13 =	vld [tilespmem:s3+$0xFFFFFF80];
	[tilespmem:v20+s26+$0x0] =	vst.idx.msk $0xffff, v19  }
0x122: {  	v20 =	vor.u32 v4, v11;
	[tilespmem:v22+s26+$0x0] =	vst.idx.msk $0xffff, v21;
	v19 =	vld [tilespmem:s17+$0x30]  }
0x123: {  	v22 =	vor.u32 v4, v12;
	v21 =	vld [tilespmem:s17+$0xFFFFFFB0];
	[tilespmem:v18+s26+$0x0] =	vst.idx.msk $0xffff, v17  }
0x124: {  	[tilespmem:v26+s26+$0x0] =	vst.idx.msk $0xffff, v25;
	v25 =	vld [tilespmem:s16+$0x60];
	v26 =	vor.u32 v7, v9  }
0x125: {  	[tilespmem:v16+s26+$0x0] =	vst.idx.msk $0xffff, v14;
	v14 =	vld [tilespmem:s16+$0xFFFFFFE0];
	v16 =	vor.u32 v7, v10  }
0x126: {  	[tilespmem:v15+s26+$0x0] =	vst.idx.msk $0xffff, v13;
	v13 =	vld [tilespmem:s3+$0x10];
	v15 =	vor.u32 v2, v23  }
0x127: {  	v28 =	vor.u32 v2, v24;
	v27 =	vld [tilespmem:s3+$0xFFFFFF90];
	[tilespmem:v20+s26+$0x0] =	vst.idx.msk $0xffff, v19  }
0x128: {  	v30 =	vor.u32 v5, v11;
	[tilespmem:v22+s26+$0x0] =	vst.idx.msk $0xffff, v21;
	v29 =	vld [tilespmem:s17+$0x40]  }
.Ltmp8:
0x129: {  	v18 =	vor.u32 v5, v12;
	v17 =	vld [tilespmem:s17+$0xFFFFFFC0];
	[tilespmem:v26+s26+$0x0] =	vst.idx.msk $0xffff, v25;
	(pc) =	sbr.rel @p0 .LBB2_11-.Ltmp8, $4  }
0x12a: {  	[tilespmem:v16+s26+$0x0] =	vst.idx.msk $0xffff, v14;
	v14 =	vld [tilespmem:s16+$0x70];
	v16 =	vor.u32 v8, v9;
	v9 =	vmov v11;
	v11 =	vmov v23  }
0x12b: {  	[tilespmem:v15+s26+$0x0] =	vst.idx.msk $0xffff, v13;
	v13 =	vld [tilespmem:s16+$0xFFFFFFF0];
	v15 =	vor.u32 v8, v10;
	v10 =	vmov v12;
	v12 =	vmov v24;
	s16 =	smov.u32 s17;
	s17 =	smov.u32 s3  }
0x12c: {  	v20 =	vor.u32 v3, v11;
	[tilespmem:v28+s26+$0x0] =	vst.idx.msk $0xffff, v27;
	v19 =	vld [tilespmem:s3+$0x20]  }
0x12d: {  	s9 =	sadd.s32 $0x2, s9;
	s10 =	sadd.s32 $0x1, s5;
	v22 =	vor.u32 v3, v12;
	v21 =	vld [tilespmem:s3+$0xFFFFFFA0];
	[tilespmem:v30+s26+$0x0] =	vst.idx.msk $0xffff, v29  }
0x12e: {  	v23 =	vor.u32 s10, v1  }
0x12f: {  	v24 =	vor.u32 s5, v1;
	s3 =	sadd.s32 $0x100, s3;
	v23 =	vand.u32 $0x3FF, v23  }
0x130: {  	v24 =	vand.u32 $0x3FE, v24;
	v25 =	vld [tilespmem:s3+$0x0];
	v26 =	vor.u32 v0, v23  }
0x131: {  	v27 =	vld [tilespmem:s3+$0xFFFFFF80];
	v28 =	vor.u32 v0, v24;
	_ =	sdelay $0x3  }
0x132: {  	[tilespmem:v26+s26+$0x0] =	vst.idx.msk $0xffff, v25  }
0x133: {  	v47 =	vor.u32 v2, v23;
	[tilespmem:v28+s26+$0x0] =	vst.idx.msk $0xffff, v27;
	v25 =	vld [tilespmem:s3+$0x10]  }
0x134: {  	v48 =	vor.u32 v2, v24;
	v27 =	vld [tilespmem:s3+$0xFFFFFF90];
	_ =	sdelay $0x3  }
0x135: {  	[tilespmem:v47+s26+$0x0] =	vst.idx.msk $0xffff, v25  }
0x136: {  	v49 =	vor.u32 v3, v23;
	[tilespmem:v48+s26+$0x0] =	vst.idx.msk $0xffff, v27;
	v25 =	vld [tilespmem:s3+$0x20]  }
0x137: {  	v50 =	vor.u32 v3, v24;
	v27 =	vld [tilespmem:s3+$0xFFFFFFA0]  }
0x138: {  	[tilespmem:v20+s26+$0x0] =	vst.idx.msk $0xffff, v19  }
0x139: {  	v20 =	vor.u32 v4, v11;
	[tilespmem:v22+s26+$0x0] =	vst.idx.msk $0xffff, v21;
	v19 =	vld [tilespmem:s17+$0x30]  }
0x13a: {  	v22 =	vor.u32 v4, v12;
	v21 =	vld [tilespmem:s17+$0xFFFFFFB0]  }
0x13b: {  	[tilespmem:v49+s26+$0x0] =	vst.idx.msk $0xffff, v25  }
0x13c: {  	v51 =	vor.u32 v4, v23;
	[tilespmem:v50+s26+$0x0] =	vst.idx.msk $0xffff, v27;
	v25 =	vld [tilespmem:s3+$0x30]  }
0x13d: {  	[tilespmem:v18+s26+$0x0] =	vst.idx.msk $0xffff, v17;
	v52 =	vor.u32 v4, v24;
	v27 =	vld [tilespmem:s3+$0xFFFFFFB0]  }
0x13e: {  	[tilespmem:v20+s26+$0x0] =	vst.idx.msk $0xffff, v19  }
0x13f: {  	v18 =	vor.u32 v5, v11;
	[tilespmem:v22+s26+$0x0] =	vst.idx.msk $0xffff, v21;
	v17 =	vld [tilespmem:s17+$0x40]  }
0x140: {  	[tilespmem:v16+s26+$0x0] =	vst.idx.msk $0xffff, v14;
	v20 =	vor.u32 v5, v12;
	v19 =	vld [tilespmem:s17+$0xFFFFFFC0]  }
0x141: {  	v53 =	vld [tilespmem:s16+$0x50];
	v54 =	vor.u32 v6, v9;
	[tilespmem:v51+s26+$0x0] =	vst.idx.msk $0xffff, v25  }
0x142: {  	v22 =	vor.u32 v5, v23;
	[tilespmem:v52+s26+$0x0] =	vst.idx.msk $0xffff, v27;
	v21 =	vld [tilespmem:s3+$0x40]  }
0x143: {  	v16 =	vor.u32 v5, v24;
	[tilespmem:v15+s26+$0x0] =	vst.idx.msk $0xffff, v13;
	v14 =	vld [tilespmem:s3+$0xFFFFFFC0]  }
0x144: {  	v13 =	vld [tilespmem:s16+$0xFFFFFFD0];
	v15 =	vor.u32 v6, v10;
	[tilespmem:v18+s26+$0x0] =	vst.idx.msk $0xffff, v17  }
0x145: {  	v18 =	vor.u32 v6, v11;
	[tilespmem:v20+s26+$0x0] =	vst.idx.msk $0xffff, v19;
	v17 =	vld [tilespmem:s17+$0x50]  }
0x146: {  	[tilespmem:v54+s26+$0x0] =	vst.idx.msk $0xffff, v53;
	v20 =	vor.u32 v6, v12;
	v19 =	vld [tilespmem:s17+$0xFFFFFFD0]  }
0x147: {  	[tilespmem:v22+s26+$0x0] =	vst.idx.msk $0xffff, v21  }
0x148: {  	[tilespmem:v16+s26+$0x0] =	vst.idx.msk $0xffff, v14;
	v16 =	vor.u32 v6, v23;
	v14 =	vld [tilespmem:s3+$0x50]  }
0x149: {  	[tilespmem:v15+s26+$0x0] =	vst.idx.msk $0xffff, v13;
	v22 =	vor.u32 v6, v24;
	v21 =	vld [tilespmem:s3+$0xFFFFFFD0]  }
0x14a: {  	v13 =	vld [tilespmem:s16+$0x60];
	v15 =	vor.u32 v7, v9;
	[tilespmem:v18+s26+$0x0] =	vst.idx.msk $0xffff, v17  }
0x14b: {  	v18 =	vor.u32 v7, v11;
	[tilespmem:v20+s26+$0x0] =	vst.idx.msk $0xffff, v19;
	v17 =	vld [tilespmem:s17+$0x60]  }
0x14c: {  	v20 =	vor.u32 v7, v12;
	v19 =	vld [tilespmem:s17+$0xFFFFFFE0]  }
0x14d: {  	v56 =	vor.u32 v7, v10;
	v55 =	vld [tilespmem:s16+$0xFFFFFFE0];
	[tilespmem:v16+s26+$0x0] =	vst.idx.msk $0xffff, v14  }
0x14e: {  	[tilespmem:v22+s26+$0x0] =	vst.idx.msk $0xffff, v21;
	v16 =	vor.u32 v7, v23;
	v14 =	vld [tilespmem:s3+$0x60]  }
0x14f: {  	[tilespmem:v15+s26+$0x0] =	vst.idx.msk $0xffff, v13;
	v15 =	vor.u32 v7, v24;
	v13 =	vld [tilespmem:s3+$0xFFFFFFE0]  }
0x150: {  	v9 =	vor.u32 v8, v9;
	[tilespmem:v18+s26+$0x0] =	vst.idx.msk $0xffff, v17;
	v21 =	vld [tilespmem:s16+$0x70]  }
0x151: {  	v11 =	vor.u32 v8, v11;
	[tilespmem:v20+s26+$0x0] =	vst.idx.msk $0xffff, v19;
	v17 =	vld [tilespmem:s17+$0x70]  }
0x152: {  	[tilespmem:v56+s26+$0x0] =	vst.idx.msk $0xffff, v55;
	v12 =	vor.u32 v8, v12;
	v18 =	vld [tilespmem:s17+$0xFFFFFFF0]  }
0x153: {  	v10 =	vor.u32 v8, v10;
	v22 =	vld [tilespmem:s16+$0xFFFFFFF0];
	[tilespmem:v16+s26+$0x0] =	vst.idx.msk $0xffff, v14  }
0x154: {  	[tilespmem:v15+s26+$0x0] =	vst.idx.msk $0xffff, v13;
	v14 =	vor.u32 v8, v23;
	v13 =	vld [tilespmem:s3+$0x70]  }
0x155: {  	[tilespmem:v9+s26+$0x0] =	vst.idx.msk $0xffff, v21;
	v15 =	vor.u32 v8, v24;
	v9 =	vld [tilespmem:s3+$0xFFFFFFF0]  }
0x156: {  	s17 =	sor.u32 s15, s6;
	[tilespmem:v11+s26+$0x0] =	vst.idx.msk $0xffff, v17  }
0x157: {  	s15 =	sadd.s32 s17, s14;
	[tilespmem:v12+s26+$0x0] =	vst.idx.msk $0xffff, v18  }
0x158: {  	[tilespmem:v10+s26+$0x0] =	vst.idx.msk $0xffff, v22;
	s3 =	sadd.s32 $0x80000, s15  }
0x159: {  	s3 =	sshrl.u32 s3, $0x3;
	[tilespmem:v14+s26+$0x0] =	vst.idx.msk $0xffff, v13  }
0x15a: {  	p0 =	seq.s32 s1, $0x27;
	s3 =	sadd.s32 s2, s3;
	[tilespmem:v15+s26+$0x0] =	vst.idx.msk $0xffff, v9  }
0x15b: {  	[hbm4b:s3+s22] =	stream.strided.scatter [tilespmem:s26], [sflag:$0x6], $0x4000, s23, s22, $0x38;
	[tilespmem:$0x18C00] =	vst v63  }
0x15c: {  	s3 =	sadd.s32 @!p0 $0x5, s0  }
0x15d: {  	s5 =	sshll.u32 @!p0 s3, $0x4  }
0x15e: {  	s5 =	sand.u32 @!p0 $0x1F80, s5  }
0x15f: {  	v9 =	vld @!p0 [tilespmem:s5+$0x0];
	_ =	sdelay $0x1  }
0x160: {  	s3 =	sand.u32 @!p0 $0x5, s3  }
0x161: {  	s3 =	smul.u32 @!p0 $0x3E8, s3;
	_ =	sdelay $0x1  }
0x162: {  	v9 =	vadd.s32 @!p0 s3, v9  }
0x163: {  	[tilespmem:$0xA80] =	vst @!p0 v9  }
0x164: {  	v9 =	vld @!p0 [tilespmem:s5+$0x10];
	_ =	sdelay $0x4  }
0x165: {  	v9 =	vadd.s32 @!p0 s3, v9  }
0x166: {  	[tilespmem:$0xA90] =	vst @!p0 v9  }
0x167: {  	v9 =	vld @!p0 [tilespmem:s5+$0x20];
	_ =	sdelay $0x4  }
0x168: {  	v9 =	vadd.s32 @!p0 s3, v9  }
0x169: {  	[tilespmem:$0xAA0] =	vst @!p0 v9  }
0x16a: {  	v9 =	vld @!p0 [tilespmem:s5+$0x30];
	_ =	sdelay $0x4  }
0x16b: {  	v9 =	vadd.s32 @!p0 s3, v9  }
0x16c: {  	[tilespmem:$0xAB0] =	vst @!p0 v9  }
0x16d: {  	v9 =	vld @!p0 [tilespmem:s5+$0x40];
	_ =	sdelay $0x4  }
0x16e: {  	v9 =	vadd.s32 @!p0 s3, v9  }
0x16f: {  	[tilespmem:$0xAC0] =	vst @!p0 v9  }
0x170: {  	v9 =	vld @!p0 [tilespmem:s5+$0x50];
	_ =	sdelay $0x4  }
0x171: {  	v9 =	vadd.s32 @!p0 s3, v9  }
0x172: {  	[tilespmem:$0xAD0] =	vst @!p0 v9  }
0x173: {  	v9 =	vld @!p0 [tilespmem:s5+$0x60];
	_ =	sdelay $0x4  }
0x174: {  	v9 =	vadd.s32 @!p0 s3, v9  }
0x175: {  	[tilespmem:$0xAE0] =	vst @!p0 v9  }
0x176: {  	v9 =	vld @!p0 [tilespmem:s5+$0x70];
	_ =	sdelay $0x4  }
0x177: {  	v9 =	vadd.s32 @!p0 s3, v9  }
0x178: {  	s9 =	simm.s32 @!p0 $0x4C00;
	s5 =	simm.s32 @!p0 $0xA80;
	s3 =	simm.s32 @!p0 $0x80;
	[tilespmem:$0xAF0] =	vst @!p0 v9  }
0x179: {  	[tilespmem:s9], [sflag:$0x2] =	stream.indirect.gather @!p0 [hbm4b:s4+s3], $0x80, s5, s3, $0xb8;
	[tilespmem:$0x18C00] =	vst v63  }
0x17a: {  	_ =	swait.ge [sflag:s28], $0x4000  }
0x17b: {  	[sflag:s28] =	ssyncset.done $0x0  }
0x17c: {  	[sflag:s28] =	ssyncadd.s32 $0xFFFFC000  }
0x17d: {  	s5 =	simm.s32 $0x1;
	_ =	swait.ge [sflag:s29], $0x4000  }
0x17e: {  	s9 =	simm.s32 $0x0;
	v9 =	vor.u32 s5, v1;
	[sflag:s29] =	ssyncset.done $0x0  }
0x17f: {  	s17 =	simm.s32 $0x8C80;
	v10 =	vor.u32 s9, v1;
	v15 =	vand.u32 $0x3FF, v9;
	[sflag:s29] =	ssyncadd.s32 $0xFFFFC000  }
0x180: {  	v19 =	vand.u32 $0x3FE, v10;
	v10 =	vor.u32 v0, v15;
	v9 =	vld [tilespmem:s17+$0x0]  }
0x181: {  	v12 =	vor.u32 v0, v19;
	v11 =	vld [tilespmem:s17+$0xFFFFFF80];
	_ =	sdelay $0x3  }
0x182: {  	[tilespmem:v10+s21+$0x0] =	vst.idx.msk $0xffff, v9  }
0x183: {  	[tilespmem:v12+s21+$0x0] =	vst.idx.msk $0xffff, v11;
	v10 =	vor.u32 v2, v15;
	v9 =	vld [tilespmem:s17+$0x10]  }
0x184: {  	v12 =	vor.u32 v2, v19;
	v11 =	vld [tilespmem:s17+$0xFFFFFF90];
	_ =	sdelay $0x3  }
0x185: {  	[tilespmem:v10+s21+$0x0] =	vst.idx.msk $0xffff, v9  }
0x186: {  	[tilespmem:v12+s21+$0x0] =	vst.idx.msk $0xffff, v11;
	v12 =	vor.u32 v3, v15;
	v11 =	vld [tilespmem:s17+$0x20]  }
0x187: {  	s10 =	simm.s32 $0x3;
	v14 =	vor.u32 v3, v19;
	v13 =	vld [tilespmem:s17+$0xFFFFFFA0]  }
0x188: {  	s16 =	simm.s32 $0x2;
	v9 =	vor.u32 s10, v1  }
0x189: {  	v10 =	vor.u32 s16, v1;
	s16 =	simm.s32 $0x8D80;
	v9 =	vand.u32 $0x3FF, v9  }
0x18a: {  	v10 =	vand.u32 $0x3FE, v10;
	v16 =	vld [tilespmem:s16+$0x0];
	v17 =	vor.u32 v0, v9  }
0x18b: {  	v18 =	vld [tilespmem:s16+$0xFFFFFF80];
	v20 =	vor.u32 v0, v10;
	[tilespmem:v12+s21+$0x0] =	vst.idx.msk $0xffff, v11  }
0x18c: {  	[tilespmem:v14+s21+$0x0] =	vst.idx.msk $0xffff, v13;
	v12 =	vor.u32 v4, v15;
	v11 =	vld [tilespmem:s17+$0x30]  }
0x18d: {  	v14 =	vor.u32 v4, v19;
	v13 =	vld [tilespmem:s17+$0xFFFFFFB0];
	_ =	sdelay $0x1  }
0x18e: {  	[tilespmem:v17+s21+$0x0] =	vst.idx.msk $0xffff, v16  }
0x18f: {  	[tilespmem:v20+s21+$0x0] =	vst.idx.msk $0xffff, v18;
	v17 =	vor.u32 v2, v9;
	v16 =	vld [tilespmem:s16+$0x10]  }
0x190: {  	v20 =	vor.u32 v2, v10;
	v18 =	vld [tilespmem:s16+$0xFFFFFF90];
	[tilespmem:v12+s21+$0x0] =	vst.idx.msk $0xffff, v11  }
0x191: {  	[tilespmem:v14+s21+$0x0] =	vst.idx.msk $0xffff, v13;
	v12 =	vor.u32 v5, v15;
	v11 =	vld [tilespmem:s17+$0x40]  }
0x192: {  	v14 =	vor.u32 v5, v19;
	v13 =	vld [tilespmem:s17+$0xFFFFFFC0];
	_ =	sdelay $0x1  }
0x193: {  	[tilespmem:v17+s21+$0x0] =	vst.idx.msk $0xffff, v16  }
0x194: {  	[tilespmem:v20+s21+$0x0] =	vst.idx.msk $0xffff, v18;
	v17 =	vor.u32 v3, v9;
	v16 =	vld [tilespmem:s16+$0x20]  }
0x195: {  	s9 =	simm.s32 $0x5;
	v20 =	vor.u32 v3, v10;
	v18 =	vld [tilespmem:s16+$0xFFFFFFA0];
	[tilespmem:v12+s21+$0x0] =	vst.idx.msk $0xffff, v11  }
0x196: {  	s10 =	simm.s32 $0x4;
	v11 =	vor.u32 s9, v1;
	[tilespmem:v14+s21+$0x0] =	vst.idx.msk $0xffff, v13;
	v14 =	vor.u32 v6, v15;
	v13 =	vld [tilespmem:s17+$0x50]  }
0x197: {  	s3 =	simm.s32 $0x8E80;
	v22 =	vor.u32 v6, v19;
	v12 =	vor.u32 s10, v1;
	v11 =	vand.u32 $0x3FF, v11;
	v21 =	vld [tilespmem:s17+$0xFFFFFFD0]  }
0x198: {  	v23 =	vld [tilespmem:s3+$0x0];
	v12 =	vand.u32 $0x3FE, v12;
	v57 =	vor.u32 v0, v11  }
0x199: {  	v58 =	vld [tilespmem:s3+$0xFFFFFF80];
	[tilespmem:v17+s21+$0x0] =	vst.idx.msk $0xffff, v16;
	v59 =	vor.u32 v0, v12  }
0x19a: {  	[tilespmem:v20+s21+$0x0] =	vst.idx.msk $0xffff, v18;
	v17 =	vor.u32 v4, v9;
	v16 =	vld [tilespmem:s16+$0x30]  }
0x19b: {  	v20 =	vor.u32 v4, v10;
	v18 =	vld [tilespmem:s16+$0xFFFFFFB0];
	[tilespmem:v14+s21+$0x0] =	vst.idx.msk $0xffff, v13  }
0x19c: {  	[tilespmem:v22+s21+$0x0] =	vst.idx.msk $0xffff, v21;
	v14 =	vor.u32 v7, v15;
	v13 =	vld [tilespmem:s17+$0x60]  }
0x19d: {  	v22 =	vor.u32 v7, v19;
	[tilespmem:v57+s21+$0x0] =	vst.idx.msk $0xffff, v23;
	v21 =	vld [tilespmem:s17+$0xFFFFFFE0]  }
0x19e: {  	v60 =	vor.u32 v2, v11;
	[tilespmem:v59+s21+$0x0] =	vst.idx.msk $0xffff, v58;
	v23 =	vld [tilespmem:s3+$0x10]  }
0x19f: {  	v61 =	vor.u32 v2, v12;
	[tilespmem:v17+s21+$0x0] =	vst.idx.msk $0xffff, v16;
	v25 =	vld [tilespmem:s3+$0xFFFFFF90]  }
0x1a0: {  	v63 =	vor.u32 v5, v9;
	[tilespmem:v20+s21+$0x0] =	vst.idx.msk $0xffff, v18;
	v62 =	vld [tilespmem:s16+$0x40]  }
0x1a1: {  	v18 =	vor.u32 v5, v10;
	v17 =	vld [tilespmem:s16+$0xFFFFFFC0];
	[tilespmem:v14+s21+$0x0] =	vst.idx.msk $0xffff, v13  }
0x1a2: {  	v16 =	vor.u32 v8, v15;
	[tilespmem:v22+s21+$0x0] =	vst.idx.msk $0xffff, v21;
	v14 =	vld [tilespmem:s17+$0x70]  }
0x1a3: {  	v15 =	vor.u32 v8, v19;
	[tilespmem:v60+s21+$0x0] =	vst.idx.msk $0xffff, v23;
	v13 =	vld [tilespmem:s17+$0xFFFFFFF0]  }
0x1a4: {  	s5 =	simm.s32 $0x6;
	v20 =	vor.u32 v3, v11;
	[tilespmem:v61+s21+$0x0] =	vst.idx.msk $0xffff, v25;
	v19 =	vld [tilespmem:s3+$0x20]  }
0x1a5: {  	s10 =	simm.s32 $0x7;
	s9 =	simm.s32 $0x8;
	v22 =	vor.u32 v3, v12;
	[tilespmem:v63+s21+$0x0] =	vst.idx.msk $0xffff, v62;
	s17 =	simm.s32 $0x8E80;
	v21 =	vld [tilespmem:s3+$0xFFFFFFA0]  }
.LBB2_13:
0x1a6: {  	p1 =	slt.u32 s9, $0x7E;
	v23 =	vor.u32 s10, v1;
	[tilespmem:v18+s21+$0x0] =	vst.idx.msk $0xffff, v17;
	v17 =	vld [tilespmem:s16+$0x50];
	v18 =	vor.u32 v6, v9  }
0x1a7: {  	v24 =	vor.u32 s5, v1;
	s3 =	sadd.s32 $0x100, s3;
	v26 =	vor.u32 v6, v10;
	s5 =	smov.u32 s9;
	v23 =	vand.u32 $0x3FF, v23;
	v25 =	vld [tilespmem:s16+$0xFFFFFFD0];
	[tilespmem:v16+s21+$0x0] =	vst.idx.msk $0xffff, v14  }
0x1a8: {  	v24 =	vand.u32 $0x3FE, v24;
	v14 =	vld [tilespmem:s3+$0x0];
	v16 =	vor.u32 v0, v23;
	[tilespmem:v15+s21+$0x0] =	vst.idx.msk $0xffff, v13  }
0x1a9: {  	v15 =	vor.u32 v0, v24;
	v13 =	vld [tilespmem:s3+$0xFFFFFF80];
	[tilespmem:v20+s21+$0x0] =	vst.idx.msk $0xffff, v19  }
0x1aa: {  	v20 =	vor.u32 v4, v11;
	[tilespmem:v22+s21+$0x0] =	vst.idx.msk $0xffff, v21;
	v19 =	vld [tilespmem:s17+$0x30]  }
0x1ab: {  	v22 =	vor.u32 v4, v12;
	v21 =	vld [tilespmem:s17+$0xFFFFFFB0];
	[tilespmem:v18+s21+$0x0] =	vst.idx.msk $0xffff, v17  }
0x1ac: {  	[tilespmem:v26+s21+$0x0] =	vst.idx.msk $0xffff, v25;
	v25 =	vld [tilespmem:s16+$0x60];
	v26 =	vor.u32 v7, v9  }
0x1ad: {  	[tilespmem:v16+s21+$0x0] =	vst.idx.msk $0xffff, v14;
	v14 =	vld [tilespmem:s16+$0xFFFFFFE0];
	v16 =	vor.u32 v7, v10  }
0x1ae: {  	[tilespmem:v15+s21+$0x0] =	vst.idx.msk $0xffff, v13;
	v13 =	vld [tilespmem:s3+$0x10];
	v15 =	vor.u32 v2, v23  }
0x1af: {  	v28 =	vor.u32 v2, v24;
	v27 =	vld [tilespmem:s3+$0xFFFFFF90];
	[tilespmem:v20+s21+$0x0] =	vst.idx.msk $0xffff, v19  }
0x1b0: {  	v30 =	vor.u32 v5, v11;
	[tilespmem:v22+s21+$0x0] =	vst.idx.msk $0xffff, v21;
	v29 =	vld [tilespmem:s17+$0x40]  }
.Ltmp9:
0x1b1: {  	v18 =	vor.u32 v5, v12;
	v17 =	vld [tilespmem:s17+$0xFFFFFFC0];
	[tilespmem:v26+s21+$0x0] =	vst.idx.msk $0xffff, v25;
	(pc) =	sbr.rel @p1 .LBB2_13-.Ltmp9, $4  }
0x1b2: {  	[tilespmem:v16+s21+$0x0] =	vst.idx.msk $0xffff, v14;
	v14 =	vld [tilespmem:s16+$0x70];
	v16 =	vor.u32 v8, v9;
	v9 =	vmov v11;
	v11 =	vmov v23  }
0x1b3: {  	[tilespmem:v15+s21+$0x0] =	vst.idx.msk $0xffff, v13;
	v13 =	vld [tilespmem:s16+$0xFFFFFFF0];
	v15 =	vor.u32 v8, v10;
	v10 =	vmov v12;
	v12 =	vmov v24;
	s16 =	smov.u32 s17;
	s17 =	smov.u32 s3  }
0x1b4: {  	v20 =	vor.u32 v3, v11;
	[tilespmem:v28+s21+$0x0] =	vst.idx.msk $0xffff, v27;
	v19 =	vld [tilespmem:s3+$0x20]  }
0x1b5: {  	s9 =	sadd.s32 $0x2, s9;
	s10 =	sadd.s32 $0x1, s5;
	v22 =	vor.u32 v3, v12;
	v21 =	vld [tilespmem:s3+$0xFFFFFFA0];
	[tilespmem:v30+s21+$0x0] =	vst.idx.msk $0xffff, v29  }
0x1b6: {  	v23 =	vor.u32 s10, v1  }
0x1b7: {  	v24 =	vor.u32 s5, v1;
	s3 =	sadd.s32 $0x100, s3;
	v23 =	vand.u32 $0x3FF, v23  }
0x1b8: {  	v24 =	vand.u32 $0x3FE, v24;
	v25 =	vld [tilespmem:s3+$0x0];
	v26 =	vor.u32 v0, v23  }
0x1b9: {  	v27 =	vld [tilespmem:s3+$0xFFFFFF80];
	v28 =	vor.u32 v0, v24;
	_ =	sdelay $0x3  }
0x1ba: {  	[tilespmem:v26+s21+$0x0] =	vst.idx.msk $0xffff, v25  }
0x1bb: {  	v47 =	vor.u32 v2, v23;
	[tilespmem:v28+s21+$0x0] =	vst.idx.msk $0xffff, v27;
	v25 =	vld [tilespmem:s3+$0x10]  }
0x1bc: {  	v48 =	vor.u32 v2, v24;
	v27 =	vld [tilespmem:s3+$0xFFFFFF90];
	_ =	sdelay $0x3  }
0x1bd: {  	[tilespmem:v47+s21+$0x0] =	vst.idx.msk $0xffff, v25  }
0x1be: {  	v49 =	vor.u32 v3, v23;
	[tilespmem:v48+s21+$0x0] =	vst.idx.msk $0xffff, v27;
	v25 =	vld [tilespmem:s3+$0x20]  }
0x1bf: {  	v50 =	vor.u32 v3, v24;
	v27 =	vld [tilespmem:s3+$0xFFFFFFA0]  }
0x1c0: {  	[tilespmem:v20+s21+$0x0] =	vst.idx.msk $0xffff, v19  }
0x1c1: {  	v20 =	vor.u32 v4, v11;
	[tilespmem:v22+s21+$0x0] =	vst.idx.msk $0xffff, v21;
	v19 =	vld [tilespmem:s17+$0x30]  }
0x1c2: {  	v22 =	vor.u32 v4, v12;
	v21 =	vld [tilespmem:s17+$0xFFFFFFB0]  }
0x1c3: {  	[tilespmem:v49+s21+$0x0] =	vst.idx.msk $0xffff, v25  }
0x1c4: {  	v51 =	vor.u32 v4, v23;
	[tilespmem:v50+s21+$0x0] =	vst.idx.msk $0xffff, v27;
	v25 =	vld [tilespmem:s3+$0x30]  }
0x1c5: {  	[tilespmem:v18+s21+$0x0] =	vst.idx.msk $0xffff, v17;
	v52 =	vor.u32 v4, v24;
	v27 =	vld [tilespmem:s3+$0xFFFFFFB0]  }
0x1c6: {  	[tilespmem:v20+s21+$0x0] =	vst.idx.msk $0xffff, v19  }
0x1c7: {  	v18 =	vor.u32 v5, v11;
	[tilespmem:v22+s21+$0x0] =	vst.idx.msk $0xffff, v21;
	v17 =	vld [tilespmem:s17+$0x40]  }
0x1c8: {  	[tilespmem:v16+s21+$0x0] =	vst.idx.msk $0xffff, v14;
	v20 =	vor.u32 v5, v12;
	v19 =	vld [tilespmem:s17+$0xFFFFFFC0]  }
0x1c9: {  	v53 =	vld [tilespmem:s16+$0x50];
	v54 =	vor.u32 v6, v9;
	[tilespmem:v51+s21+$0x0] =	vst.idx.msk $0xffff, v25  }
0x1ca: {  	v22 =	vor.u32 v5, v23;
	[tilespmem:v52+s21+$0x0] =	vst.idx.msk $0xffff, v27;
	v21 =	vld [tilespmem:s3+$0x40]  }
0x1cb: {  	v16 =	vor.u32 v5, v24;
	[tilespmem:v15+s21+$0x0] =	vst.idx.msk $0xffff, v13;
	v14 =	vld [tilespmem:s3+$0xFFFFFFC0]  }
0x1cc: {  	v13 =	vld [tilespmem:s16+$0xFFFFFFD0];
	v15 =	vor.u32 v6, v10;
	[tilespmem:v18+s21+$0x0] =	vst.idx.msk $0xffff, v17  }
0x1cd: {  	v18 =	vor.u32 v6, v11;
	[tilespmem:v20+s21+$0x0] =	vst.idx.msk $0xffff, v19;
	v17 =	vld [tilespmem:s17+$0x50]  }
0x1ce: {  	[tilespmem:v54+s21+$0x0] =	vst.idx.msk $0xffff, v53;
	v20 =	vor.u32 v6, v12;
	v19 =	vld [tilespmem:s17+$0xFFFFFFD0]  }
0x1cf: {  	[tilespmem:v22+s21+$0x0] =	vst.idx.msk $0xffff, v21  }
0x1d0: {  	[tilespmem:v16+s21+$0x0] =	vst.idx.msk $0xffff, v14;
	v16 =	vor.u32 v6, v23;
	v14 =	vld [tilespmem:s3+$0x50]  }
0x1d1: {  	[tilespmem:v15+s21+$0x0] =	vst.idx.msk $0xffff, v13;
	v22 =	vor.u32 v6, v24;
	v21 =	vld [tilespmem:s3+$0xFFFFFFD0]  }
0x1d2: {  	v13 =	vld [tilespmem:s16+$0x60];
	v15 =	vor.u32 v7, v9;
	[tilespmem:v18+s21+$0x0] =	vst.idx.msk $0xffff, v17  }
0x1d3: {  	v18 =	vor.u32 v7, v11;
	[tilespmem:v20+s21+$0x0] =	vst.idx.msk $0xffff, v19;
	v17 =	vld [tilespmem:s17+$0x60]  }
0x1d4: {  	v20 =	vor.u32 v7, v12;
	v19 =	vld [tilespmem:s17+$0xFFFFFFE0]  }
0x1d5: {  	v56 =	vor.u32 v7, v10;
	v55 =	vld [tilespmem:s16+$0xFFFFFFE0];
	[tilespmem:v16+s21+$0x0] =	vst.idx.msk $0xffff, v14  }
0x1d6: {  	[tilespmem:v22+s21+$0x0] =	vst.idx.msk $0xffff, v21;
	v16 =	vor.u32 v7, v23;
	v14 =	vld [tilespmem:s3+$0x60]  }
0x1d7: {  	[tilespmem:v15+s21+$0x0] =	vst.idx.msk $0xffff, v13;
	v15 =	vor.u32 v7, v24;
	v13 =	vld [tilespmem:s3+$0xFFFFFFE0]  }
0x1d8: {  	v9 =	vor.u32 v8, v9;
	[tilespmem:v18+s21+$0x0] =	vst.idx.msk $0xffff, v17;
	v21 =	vld [tilespmem:s16+$0x70]  }
0x1d9: {  	v11 =	vor.u32 v8, v11;
	[tilespmem:v20+s21+$0x0] =	vst.idx.msk $0xffff, v19;
	v17 =	vld [tilespmem:s17+$0x70]  }
0x1da: {  	[tilespmem:v56+s21+$0x0] =	vst.idx.msk $0xffff, v55;
	v12 =	vor.u32 v8, v12;
	v18 =	vld [tilespmem:s17+$0xFFFFFFF0]  }
0x1db: {  	v10 =	vor.u32 v8, v10;
	v22 =	vld [tilespmem:s16+$0xFFFFFFF0];
	[tilespmem:v16+s21+$0x0] =	vst.idx.msk $0xffff, v14  }
0x1dc: {  	[tilespmem:v15+s21+$0x0] =	vst.idx.msk $0xffff, v13;
	v14 =	vor.u32 v8, v23;
	v13 =	vld [tilespmem:s3+$0x70]  }
0x1dd: {  	[tilespmem:v9+s21+$0x0] =	vst.idx.msk $0xffff, v21;
	v15 =	vor.u32 v8, v24;
	v9 =	vld [tilespmem:s3+$0xFFFFFFF0]  }
0x1de: {  	[tilespmem:v11+s21+$0x0] =	vst.idx.msk $0xffff, v17  }
0x1df: {  	[tilespmem:v12+s21+$0x0] =	vst.idx.msk $0xffff, v18  }
0x1e0: {  	s15 =	sadd.s32 $0x100000, s15;
	[tilespmem:v10+s21+$0x0] =	vst.idx.msk $0xffff, v22  }
0x1e1: {  	s3 =	sshrl.u32 s15, $0x3;
	[tilespmem:v14+s21+$0x0] =	vst.idx.msk $0xffff, v13  }
0x1e2: {  	s3 =	sadd.s32 s2, s3;
	[tilespmem:v15+s21+$0x0] =	vst.idx.msk $0xffff, v9  }
0x1e3: {  	[hbm4b:s3+s22] =	stream.strided.scatter [tilespmem:s21], [sflag:$0x5], $0x4000, s23, s22, $0x38;
	[tilespmem:$0x18C00] =	vst v63  }
0x1e4: {  	s3 =	sadd.s32 @!p0 $0x6, s0  }
0x1e5: {  	s5 =	sshll.u32 @!p0 s3, $0x4  }
0x1e6: {  	s5 =	sand.u32 @!p0 $0x1F80, s5  }
0x1e7: {  	v9 =	vld @!p0 [tilespmem:s5+$0x0];
	_ =	sdelay $0x1  }
0x1e8: {  	s3 =	sand.u32 @!p0 $0x6, s3  }
0x1e9: {  	s3 =	smul.u32 @!p0 $0x3E8, s3;
	_ =	sdelay $0x1  }
0x1ea: {  	v9 =	vadd.s32 @!p0 s3, v9  }
0x1eb: {  	[tilespmem:$0xB00] =	vst @!p0 v9  }
0x1ec: {  	v9 =	vld @!p0 [tilespmem:s5+$0x10];
	_ =	sdelay $0x4  }
0x1ed: {  	v9 =	vadd.s32 @!p0 s3, v9  }
0x1ee: {  	[tilespmem:$0xB10] =	vst @!p0 v9  }
0x1ef: {  	v9 =	vld @!p0 [tilespmem:s5+$0x20];
	_ =	sdelay $0x4  }
0x1f0: {  	v9 =	vadd.s32 @!p0 s3, v9  }
0x1f1: {  	[tilespmem:$0xB20] =	vst @!p0 v9  }
0x1f2: {  	v9 =	vld @!p0 [tilespmem:s5+$0x30];
	_ =	sdelay $0x4  }
0x1f3: {  	v9 =	vadd.s32 @!p0 s3, v9  }
0x1f4: {  	[tilespmem:$0xB30] =	vst @!p0 v9  }
0x1f5: {  	v9 =	vld @!p0 [tilespmem:s5+$0x40];
	_ =	sdelay $0x4  }
0x1f6: {  	v9 =	vadd.s32 @!p0 s3, v9  }
0x1f7: {  	[tilespmem:$0xB40] =	vst @!p0 v9  }
0x1f8: {  	v9 =	vld @!p0 [tilespmem:s5+$0x50];
	_ =	sdelay $0x4  }
0x1f9: {  	v9 =	vadd.s32 @!p0 s3, v9  }
0x1fa: {  	[tilespmem:$0xB50] =	vst @!p0 v9  }
0x1fb: {  	v9 =	vld @!p0 [tilespmem:s5+$0x60];
	_ =	sdelay $0x4  }
0x1fc: {  	v9 =	vadd.s32 @!p0 s3, v9  }
0x1fd: {  	[tilespmem:$0xB60] =	vst @!p0 v9  }
0x1fe: {  	v9 =	vld @!p0 [tilespmem:s5+$0x70];
	_ =	sdelay $0x4  }
0x1ff: {  	v9 =	vadd.s32 @!p0 s3, v9  }
0x200: {  	s9 =	simm.s32 @!p0 $0x8C00;
	s5 =	simm.s32 @!p0 $0xB00;
	s3 =	simm.s32 @!p0 $0x80;
	[tilespmem:$0xB70] =	vst @!p0 v9  }
0x201: {  	[tilespmem:s9], [sflag:$0x3] =	stream.indirect.gather @!p0 [hbm4b:s4+s3], $0x80, s5, s3, $0xb8;
	[tilespmem:$0x18C00] =	vst v63  }
0x202: {  	_ =	swait.ge [sflag:s30], $0x4000  }
0x203: {  	[sflag:s30] =	ssyncset.done $0x0  }
0x204: {  	[sflag:s30] =	ssyncadd.s32 $0xFFFFC000  }
0x205: {  	s16 =	simm.s32 $0x1;
	_ =	swait.ge [sflag:s25], $0x4000  }
0x206: {  	s17 =	simm.s32 $0x0;
	v9 =	vor.u32 s16, v1;
	[sflag:s25] =	ssyncset.done $0x0  }
0x207: {  	v10 =	vor.u32 s17, v1;
	s16 =	simm.s32 $0xCC80;
	v15 =	vand.u32 $0x3FF, v9;
	[sflag:s25] =	ssyncadd.s32 $0xFFFFC000  }
0x208: {  	v19 =	vand.u32 $0x3FE, v10;
	v10 =	vor.u32 v0, v15;
	v9 =	vld [tilespmem:s16+$0x0]  }
0x209: {  	v12 =	vor.u32 v0, v19;
	v11 =	vld [tilespmem:s16+$0xFFFFFF80];
	_ =	sdelay $0x3  }
0x20a: {  	[tilespmem:v10+s26+$0x0] =	vst.idx.msk $0xffff, v9  }
0x20b: {  	[tilespmem:v12+s26+$0x0] =	vst.idx.msk $0xffff, v11;
	v10 =	vor.u32 v2, v15;
	v9 =	vld [tilespmem:s16+$0x10]  }
0x20c: {  	v12 =	vor.u32 v2, v19;
	v11 =	vld [tilespmem:s16+$0xFFFFFF90];
	_ =	sdelay $0x3  }
0x20d: {  	[tilespmem:v10+s26+$0x0] =	vst.idx.msk $0xffff, v9  }
0x20e: {  	[tilespmem:v12+s26+$0x0] =	vst.idx.msk $0xffff, v11;
	v12 =	vor.u32 v3, v15;
	v11 =	vld [tilespmem:s16+$0x20]  }
0x20f: {  	v14 =	vor.u32 v3, v19;
	s5 =	simm.s32 $0x3;
	v13 =	vld [tilespmem:s16+$0xFFFFFFA0]  }
0x210: {  	s9 =	simm.s32 $0x2;
	v9 =	vor.u32 s5, v1  }
0x211: {  	s15 =	simm.s32 $0xCD80;
	v10 =	vor.u32 s9, v1;
	v9 =	vand.u32 $0x3FF, v9  }
0x212: {  	v16 =	vld [tilespmem:s15+$0x0];
	v10 =	vand.u32 $0x3FE, v10;
	v17 =	vor.u32 v0, v9  }
0x213: {  	v18 =	vld [tilespmem:s15+$0xFFFFFF80];
	v20 =	vor.u32 v0, v10;
	[tilespmem:v12+s26+$0x0] =	vst.idx.msk $0xffff, v11  }
0x214: {  	[tilespmem:v14+s26+$0x0] =	vst.idx.msk $0xffff, v13;
	v12 =	vor.u32 v4, v15;
	v11 =	vld [tilespmem:s16+$0x30]  }
0x215: {  	v14 =	vor.u32 v4, v19;
	v13 =	vld [tilespmem:s16+$0xFFFFFFB0];
	_ =	sdelay $0x1  }
0x216: {  	[tilespmem:v17+s26+$0x0] =	vst.idx.msk $0xffff, v16  }
0x217: {  	[tilespmem:v20+s26+$0x0] =	vst.idx.msk $0xffff, v18;
	v17 =	vor.u32 v2, v9;
	v16 =	vld [tilespmem:s15+$0x10]  }
0x218: {  	v20 =	vor.u32 v2, v10;
	v18 =	vld [tilespmem:s15+$0xFFFFFF90];
	[tilespmem:v12+s26+$0x0] =	vst.idx.msk $0xffff, v11  }
0x219: {  	[tilespmem:v14+s26+$0x0] =	vst.idx.msk $0xffff, v13;
	v12 =	vor.u32 v5, v15;
	v11 =	vld [tilespmem:s16+$0x40]  }
0x21a: {  	v14 =	vor.u32 v5, v19;
	v13 =	vld [tilespmem:s16+$0xFFFFFFC0];
	_ =	sdelay $0x1  }
0x21b: {  	[tilespmem:v17+s26+$0x0] =	vst.idx.msk $0xffff, v16  }
0x21c: {  	[tilespmem:v20+s26+$0x0] =	vst.idx.msk $0xffff, v18;
	v17 =	vor.u32 v3, v9;
	v16 =	vld [tilespmem:s15+$0x20]  }
0x21d: {  	s10 =	simm.s32 $0x5;
	v20 =	vor.u32 v3, v10;
	v18 =	vld [tilespmem:s15+$0xFFFFFFA0];
	[tilespmem:v12+s26+$0x0] =	vst.idx.msk $0xffff, v11  }
0x21e: {  	s17 =	simm.s32 $0x4;
	v11 =	vor.u32 s10, v1;
	[tilespmem:v14+s26+$0x0] =	vst.idx.msk $0xffff, v13;
	v14 =	vor.u32 v6, v15;
	v13 =	vld [tilespmem:s16+$0x50]  }
0x21f: {  	v22 =	vor.u32 v6, v19;
	s3 =	simm.s32 $0xCE80;
	v12 =	vor.u32 s17, v1;
	v11 =	vand.u32 $0x3FF, v11;
	v21 =	vld [tilespmem:s16+$0xFFFFFFD0]  }
0x220: {  	v23 =	vld [tilespmem:s3+$0x0];
	v12 =	vand.u32 $0x3FE, v12;
	v57 =	vor.u32 v0, v11  }
0x221: {  	v58 =	vld [tilespmem:s3+$0xFFFFFF80];
	[tilespmem:v17+s26+$0x0] =	vst.idx.msk $0xffff, v16;
	v59 =	vor.u32 v0, v12  }
0x222: {  	[tilespmem:v20+s26+$0x0] =	vst.idx.msk $0xffff, v18;
	v17 =	vor.u32 v4, v9;
	v16 =	vld [tilespmem:s15+$0x30]  }
0x223: {  	v20 =	vor.u32 v4, v10;
	v18 =	vld [tilespmem:s15+$0xFFFFFFB0];
	[tilespmem:v14+s26+$0x0] =	vst.idx.msk $0xffff, v13  }
0x224: {  	[tilespmem:v22+s26+$0x0] =	vst.idx.msk $0xffff, v21;
	v14 =	vor.u32 v7, v15;
	v13 =	vld [tilespmem:s16+$0x60]  }
0x225: {  	v22 =	vor.u32 v7, v19;
	[tilespmem:v57+s26+$0x0] =	vst.idx.msk $0xffff, v23;
	v21 =	vld [tilespmem:s16+$0xFFFFFFE0]  }
0x226: {  	v60 =	vor.u32 v2, v11;
	[tilespmem:v59+s26+$0x0] =	vst.idx.msk $0xffff, v58;
	v23 =	vld [tilespmem:s3+$0x10]  }
0x227: {  	v61 =	vor.u32 v2, v12;
	[tilespmem:v17+s26+$0x0] =	vst.idx.msk $0xffff, v16;
	v25 =	vld [tilespmem:s3+$0xFFFFFF90]  }
0x228: {  	v63 =	vor.u32 v5, v9;
	[tilespmem:v20+s26+$0x0] =	vst.idx.msk $0xffff, v18;
	v62 =	vld [tilespmem:s15+$0x40]  }
0x229: {  	v18 =	vor.u32 v5, v10;
	v17 =	vld [tilespmem:s15+$0xFFFFFFC0];
	[tilespmem:v14+s26+$0x0] =	vst.idx.msk $0xffff, v13  }
0x22a: {  	v16 =	vor.u32 v8, v15;
	[tilespmem:v22+s26+$0x0] =	vst.idx.msk $0xffff, v21;
	v14 =	vld [tilespmem:s16+$0x70]  }
0x22b: {  	v15 =	vor.u32 v8, v19;
	[tilespmem:v60+s26+$0x0] =	vst.idx.msk $0xffff, v23;
	v13 =	vld [tilespmem:s16+$0xFFFFFFF0]  }
0x22c: {  	s5 =	simm.s32 $0x6;
	v20 =	vor.u32 v3, v11;
	[tilespmem:v61+s26+$0x0] =	vst.idx.msk $0xffff, v25;
	v19 =	vld [tilespmem:s3+$0x20]  }
0x22d: {  	s9 =	simm.s32 $0x8;
	s10 =	simm.s32 $0x7;
	v22 =	vor.u32 v3, v12;
	[tilespmem:v63+s26+$0x0] =	vst.idx.msk $0xffff, v62;
	s16 =	simm.s32 $0xCE80;
	v21 =	vld [tilespmem:s3+$0xFFFFFFA0]  }
.LBB2_15:
0x22e: {  	p1 =	slt.u32 s9, $0x7E;
	v23 =	vor.u32 s10, v1;
	[tilespmem:v18+s26+$0x0] =	vst.idx.msk $0xffff, v17;
	v17 =	vld [tilespmem:s15+$0x50];
	v18 =	vor.u32 v6, v9  }
0x22f: {  	v24 =	vor.u32 s5, v1;
	s3 =	sadd.s32 $0x100, s3;
	v26 =	vor.u32 v6, v10;
	s5 =	smov.u32 s9;
	v23 =	vand.u32 $0x3FF, v23;
	v25 =	vld [tilespmem:s15+$0xFFFFFFD0];
	[tilespmem:v16+s26+$0x0] =	vst.idx.msk $0xffff, v14  }
0x230: {  	v24 =	vand.u32 $0x3FE, v24;
	v14 =	vld [tilespmem:s3+$0x0];
	v16 =	vor.u32 v0, v23;
	[tilespmem:v15+s26+$0x0] =	vst.idx.msk $0xffff, v13  }
0x231: {  	v15 =	vor.u32 v0, v24;
	v13 =	vld [tilespmem:s3+$0xFFFFFF80];
	[tilespmem:v20+s26+$0x0] =	vst.idx.msk $0xffff, v19  }
0x232: {  	v20 =	vor.u32 v4, v11;
	[tilespmem:v22+s26+$0x0] =	vst.idx.msk $0xffff, v21;
	v19 =	vld [tilespmem:s16+$0x30]  }
0x233: {  	v22 =	vor.u32 v4, v12;
	v21 =	vld [tilespmem:s16+$0xFFFFFFB0];
	[tilespmem:v18+s26+$0x0] =	vst.idx.msk $0xffff, v17  }
0x234: {  	[tilespmem:v26+s26+$0x0] =	vst.idx.msk $0xffff, v25;
	v25 =	vld [tilespmem:s15+$0x60];
	v26 =	vor.u32 v7, v9  }
0x235: {  	[tilespmem:v16+s26+$0x0] =	vst.idx.msk $0xffff, v14;
	v14 =	vld [tilespmem:s15+$0xFFFFFFE0];
	v16 =	vor.u32 v7, v10  }
0x236: {  	[tilespmem:v15+s26+$0x0] =	vst.idx.msk $0xffff, v13;
	v13 =	vld [tilespmem:s3+$0x10];
	v15 =	vor.u32 v2, v23  }
0x237: {  	v28 =	vor.u32 v2, v24;
	v27 =	vld [tilespmem:s3+$0xFFFFFF90];
	[tilespmem:v20+s26+$0x0] =	vst.idx.msk $0xffff, v19  }
0x238: {  	v30 =	vor.u32 v5, v11;
	[tilespmem:v22+s26+$0x0] =	vst.idx.msk $0xffff, v21;
	v29 =	vld [tilespmem:s16+$0x40]  }
.Ltmp10:
0x239: {  	v18 =	vor.u32 v5, v12;
	v17 =	vld [tilespmem:s16+$0xFFFFFFC0];
	[tilespmem:v26+s26+$0x0] =	vst.idx.msk $0xffff, v25;
	(pc) =	sbr.rel @p1 .LBB2_15-.Ltmp10, $4  }
0x23a: {  	[tilespmem:v16+s26+$0x0] =	vst.idx.msk $0xffff, v14;
	v14 =	vld [tilespmem:s15+$0x70];
	v16 =	vor.u32 v8, v9;
	v9 =	vmov v11;
	v11 =	vmov v23  }
0x23b: {  	[tilespmem:v15+s26+$0x0] =	vst.idx.msk $0xffff, v13;
	v13 =	vld [tilespmem:s15+$0xFFFFFFF0];
	v15 =	vor.u32 v8, v10;
	v10 =	vmov v12;
	v12 =	vmov v24;
	s15 =	smov.u32 s16;
	s16 =	smov.u32 s3  }
0x23c: {  	v20 =	vor.u32 v3, v11;
	[tilespmem:v28+s26+$0x0] =	vst.idx.msk $0xffff, v27;
	v19 =	vld [tilespmem:s3+$0x20]  }
0x23d: {  	s9 =	sadd.s32 $0x2, s9;
	s10 =	sadd.s32 $0x1, s5;
	v22 =	vor.u32 v3, v12;
	v21 =	vld [tilespmem:s3+$0xFFFFFFA0];
	[tilespmem:v30+s26+$0x0] =	vst.idx.msk $0xffff, v29  }
0x23e: {  	v23 =	vor.u32 s10, v1  }
0x23f: {  	v24 =	vor.u32 s5, v1;
	s3 =	sadd.s32 $0x100, s3;
	v23 =	vand.u32 $0x3FF, v23  }
0x240: {  	v24 =	vand.u32 $0x3FE, v24;
	v25 =	vld [tilespmem:s3+$0x0];
	v26 =	vor.u32 v0, v23  }
0x241: {  	v27 =	vld [tilespmem:s3+$0xFFFFFF80];
	v28 =	vor.u32 v0, v24;
	_ =	sdelay $0x3  }
0x242: {  	[tilespmem:v26+s26+$0x0] =	vst.idx.msk $0xffff, v25  }
0x243: {  	v56 =	vor.u32 v2, v23;
	[tilespmem:v28+s26+$0x0] =	vst.idx.msk $0xffff, v27;
	v25 =	vld [tilespmem:s3+$0x10]  }
0x244: {  	v57 =	vor.u32 v2, v24;
	v27 =	vld [tilespmem:s3+$0xFFFFFF90];
	_ =	sdelay $0x3  }
0x245: {  	[tilespmem:v56+s26+$0x0] =	vst.idx.msk $0xffff, v25  }
0x246: {  	v58 =	vor.u32 v3, v23;
	[tilespmem:v57+s26+$0x0] =	vst.idx.msk $0xffff, v27;
	v25 =	vld [tilespmem:s3+$0x20]  }
0x247: {  	v59 =	vor.u32 v3, v24;
	v27 =	vld [tilespmem:s3+$0xFFFFFFA0];
	_ =	sdelay $0x1  }
0x248: {  	[tilespmem:v20+s26+$0x0] =	vst.idx.msk $0xffff, v19  }
0x249: {  	v60 =	vor.u32 v4, v11;
	[tilespmem:v22+s26+$0x0] =	vst.idx.msk $0xffff, v21;
	v19 =	vld [tilespmem:s16+$0x30]  }
0x24a: {  	v61 =	vor.u32 v4, v12;
	v21 =	vld [tilespmem:s16+$0xFFFFFFB0];
	[tilespmem:v58+s26+$0x0] =	vst.idx.msk $0xffff, v25  }
0x24b: {  	v62 =	vor.u32 v4, v23;
	[tilespmem:v59+s26+$0x0] =	vst.idx.msk $0xffff, v27;
	v25 =	vld [tilespmem:s3+$0x30]  }
0x24c: {  	v63 =	vor.u32 v4, v24;
	v27 =	vld [tilespmem:s3+$0xFFFFFFB0]  }
0x24d: {  	[tilespmem:v18+s26+$0x0] =	vst.idx.msk $0xffff, v17  }
0x24e: {  	[tilespmem:v60+s26+$0x0] =	vst.idx.msk $0xffff, v19  }
0x24f: {  	v31 =	vor.u32 v5, v11;
	[tilespmem:v61+s26+$0x0] =	vst.idx.msk $0xffff, v21;
	v30 =	vld [tilespmem:s16+$0x40]  }
0x250: {  	v33 =	vor.u32 v5, v12;
	v32 =	vld [tilespmem:s16+$0xFFFFFFC0];
	[tilespmem:v62+s26+$0x0] =	vst.idx.msk $0xffff, v25  }
0x251: {  	v35 =	vor.u32 v5, v23;
	[tilespmem:v63+s26+$0x0] =	vst.idx.msk $0xffff, v27;
	v34 =	vld [tilespmem:s3+$0x40]  }
0x252: {  	[tilespmem:v16+s26+$0x0] =	vst.idx.msk $0xffff, v14;
	v37 =	vor.u32 v5, v24;
	v36 =	vld [tilespmem:s3+$0xFFFFFFC0]  }
0x253: {  	v38 =	vld [tilespmem:s15+$0x50];
	v39 =	vor.u32 v6, v9;
	[tilespmem:v15+s26+$0x0] =	vst.idx.msk $0xffff, v13  }
0x254: {  	v41 =	vor.u32 v6, v10;
	v40 =	vld [tilespmem:s15+$0xFFFFFFD0];
	[tilespmem:v31+s26+$0x0] =	vst.idx.msk $0xffff, v30  }
0x255: {  	v42 =	vor.u32 v6, v11;
	[tilespmem:v33+s26+$0x0] =	vst.idx.msk $0xffff, v32;
	v17 =	vld [tilespmem:s16+$0x50]  }
0x256: {  	v43 =	vor.u32 v6, v12;
	v19 =	vld [tilespmem:s16+$0xFFFFFFD0];
	[tilespmem:v35+s26+$0x0] =	vst.idx.msk $0xffff, v34  }
0x257: {  	v45 =	vor.u32 v6, v23;
	[tilespmem:v37+s26+$0x0] =	vst.idx.msk $0xffff, v36;
	v44 =	vld [tilespmem:s3+$0x50]  }
0x258: {  	v47 =	vor.u32 v6, v24;
	[tilespmem:v39+s26+$0x0] =	vst.idx.msk $0xffff, v38;
	v46 =	vld [tilespmem:s3+$0xFFFFFFD0]  }
0x259: {  	v49 =	vor.u32 v7, v9;
	[tilespmem:v41+s26+$0x0] =	vst.idx.msk $0xffff, v40;
	v48 =	vld [tilespmem:s15+$0x60]  }
0x25a: {  	v51 =	vor.u32 v7, v10;
	v50 =	vld [tilespmem:s15+$0xFFFFFFE0];
	[tilespmem:v42+s26+$0x0] =	vst.idx.msk $0xffff, v17  }
0x25b: {  	v52 =	vor.u32 v7, v11;
	[tilespmem:v43+s26+$0x0] =	vst.idx.msk $0xffff, v19;
	v17 =	vld [tilespmem:s16+$0x60]  }
0x25c: {  	v53 =	vor.u32 v7, v12;
	v19 =	vld [tilespmem:s16+$0xFFFFFFE0];
	[tilespmem:v45+s26+$0x0] =	vst.idx.msk $0xffff, v44  }
0x25d: {  	v54 =	vor.u32 v7, v23;
	[tilespmem:v47+s26+$0x0] =	vst.idx.msk $0xffff, v46;
	v14 =	vld [tilespmem:s3+$0x60]  }
0x25e: {  	[tilespmem:v49+s26+$0x0] =	vst.idx.msk $0xffff, v48;
	v56 =	vor.u32 v7, v24;
	v55 =	vld [tilespmem:s3+$0xFFFFFFE0]  }
0x25f: {  	v9 =	vor.u32 v8, v9;
	[tilespmem:v51+s26+$0x0] =	vst.idx.msk $0xffff, v50;
	v57 =	vld [tilespmem:s15+$0x70]  }
0x260: {  	v10 =	vor.u32 v8, v10;
	v58 =	vld [tilespmem:s15+$0xFFFFFFF0];
	[tilespmem:v52+s26+$0x0] =	vst.idx.msk $0xffff, v17  }
0x261: {  	v11 =	vor.u32 v8, v11;
	[tilespmem:v53+s26+$0x0] =	vst.idx.msk $0xffff, v19;
	v17 =	vld [tilespmem:s16+$0x70]  }
0x262: {  	v60 =	vor.u32 v8, v12;
	v59 =	vld [tilespmem:s16+$0xFFFFFFF0];
	[tilespmem:v54+s26+$0x0] =	vst.idx.msk $0xffff, v14  }
0x263: {  	v62 =	vor.u32 v8, v23;
	[tilespmem:v56+s26+$0x0] =	vst.idx.msk $0xffff, v55;
	v61 =	vld [tilespmem:s3+$0x70]  }
0x264: {  	[tilespmem:v9+s26+$0x0] =	vst.idx.msk $0xffff, v57;
	v63 =	vor.u32 v8, v24;
	v9 =	vld [tilespmem:s3+$0xFFFFFFF0]  }
0x265: {  	s17 =	sand.u32 $0x1, s1;
	[tilespmem:v10+s26+$0x0] =	vst.idx.msk $0xffff, v58  }
0x266: {  	p1 =	seq.s32 s17, $0x1;
	[tilespmem:v11+s26+$0x0] =	vst.idx.msk $0xffff, v17  }
0x267: {  	[tilespmem:v60+s26+$0x0] =	vst.idx.msk $0xffff, v59;
	s3 =	sadd.s32 @p1 s14, s7  }
0x268: {  	s5 =	simm.s32 @p1 $0x400;
	s3 =	sshrl.u32 @p1 s3, $0x3;
	[tilespmem:v62+s26+$0x0] =	vst.idx.msk $0xffff, v61  }
0x269: {  	s9 =	simm.s32 @p1 $0x8000;
	s10 =	simm.s32 @p1 $0x14C00;
	s3 =	sadd.s32 @p1 s2, s3;
	[tilespmem:v63+s26+$0x0] =	vst.idx.msk $0xffff, v9  }
0x26a: {  	[hbm4b:s3+s5] =	stream.strided.scatter @p1 [tilespmem:s10], [sflag:$0x6], $0x3400, s9, s5, $0x38;
	[tilespmem:$0x18C00] =	vst v63  }
.Ltmp11:
0x26b: {  	_ = 	snop;
	(pc) =	sbr.rel @p0 .LBB2_18-.Ltmp11, $4  }
0x26c: {  	s3 =	sadd.s32 @!p1 s8, s14  }
0x26d: {  	s5 =	simm.s32 @!p1 $0x400;
	s3 =	sshrl.u32 @!p1 s3, $0x3  }
0x26e: {  	s9 =	simm.s32 @!p1 $0x8000;
	s10 =	simm.s32 @!p1 $0x14C00;
	s3 =	sadd.s32 @!p1 s2, s3  }
0x26f: {  	[hbm4b:s3+s5] =	stream.strided.scatter @!p1 [tilespmem:s10], [sflag:$0x6], $0x4000, s9, s5, $0x38;
	[tilespmem:$0x18C00] =	vst v63  }
0x270: {  	s0 =	sadd.s32 $0x7, s0  }
0x271: {  	s3 =	sshll.u32 s0, $0x4  }
0x272: {  	s3 =	sand.u32 $0x1F80, s3  }
0x273: {  	v9 =	vld [tilespmem:s3+$0x0];
	_ =	sdelay $0x1  }
0x274: {  	s0 =	sand.u32 $0x7, s0  }
0x275: {  	s0 =	smul.u32 $0x3E8, s0;
	_ =	sdelay $0x1  }
0x276: {  	v9 =	vadd.s32 s0, v9  }
0x277: {  	[tilespmem:$0xB80] =	vst v9  }
0x278: {  	v9 =	vld [tilespmem:s3+$0x10];
	_ =	sdelay $0x4  }
0x279: {  	v9 =	vadd.s32 s0, v9  }
0x27a: {  	[tilespmem:$0xB90] =	vst v9  }
0x27b: {  	v9 =	vld [tilespmem:s3+$0x20];
	_ =	sdelay $0x4  }
0x27c: {  	v9 =	vadd.s32 s0, v9  }
0x27d: {  	[tilespmem:$0xBA0] =	vst v9  }
0x27e: {  	v9 =	vld [tilespmem:s3+$0x30];
	_ =	sdelay $0x4  }
0x27f: {  	v9 =	vadd.s32 s0, v9  }
0x280: {  	[tilespmem:$0xBB0] =	vst v9  }
0x281: {  	v9 =	vld [tilespmem:s3+$0x40];
	_ =	sdelay $0x4  }
0x282: {  	v9 =	vadd.s32 s0, v9  }
0x283: {  	[tilespmem:$0xBC0] =	vst v9  }
0x284: {  	v9 =	vld [tilespmem:s3+$0x50];
	_ =	sdelay $0x4  }
0x285: {  	v9 =	vadd.s32 s0, v9  }
0x286: {  	[tilespmem:$0xBD0] =	vst v9  }
0x287: {  	v9 =	vld [tilespmem:s3+$0x60];
	_ =	sdelay $0x4  }
0x288: {  	v9 =	vadd.s32 s0, v9  }
0x289: {  	[tilespmem:$0xBE0] =	vst v9  }
0x28a: {  	v9 =	vld [tilespmem:s3+$0x70];
	_ =	sdelay $0x2  }
.Ltmp12:
0x28b: {  	_ = 	snop;
	(pc) =	sbr.rel .LBB2_2-.Ltmp12, $4  }
0x28c: {  	_ = 	snop  }
0x28d: {  	v9 =	vadd.s32 s0, v9  }
0x28e: {  	s1 =	sadd.s32 $0x1, s1;
	[tilespmem:$0xBF0] =	vst v9  }
0x28f: {  	[tilespmem:s19], [sflag:$0x4] =	stream.indirect.gather [hbm4b:s4+s11], $0x80, s18, s11, $0xb8;
	[tilespmem:$0x18C00] =	vst v63  }
.LBB2_19:
0x290: {  	_ =	sfence.sel $0x180000  }
0x291: {  	[bflag:$0x0] =	sbarrier.arrive $0xFFFF  }
0x292: {  	_ =	strace $0x90000047  }
0x293: {  	s0 =	stileid.u32;
	[bflag:$0x2] =	sbarrier.arrive $0xFFFF  }
0x294: {  	p0 =	sne.s32 s0, $0x0;
	s0 =	rddreg [dreg:$0x2]  }
0x295: {  	s0 =	sadd.s32 @!p0 $0x100000, s0  }
0x296: {  	[sflag:s0] =	ssyncadd.tile.s32 @!p0 $0x1;
	_ =	shalt  }
.Lfunc_end2:
_tile_overlayer_lowered:
.L_overlay_start_2:
0x297: {  	(tag) =	ssettag $0x2  }
0x298: {  	s0 =	rddreg [dreg:$0x0];
	s2 =	stileid.u32  }
0x299: {  	s1 =	rddreg [dreg:$0x1];
	p0 =	sne.s32 s2, $0x0  }
0x29a: {  	s3 =	rddreg [dreg:$0x2];
	[bflag:$0x3] =	sbarrier.arrive $0xFFFF;
	s2 =	simm.s32 @!p0 $0x1C07  }
0x29b: {  	[timem:s3], [sflag:s2] =	dma.local @!p0 [hbm:s0], s1  }
0x29c: {  	s0 =	simm.s32 @!p0 $0x7  }
0x29d: {  	_ =	swait.ge @!p0 [sflag:s0], s1  }
0x29e: {  	s1 =	ssub.s32 @!p0 $0x0, s1;
	[sflag:s0] =	ssyncset.done @!p0 $0x0  }
0x29f: {  	[sflag:s0] =	ssyncadd.s32 @!p0 s1  }
0x2a0: {  	[bflag:$0x3] =	sbarrier.arrive $0xFFFF  }
0x2a1: {  	_ =	shalt  }

</sc_bundles>
